<compile_context>
chip_gen: v7x
topology: tpu7x:2x2x1
jax: 0.10.2.dev20260603
libtpu: 0.0.44.dev20260713+nightly
codegen_flags: <defaults>
</compile_context>

<pallas_src>
import functools

import jax
import jax.numpy as jnp
from jax import lax
from jax.experimental import pallas as pl
from jax.experimental.pallas import tpu as pltpu
from jax.experimental.pallas import tpu_sc as plsc

N = 50000
E = 800000
H = 64
HC = 2 * H
F = 32
NQ = 4
NC = 2
NS = 16

EPT = E // NS
B = 80
K = 5
G = B * K
NGRP = EPT // G
ROWS_PT = N // NS
WB = 125
NWB = ROWS_PT // WB

BR = 2000
GRID = N // BR


def _mesh():
  return plsc.VectorSubcoreMesh(
      core_axis_name="c", subcore_axis_name="s", num_cores=NC, num_subcores=NS)


@functools.partial(
    pl.kernel,
    out_type=jax.ShapeDtypeStruct((N, NQ, F), jnp.float32),
    mesh=_mesh(),
    scratch_types=[
        pltpu.VMEM_SHARED((N, F), jnp.float32),
        pltpu.VMEM((G,), jnp.int32),
        pltpu.VMEM((K, B), jnp.int32),
        pltpu.VMEM((K, B, F), jnp.float32),
        pltpu.VMEM((WB, F), jnp.float32),
        pltpu.VMEM((WB, F), jnp.float32),
        pltpu.SemaphoreType.DMA,
        pltpu.SemaphoreType.DMA,
    ],
    compiler_params=pltpu.CompilerParams(use_tc_tiling_on_sc=False),
)
def _sc_aggregate(t4_hbm, src_hbm, dst2_hbm, out_hbm,
                  acc, srcb, dstb, rowsb, zbuf, wbuf, semg, sems):
  cid = lax.axis_index("c")
  sid = lax.axis_index("s")
  ebase = sid * EPT
  d0 = sid * ROWS_PT

  def _zb(i, _):
    zbuf[i, pl.ds(0, 16)] = jnp.zeros((16,), jnp.float32)
    zbuf[i, pl.ds(16, 16)] = jnp.zeros((16,), jnp.float32)
    return _
  lax.fori_loop(0, WB, _zb, None)

  for p in range(2):
    q = 2 * cid + p

    def _zero(k, _):
      pltpu.sync_copy(zbuf, acc.at[pl.ds(d0 + k * WB, WB), :])
      return _
    lax.fori_loop(0, NWB, _zero, None)
    plsc.subcore_barrier()

    def _group(g, _):
      base = ebase + g * G
      pltpu.sync_copy(src_hbm.at[pl.ds(base, G)], srcb)
      pltpu.sync_copy(dst2_hbm.at[pl.ds(base // B, K), :], dstb)

      def _adj(i, _):
        x = srcb[pl.ds(16 * i, 16)]
        srcb[pl.ds(16 * i, 16)] = x * 4 + q
        return _
      lax.fori_loop(0, G // 16, _adj, None)

      gathers = []
      for j in range(K):
        gathers.append(pltpu.async_copy(
            t4_hbm.at[srcb.at[pl.ds(j * B, B)]], rowsb.at[j], semg))
      for cp in gathers:
        cp.wait()
      scatters = []
      for j in range(K):
        scatters.append(pltpu.async_copy(
            rowsb.at[j], acc.at[dstb.at[j]], sems, add=True))
      for cp in scatters:
        cp.wait()
      return _
    lax.fori_loop(0, NGRP, _group, None)
    plsc.subcore_barrier()

    def _wb(k, _):
      pltpu.sync_copy(acc.at[pl.ds(d0 + k * WB, WB), :], wbuf)
      pltpu.sync_copy(wbuf, out_hbm.at[pl.ds(d0 + k * WB, WB), q, :])
      return _
    lax.fori_loop(0, NWB, _wb, None)
    plsc.subcore_barrier()


def _tc_init_msg(s_ref, v_ref, wls, bls, wlv, blv, wblk, bcat, h_ref, t_ref):
  hs = jnp.maximum(jnp.dot(s_ref[...], wls[...],
                           preferred_element_type=jnp.float32) + bls[...], 0.0)
  hv = jnp.maximum(jnp.dot(v_ref[...], wlv[...],
                           preferred_element_type=jnp.float32) + blv[...], 0.0)
  h = jnp.concatenate([hs, hv], axis=1)
  h_ref[...] = h
  t_ref[...] = jnp.dot(h, wblk[...],
                       preferred_element_type=jnp.float32) + bcat[...]


def _tc_resid_msg(h_ref, agg_ref, wblk, bcat, h2_ref, t2_ref):
  h2 = jnp.maximum(h_ref[...] + agg_ref[...], 0.0)
  h2_ref[...] = h2
  t2_ref[...] = jnp.dot(h2, wblk[...],
                        preferred_element_type=jnp.float32) + bcat[...]


def _tc_final(h_ref, agg_ref, out_ref):
  out_ref[...] = jnp.maximum(h_ref[...] + agg_ref[...], 0.0)


def _row_block(width):
  return pl.BlockSpec((BR, width), lambda i: (i, 0))


def _full(shape):
  return pl.BlockSpec(shape, lambda i: tuple(0 for _ in shape))


def kernel(s, v, edge_index, W_lin_s, b_lin_s, W_lin_v, b_lin_v,
           W_msg_s, b_msg_s, W_msg_v, b_msg_v):
  src = edge_index[0].astype(jnp.int32)
  dst2 = edge_index[1].astype(jnp.int32).reshape(E // B, B)

  wblk = jnp.zeros((HC, HC), jnp.float32)
  wblk = wblk.at[:H, :H].set(W_msg_s).at[H:, H:].set(W_msg_v)
  bcat = jnp.concatenate([b_msg_s, b_msg_v]).reshape(1, HC)
  bls = b_lin_s.reshape(1, H)
  blv = b_lin_v.reshape(1, H)

  h, t = pl.pallas_call(
      _tc_init_msg,
      grid=(GRID,),
      in_specs=[_row_block(HC), _row_block(HC),
                _full((HC, H)), _full((1, H)), _full((HC, H)), _full((1, H)),
                _full((HC, HC)), _full((1, HC))],
      out_specs=[_row_block(HC), _row_block(HC)],
      out_shape=[jax.ShapeDtypeStruct((N, HC), jnp.float32),
                 jax.ShapeDtypeStruct((N, HC), jnp.float32)],
  )(s, v, W_lin_s, bls, W_lin_v, blv, wblk, bcat)

  out = None
  for it in range(2):
    agg = _sc_aggregate(t.reshape(NQ * N, F), src, dst2)
    agg = agg.reshape(N, HC)
    if it == 0:
      h, t = pl.pallas_call(
          _tc_resid_msg,
          grid=(GRID,),
          in_specs=[_row_block(HC), _row_block(HC),
                    _full((HC, HC)), _full((1, HC))],
          out_specs=[_row_block(HC), _row_block(HC)],
          out_shape=[jax.ShapeDtypeStruct((N, HC), jnp.float32),
                     jax.ShapeDtypeStruct((N, HC), jnp.float32)],
      )(h, agg, wblk, bcat)
    else:
      out = pl.pallas_call(
          _tc_final,
          grid=(GRID,),
          in_specs=[_row_block(HC), _row_block(HC)],
          out_specs=_row_block(HC),
          out_shape=jax.ShapeDtypeStruct((N, HC), jnp.float32),
      )(h, agg)
  return out

# --- scband reference (transcript-rebuilt; emitter-appended) ---
"""Pipeline reference for scband-gvpstub-28329604284738 (READ-ONLY COPY).

The authoritative reference and input builder live on the scoring server;
editing this copy changes nothing except your own understanding.
"""

import jax, jax.numpy as jnp
import numpy as np

N = 50000
E = 800000
S_IN = 128
V_IN = 128
S_H = 64
V_H = 64
ITERS = 2


def setup_inputs(seed: int = 0) -> dict:
    key = jax.random.key(seed)
    ks = jax.random.split(key, 16)
    s = jax.random.normal(ks[0], (N, S_IN), dtype=jnp.float32)
    v = jax.random.normal(ks[1], (N, V_IN), dtype=jnp.float32)
    edge_index = jax.random.randint(ks[2], (2, E), 0, N, dtype=jnp.int64)
    # parameters (Linear: y = x @ W.T + b, stored here as [in, out] for x @ W)
    def lin(k, fan_in, fan_out):
        bound = 1.0 / np.sqrt(fan_in)
        kw, kb = jax.random.split(k)
        W = jax.random.uniform(kw, (fan_in, fan_out), minval=-bound, maxval=bound, dtype=jnp.float32)
        b = jax.random.uniform(kb, (fan_out,), minval=-bound, maxval=bound, dtype=jnp.float32)
        return W, b
    W_lin_s, b_lin_s = lin(ks[3], S_IN, S_H)
    W_lin_v, b_lin_v = lin(ks[4], V_IN, V_H)
    W_msg_s, b_msg_s = lin(ks[5], S_H, S_H)
    W_msg_v, b_msg_v = lin(ks[6], V_H, V_H)
    return {
        "s": s, "v": v, "edge_index": edge_index,
        "W_lin_s": W_lin_s, "b_lin_s": b_lin_s,
        "W_lin_v": W_lin_v, "b_lin_v": b_lin_v,
        "W_msg_s": W_msg_s, "b_msg_s": b_msg_s,
        "W_msg_v": W_msg_v, "b_msg_v": b_msg_v,
    }


def reference(s, v, edge_index, W_lin_s, b_lin_s, W_lin_v, b_lin_v,
              W_msg_s, b_msg_s, W_msg_v, b_msg_v):
    s = jax.nn.relu(s @ W_lin_s + b_lin_s)
    v = jax.nn.relu(v @ W_lin_v + b_lin_v)
    src = edge_index[0]
    dst = edge_index[1]
    for _ in range(ITERS):
        msg_s = jnp.take(s, src, axis=0) @ W_msg_s + b_msg_s
        msg_v = jnp.take(v, src, axis=0) @ W_msg_v + b_msg_v
        agg_s = jnp.zeros_like(s).at[dst].add(msg_s)
        agg_v = jnp.zeros_like(v).at[dst].add(msg_v)
        s = jax.nn.relu(s + agg_s)
        v = jax.nn.relu(v + agg_v)
    return jnp.concatenate([s, v], axis=-1)

if __name__ == "__main__":
    import jax
    _d = setup_inputs()
    print(jax.jit(kernel)(*tuple(_d.values())))

</pallas_src>

<mosaic_0001>
#map = affine_map<(d0, d1) -> (0, 0)>
#map1 = affine_map<(d0, d1) -> (0)>
#map2 = affine_map<(d0, d1) -> (0, 0, 0)>
module attributes {stable_mosaic.version = 14 : i64} {
  func.func @_sc_aggregate(%arg0: i32, %arg1: i32, %arg2: memref<200000x32xf32, #tpu.memory_space<hbm>>, %arg3: memref<800000xi32, #tpu.memory_space<hbm>>, %arg4: memref<10000x80xi32, #tpu.memory_space<hbm>>, %arg5: memref<50000x4x32xf32, #tpu.memory_space<hbm>>, %arg6: memref<50000x32xf32, #tpu.memory_space<vmem_shared>>, %arg7: memref<400xi32, #tpu.memory_space<vmem>>, %arg8: memref<5x80xi32, #tpu.memory_space<vmem>>, %arg9: memref<5x80x32xf32, #tpu.memory_space<vmem>>, %arg10: memref<125x32xf32, #tpu.memory_space<vmem>>, %arg11: memref<125x32xf32, #tpu.memory_space<vmem>>, %arg12: memref<!tpu.dma_semaphore, #tpu.memory_space<semaphore_mem>>, %arg13: memref<!tpu.dma_semaphore, #tpu.memory_space<semaphore_mem>>) attributes {dimension_semantics = [#tpu.dimension_semantics<core_parallel>, #tpu.dimension_semantics<subcore_parallel>], iteration_bounds = array<i64: 2, 16>, scalar_prefetch = 0 : i64, scratch_operands = 8 : i64, tpu.core_type = #tpu.core_type<sc_vector_subcore>, window_params = [{transform_indices = #map}, {transform_indices = #map1}, {transform_indices = #map}, {transform_indices = #map2}]} {
    %mul3A = arith.constant 50000 : i32
    %mul3A_0 = arith.muli %arg1, %mul3A : i32
    %mul3A_1 = arith.constant 3125 : i32
    %mul3A_2 = arith.muli %arg1, %mul3A_1 : i32
    %scan3A = arith.constant 0 : i32
    %scan3A_3 = arith.constant 125 : i32
    %scan3A_4 = arith.addi %scan3A, %scan3A_3 : i32
    %scan3A_5 = arith.constant 1 : i32
    scf.for %scan3A_49 = %scan3A to %scan3A_4 step %scan3A_5  : i32 {
      %broadcast_in_dim3A = arith.constant 0.000000e+00 : f32
      %broadcast_in_dim3A_50 = vector.broadcast %broadcast_in_dim3A : f32 to vector<16xf32>
      %swap3A = arith.index_cast %scan3A_49 : i32 to index
      %swap3A_51 = arith.constant 0 : index
      %swap3A_52 = tpu.vector_load %arg10[%swap3A, %swap3A_51] {strides = array<i32>} : memref<125x32xf32, #tpu.memory_space<vmem>>, vector<1x16xf32>,
      %swap3A_53 = vector.shape_cast %swap3A_52 : vector<1x16xf32> to vector<16xf32>
      %swap3A_54 = vector.shape_cast %broadcast_in_dim3A_50 : vector<16xf32> to vector<1x16xf32>
      tpu.vector_store %arg10[%swap3A, %swap3A_51], %swap3A_54 {strides = array<i32>} : memref<125x32xf32, #tpu.memory_space<vmem>>, vector<1x16xf32>,
      %broadcast_in_dim3A_55 = arith.constant 0.000000e+00 : f32
      %broadcast_in_dim3A_56 = vector.broadcast %broadcast_in_dim3A_55 : f32 to vector<16xf32>
      %swap3A_57 = arith.index_cast %scan3A_49 : i32 to index
      %swap3A_58 = arith.constant 16 : index
      %swap3A_59 = tpu.vector_load %arg10[%swap3A_57, %swap3A_58] {strides = array<i32>} : memref<125x32xf32, #tpu.memory_space<vmem>>, vector<1x16xf32>,
      %swap3A_60 = vector.shape_cast %swap3A_59 : vector<1x16xf32> to vector<16xf32>
      %swap3A_61 = vector.shape_cast %broadcast_in_dim3A_56 : vector<16xf32> to vector<1x16xf32>
      tpu.vector_store %arg10[%swap3A_57, %swap3A_58], %swap3A_61 {strides = array<i32>} : memref<125x32xf32, #tpu.memory_space<vmem>>, vector<1x16xf32>,
    }
    %scan3A_6 = arith.constant 125 : i32
    %mul3A_7 = arith.constant 2 : i32
    %mul3A_8 = arith.muli %mul3A_7, %arg0 : i32
    %add3A = arith.constant 0 : i32
    %add3A_9 = arith.addi %mul3A_8, %add3A : i32
    %scan3A_10 = arith.constant 0 : i32
    %scan3A_11 = arith.constant 25 : i32
    %scan3A_12 = arith.addi %scan3A_10, %scan3A_11 : i32
    %scan3A_13 = arith.constant 1 : i32
    scf.for %scan3A_49 = %scan3A_10 to %scan3A_12 step %scan3A_13  : i32 {
      %mul3A_50 = arith.constant 125 : i32
      %mul3A_51 = arith.muli %scan3A_49, %mul3A_50 : i32
      %add3A_52 = arith.addi %mul3A_2, %mul3A_51 : i32
      "tpu.region"() ({
        %run_scoped3A = tpu.sem_alloc : memref<!tpu.dma_semaphore, #tpu.memory_space<semaphore_mem>>
        %dma_start3A = arith.constant 0 : i32
        %dma_start3A_53 = tpu.memref_slice %arg6[%add3A_52, %dma_start3A] : memref<50000x32xf32, #tpu.memory_space<vmem_shared>> -> memref<125x32xf32, #tpu.memory_space<vmem_shared>>
        %dma_start3A_54 = arith.constant 0 : i32
        %dma_start3A_55 = tpu.memref_slice %arg6[%add3A_52, %dma_start3A_54] : memref<50000x32xf32, #tpu.memory_space<vmem_shared>> -> memref<125x32xf32, #tpu.memory_space<vmem_shared>>
        tpu.enqueue_dma source(%arg10 : memref<125x32xf32, #tpu.memory_space<vmem>>) target(%dma_start3A_55 : memref<125x32xf32, #tpu.memory_space<vmem_shared>>) target_semaphore(%run_scoped3A : memref<!tpu.dma_semaphore, #tpu.memory_space<semaphore_mem>>)
        %dma_wait3A = arith.constant 0 : i32
        %dma_wait3A_56 = tpu.memref_slice %arg6[%add3A_52, %dma_wait3A] : memref<50000x32xf32, #tpu.memory_space<vmem_shared>> -> memref<125x32xf32, #tpu.memory_space<vmem_shared>>
        %dma_wait3A_57 = arith.constant 0 : i32
        %dma_wait3A_58 = tpu.memref_slice %arg6[%add3A_52, %dma_wait3A_57] : memref<50000x32xf32, #tpu.memory_space<vmem_shared>> -> memref<125x32xf32, #tpu.memory_space<vmem_shared>>
        tpu.wait_dma2 semaphore(%run_scoped3A : memref<!tpu.dma_semaphore, #tpu.memory_space<semaphore_mem>>) src(%arg10 : memref<125x32xf32, #tpu.memory_space<vmem>>) dst(%dma_wait3A_58 : memref<125x32xf32, #tpu.memory_space<vmem_shared>>)
        tpu.yield
      }) : () -> ()
    }
    %scan3A_14 = arith.constant 25 : i32
    %barrier3A = arith.constant 0 : index
    tpu.barrier barrier_id(%barrier3A)
    %scan3A_15 = arith.constant 0 : i32
    %scan3A_16 = arith.constant 125 : i32
    %scan3A_17 = arith.addi %scan3A_15, %scan3A_16 : i32
    %scan3A_18 = arith.constant 1 : i32
    scf.for %scan3A_49 = %scan3A_15 to %scan3A_17 step %scan3A_18  : i32 {
      %mul3A_50 = arith.constant 400 : i32
      %mul3A_51 = arith.muli %scan3A_49, %mul3A_50 : i32
      %add3A_52 = arith.addi %mul3A_0, %mul3A_51 : i32
      "tpu.region"() ({
        %run_scoped3A = tpu.sem_alloc : memref<!tpu.dma_semaphore, #tpu.memory_space<semaphore_mem>>
        %dma_start3A_292 = tpu.memref_slice %arg3[%add3A_52] : memref<800000xi32, #tpu.memory_space<hbm>> -> memref<400xi32, #tpu.memory_space<hbm>>
        %dma_start3A_293 = tpu.memref_slice %arg3[%add3A_52] : memref<800000xi32, #tpu.memory_space<hbm>> -> memref<400xi32, #tpu.memory_space<hbm>>
        tpu.enqueue_dma source(%dma_start3A_293 : memref<400xi32, #tpu.memory_space<hbm>>) target(%arg7 : memref<400xi32, #tpu.memory_space<vmem>>) target_semaphore(%run_scoped3A : memref<!tpu.dma_semaphore, #tpu.memory_space<semaphore_mem>>)
        %dma_wait3A_294 = tpu.memref_slice %arg3[%add3A_52] : memref<800000xi32, #tpu.memory_space<hbm>> -> memref<400xi32, #tpu.memory_space<hbm>>
        %dma_wait3A_295 = tpu.memref_slice %arg3[%add3A_52] : memref<800000xi32, #tpu.memory_space<hbm>> -> memref<400xi32, #tpu.memory_space<hbm>>
        tpu.wait_dma2 semaphore(%run_scoped3A : memref<!tpu.dma_semaphore, #tpu.memory_space<semaphore_mem>>) src(%dma_wait3A_295 : memref<400xi32, #tpu.memory_space<hbm>>) dst(%arg7 : memref<400xi32, #tpu.memory_space<vmem>>)
        tpu.yield
      }) : () -> ()
      %jit3A = arith.constant 80 : i32
      %div3A = arith.divsi %add3A_52, %jit3A : i32
      %sign3A = arith.constant 0 : i32
      %sign3A_53 = arith.cmpi sgt, %add3A_52, %sign3A : i32
      %sign3A_54 = arith.extui %sign3A_53 : i1 to i32
      %sign3A_55 = arith.constant 0 : i32
      %sign3A_56 = arith.cmpi slt, %add3A_52, %sign3A_55 : i32
      %sign3A_57 = arith.extui %sign3A_56 : i1 to i32
      %sign3A_58 = arith.subi %sign3A_54, %sign3A_57 : i32
      %sign3A_59 = arith.constant 0 : i32
      %sign3A_60 = arith.cmpi sgt, %jit3A, %sign3A_59 : i32
      %sign3A_61 = arith.extui %sign3A_60 : i1 to i32
      %sign3A_62 = arith.constant 0 : i32
      %sign3A_63 = arith.cmpi slt, %jit3A, %sign3A_62 : i32
      %sign3A_64 = arith.extui %sign3A_63 : i1 to i32
      %sign3A_65 = arith.subi %sign3A_61, %sign3A_64 : i32
      %ne3A = arith.cmpi ne, %sign3A_58, %sign3A_65 : i32
      %rem3A = arith.remsi %add3A_52, %jit3A : i32
      %ne3A_66 = arith.constant 0 : i32
      %ne3A_67 = arith.cmpi ne, %rem3A, %ne3A_66 : i32
      %and3A = arith.andi %ne3A, %ne3A_67 : i1
      %sub3A = arith.constant 1 : i32
      %sub3A_68 = arith.subi %div3A, %sub3A : i32
      %select_n3A = arith.select %and3A, %sub3A_68, %div3A : i32
      "tpu.region"() ({
        %run_scoped3A = tpu.sem_alloc : memref<!tpu.dma_semaphore, #tpu.memory_space<semaphore_mem>>
        %dma_start3A_292 = arith.constant 0 : i32
        %dma_start3A_293 = tpu.memref_slice %arg4[%select_n3A, %dma_start3A_292] : memref<10000x80xi32, #tpu.memory_space<hbm>> -> memref<5x80xi32, #tpu.memory_space<hbm>>
        %dma_start3A_294 = arith.constant 0 : i32
        %dma_start3A_295 = tpu.memref_slice %arg4[%select_n3A, %dma_start3A_294] : memref<10000x80xi32, #tpu.memory_space<hbm>> -> memref<5x80xi32, #tpu.memory_space<hbm>>
        tpu.enqueue_dma source(%dma_start3A_295 : memref<5x80xi32, #tpu.memory_space<hbm>>) target(%arg8 : memref<5x80xi32, #tpu.memory_space<vmem>>) target_semaphore(%run_scoped3A : memref<!tpu.dma_semaphore, #tpu.memory_space<semaphore_mem>>)
        %dma_wait3A_296 = arith.constant 0 : i32
        %dma_wait3A_297 = tpu.memref_slice %arg4[%select_n3A, %dma_wait3A_296] : memref<10000x80xi32, #tpu.memory_space<hbm>> -> memref<5x80xi32, #tpu.memory_space<hbm>>
        %dma_wait3A_298 = arith.constant 0 : i32
        %dma_wait3A_299 = tpu.memref_slice %arg4[%select_n3A, %dma_wait3A_298] : memref<10000x80xi32, #tpu.memory_space<hbm>> -> memref<5x80xi32, #tpu.memory_space<hbm>>
        tpu.wait_dma2 semaphore(%run_scoped3A : memref<!tpu.dma_semaphore, #tpu.memory_space<semaphore_mem>>) src(%dma_wait3A_299 : memref<5x80xi32, #tpu.memory_space<hbm>>) dst(%arg8 : memref<5x80xi32, #tpu.memory_space<vmem>>)
        tpu.yield
      }) : () -> ()
      %scan3A_69 = arith.constant 0 : i32
      %scan3A_70 = arith.constant 25 : i32
      %scan3A_71 = arith.addi %scan3A_69, %scan3A_70 : i32
      %scan3A_72 = arith.constant 1 : i32
      scf.for %scan3A_292 = %scan3A_69 to %scan3A_71 step %scan3A_72  : i32 {
        %mul3A_293 = arith.constant 16 : i32
        %mul3A_294 = arith.muli %mul3A_293, %scan3A_292 : i32
        %get3A = arith.index_cast %mul3A_294 : i32 to index
        %get3A_295 = tpu.vector_load %arg7[%get3A] {strides = array<i32>} : memref<400xi32, #tpu.memory_space<vmem>>, vector<16xi32>,
        %get3A_296 = vector.shape_cast %get3A_295 : vector<16xi32> to vector<16xi32>
        %mul3A_297 = arith.constant 4 : i32
        %mul3A_298 = vector.broadcast %mul3A_297 : i32 to vector<16xi32>
        %mul3A_299 = arith.muli %get3A_296, %mul3A_298 : vector<16xi32>
        %add3A_300 = vector.broadcast %add3A_9 : i32 to vector<16xi32>
        %add3A_301 = arith.addi %mul3A_299, %add3A_300 : vector<16xi32>
        %mul3A_302 = arith.constant 16 : i32
        %mul3A_303 = arith.muli %mul3A_302, %scan3A_292 : i32
        %swap3A = arith.index_cast %mul3A_303 : i32 to index
        %swap3A_304 = tpu.vector_load %arg7[%swap3A] {strides = array<i32>} : memref<400xi32, #tpu.memory_space<vmem>>, vector<16xi32>,
        %swap3A_305 = vector.shape_cast %swap3A_304 : vector<16xi32> to vector<16xi32>
        %swap3A_306 = vector.shape_cast %add3A_301 : vector<16xi32> to vector<16xi32>
        tpu.vector_store %arg7[%swap3A], %swap3A_306 {strides = array<i32>} : memref<400xi32, #tpu.memory_space<vmem>>, vector<16xi32>,
      }
      %scan3A_73 = arith.constant 25 : i32
      %dma_start3A = arith.constant 0 : i32
      %dma_start3A_74 = arith.constant 0 : i32
      %dma_start3A_75 = arith.constant 0 : i32
      %dma_start3A_76 = tpu.memref_slice %arg9[%dma_start3A, %dma_start3A_74, %dma_start3A_75] : memref<5x80x32xf32, #tpu.memory_space<vmem>> -> memref<1x80x32xf32, #tpu.memory_space<vmem>>
      %dma_start3A_77 = tpu.memref_squeeze %dma_start3A_76 : memref<1x80x32xf32, #tpu.memory_space<vmem>> -> memref<80x32xf32, #tpu.memory_space<vmem>>
      %dma_start3A_78 = arith.constant 0 : i32
      %dma_start3A_79 = tpu.memref_slice %arg7[%dma_start3A_78] : memref<400xi32, #tpu.memory_space<vmem>> -> memref<80xi32, #tpu.memory_space<vmem>>
      %dma_start3A_80 = arith.constant 0 : i32
      %dma_start3A_81 = arith.constant 0 : i32
      %dma_start3A_82 = tpu.memref_slice %arg2[%dma_start3A_80, %dma_start3A_81] : memref<200000x32xf32, #tpu.memory_space<hbm>> -> memref<200000x32xf32, #tpu.memory_space<hbm>>
      tpu.enqueue_indirect_dma source(%dma_start3A_82 : memref<200000x32xf32, #tpu.memory_space<hbm>>) target(%dma_start3A_77 : memref<80x32xf32, #tpu.memory_space<vmem>>) offsets(%dma_start3A_79 : memref<80xi32, #tpu.memory_space<vmem>>) semaphore(%arg12 : memref<!tpu.dma_semaphore, #tpu.memory_space<semaphore_mem>>)
      %dma_start3A_83 = arith.constant 1 : i32
      %dma_start3A_84 = arith.constant 0 : i32
      %dma_start3A_85 = arith.constant 0 : i32
      %dma_start3A_86 = tpu.memref_slice %arg9[%dma_start3A_83, %dma_start3A_84, %dma_start3A_85] : memref<5x80x32xf32, #tpu.memory_space<vmem>> -> memref<1x80x32xf32, #tpu.memory_space<vmem>>
      %dma_start3A_87 = tpu.memref_squeeze %dma_start3A_86 : memref<1x80x32xf32, #tpu.memory_space<vmem>> -> memref<80x32xf32, #tpu.memory_space<vmem>>
      %dma_start3A_88 = arith.constant 80 : i32
      %dma_start3A_89 = tpu.memref_slice %arg7[%dma_start3A_88] : memref<400xi32, #tpu.memory_space<vmem>> -> memref<80xi32, #tpu.memory_space<vmem>>
      %dma_start3A_90 = arith.constant 0 : i32
      %dma_start3A_91 = arith.constant 0 : i32
      %dma_start3A_92 = tpu.memref_slice %arg2[%dma_start3A_90, %dma_start3A_91] : memref<200000x32xf32, #tpu.memory_space<hbm>> -> memref<200000x32xf32, #tpu.memory_space<hbm>>
      tpu.enqueue_indirect_dma source(%dma_start3A_92 : memref<200000x32xf32, #tpu.memory_space<hbm>>) target(%dma_start3A_87 : memref<80x32xf32, #tpu.memory_space<vmem>>) offsets(%dma_start3A_89 : memref<80xi32, #tpu.memory_space<vmem>>) semaphore(%arg12 : memref<!tpu.dma_semaphore, #tpu.memory_space<semaphore_mem>>)
      %dma_start3A_93 = arith.constant 2 : i32
      %dma_start3A_94 = arith.constant 0 : i32
      %dma_start3A_95 = arith.constant 0 : i32
      %dma_start3A_96 = tpu.memref_slice %arg9[%dma_start3A_93, %dma_start3A_94, %dma_start3A_95] : memref<5x80x32xf32, #tpu.memory_space<vmem>> -> memref<1x80x32xf32, #tpu.memory_space<vmem>>
      %dma_start3A_97 = tpu.memref_squeeze %dma_start3A_96 : memref<1x80x32xf32, #tpu.memory_space<vmem>> -> memref<80x32xf32, #tpu.memory_space<vmem>>
      %dma_start3A_98 = arith.constant 160 : i32
      %dma_start3A_99 = tpu.memref_slice %arg7[%dma_start3A_98] : memref<400xi32, #tpu.memory_space<vmem>> -> memref<80xi32, #tpu.memory_space<vmem>>
      %dma_start3A_100 = arith.constant 0 : i32
      %dma_start3A_101 = arith.constant 0 : i32
      %dma_start3A_102 = tpu.memref_slice %arg2[%dma_start3A_100, %dma_start3A_101] : memref<200000x32xf32, #tpu.memory_space<hbm>> -> memref<200000x32xf32, #tpu.memory_space<hbm>>
      tpu.enqueue_indirect_dma source(%dma_start3A_102 : memref<200000x32xf32, #tpu.memory_space<hbm>>) target(%dma_start3A_97 : memref<80x32xf32, #tpu.memory_space<vmem>>) offsets(%dma_start3A_99 : memref<80xi32, #tpu.memory_space<vmem>>) semaphore(%arg12 : memref<!tpu.dma_semaphore, #tpu.memory_space<semaphore_mem>>)
      %dma_start3A_103 = arith.constant 3 : i32
      %dma_start3A_104 = arith.constant 0 : i32
      %dma_start3A_105 = arith.constant 0 : i32
      %dma_start3A_106 = tpu.memref_slice %arg9[%dma_start3A_103, %dma_start3A_104, %dma_start3A_105] : memref<5x80x32xf32, #tpu.memory_space<vmem>> -> memref<1x80x32xf32, #tpu.memory_space<vmem>>
      %dma_start3A_107 = tpu.memref_squeeze %dma_start3A_106 : memref<1x80x32xf32, #tpu.memory_space<vmem>> -> memref<80x32xf32, #tpu.memory_space<vmem>>
      %dma_start3A_108 = arith.constant 240 : i32
      %dma_start3A_109 = tpu.memref_slice %arg7[%dma_start3A_108] : memref<400xi32, #tpu.memory_space<vmem>> -> memref<80xi32, #tpu.memory_space<vmem>>
      %dma_start3A_110 = arith.constant 0 : i32
      %dma_start3A_111 = arith.constant 0 : i32
      %dma_start3A_112 = tpu.memref_slice %arg2[%dma_start3A_110, %dma_start3A_111] : memref<200000x32xf32, #tpu.memory_space<hbm>> -> memref<200000x32xf32, #tpu.memory_space<hbm>>
      tpu.enqueue_indirect_dma source(%dma_start3A_112 : memref<200000x32xf32, #tpu.memory_space<hbm>>) target(%dma_start3A_107 : memref<80x32xf32, #tpu.memory_space<vmem>>) offsets(%dma_start3A_109 : memref<80xi32, #tpu.memory_space<vmem>>) semaphore(%arg12 : memref<!tpu.dma_semaphore, #tpu.memory_space<semaphore_mem>>)
      %dma_start3A_113 = arith.constant 4 : i32
      %dma_start3A_114 = arith.constant 0 : i32
      %dma_start3A_115 = arith.constant 0 : i32
      %dma_start3A_116 = tpu.memref_slice %arg9[%dma_start3A_113, %dma_start3A_114, %dma_start3A_115] : memref<5x80x32xf32, #tpu.memory_space<vmem>> -> memref<1x80x32xf32, #tpu.memory_space<vmem>>
      %dma_start3A_117 = tpu.memref_squeeze %dma_start3A_116 : memref<1x80x32xf32, #tpu.memory_space<vmem>> -> memref<80x32xf32, #tpu.memory_space<vmem>>
      %dma_start3A_118 = arith.constant 320 : i32
      %dma_start3A_119 = tpu.memref_slice %arg7[%dma_start3A_118] : memref<400xi32, #tpu.memory_space<vmem>> -> memref<80xi32, #tpu.memory_space<vmem>>
      %dma_start3A_120 = arith.constant 0 : i32
      %dma_start3A_121 = arith.constant 0 : i32
      %dma_start3A_122 = tpu.memref_slice %arg2[%dma_start3A_120, %dma_start3A_121] : memref<200000x32xf32, #tpu.memory_space<hbm>> -> memref<200000x32xf32, #tpu.memory_space<hbm>>
      tpu.enqueue_indirect_dma source(%dma_start3A_122 : memref<200000x32xf32, #tpu.memory_space<hbm>>) target(%dma_start3A_117 : memref<80x32xf32, #tpu.memory_space<vmem>>) offsets(%dma_start3A_119 : memref<80xi32, #tpu.memory_space<vmem>>) semaphore(%arg12 : memref<!tpu.dma_semaphore, #tpu.memory_space<semaphore_mem>>)
      %dma_wait3A = arith.constant 0 : i32
      %dma_wait3A_123 = arith.constant 0 : i32
      %dma_wait3A_124 = arith.constant 0 : i32
      %dma_wait3A_125 = tpu.memref_slice %arg9[%dma_wait3A, %dma_wait3A_123, %dma_wait3A_124] : memref<5x80x32xf32, #tpu.memory_space<vmem>> -> memref<1x80x32xf32, #tpu.memory_space<vmem>>
      %dma_wait3A_126 = tpu.memref_squeeze %dma_wait3A_125 : memref<1x80x32xf32, #tpu.memory_space<vmem>> -> memref<80x32xf32, #tpu.memory_space<vmem>>
      %dma_wait3A_127 = arith.constant 0 : i32
      %dma_wait3A_128 = tpu.memref_slice %arg7[%dma_wait3A_127] : memref<400xi32, #tpu.memory_space<vmem>> -> memref<80xi32, #tpu.memory_space<vmem>>
      %dma_wait3A_129 = arith.constant 0 : i32
      %dma_wait3A_130 = arith.constant 0 : i32
      %dma_wait3A_131 = tpu.memref_slice %arg2[%dma_wait3A_129, %dma_wait3A_130] : memref<200000x32xf32, #tpu.memory_space<hbm>> -> memref<200000x32xf32, #tpu.memory_space<hbm>>
      tpu.wait_indirect_dma semaphore(%arg12 : memref<!tpu.dma_semaphore, #tpu.memory_space<semaphore_mem>>) src(%dma_wait3A_131 : memref<200000x32xf32, #tpu.memory_space<hbm>>) dst(%dma_wait3A_126 : memref<80x32xf32, #tpu.memory_space<vmem>>)
      %dma_wait3A_132 = arith.constant 1 : i32
      %dma_wait3A_133 = arith.constant 0 : i32
      %dma_wait3A_134 = arith.constant 0 : i32
      %dma_wait3A_135 = tpu.memref_slice %arg9[%dma_wait3A_132, %dma_wait3A_133, %dma_wait3A_134] : memref<5x80x32xf32, #tpu.memory_space<vmem>> -> memref<1x80x32xf32, #tpu.memory_space<vmem>>
      %dma_wait3A_136 = tpu.memref_squeeze %dma_wait3A_135 : memref<1x80x32xf32, #tpu.memory_space<vmem>> -> memref<80x32xf32, #tpu.memory_space<vmem>>
      %dma_wait3A_137 = arith.constant 80 : i32
      %dma_wait3A_138 = tpu.memref_slice %arg7[%dma_wait3A_137] : memref<400xi32, #tpu.memory_space<vmem>> -> memref<80xi32, #tpu.memory_space<vmem>>
      %dma_wait3A_139 = arith.constant 0 : i32
      %dma_wait3A_140 = arith.constant 0 : i32
      %dma_wait3A_141 = tpu.memref_slice %arg2[%dma_wait3A_139, %dma_wait3A_140] : memref<200000x32xf32, #tpu.memory_space<hbm>> -> memref<200000x32xf32, #tpu.memory_space<hbm>>
      tpu.wait_indirect_dma semaphore(%arg12 : memref<!tpu.dma_semaphore, #tpu.memory_space<semaphore_mem>>) src(%dma_wait3A_141 : memref<200000x32xf32, #tpu.memory_space<hbm>>) dst(%dma_wait3A_136 : memref<80x32xf32, #tpu.memory_space<vmem>>)
      %dma_wait3A_142 = arith.constant 2 : i32
      %dma_wait3A_143 = arith.constant 0 : i32
      %dma_wait3A_144 = arith.constant 0 : i32
      %dma_wait3A_145 = tpu.memref_slice %arg9[%dma_wait3A_142, %dma_wait3A_143, %dma_wait3A_144] : memref<5x80x32xf32, #tpu.memory_space<vmem>> -> memref<1x80x32xf32, #tpu.memory_space<vmem>>
      %dma_wait3A_146 = tpu.memref_squeeze %dma_wait3A_145 : memref<1x80x32xf32, #tpu.memory_space<vmem>> -> memref<80x32xf32, #tpu.memory_space<vmem>>
      %dma_wait3A_147 = arith.constant 160 : i32
      %dma_wait3A_148 = tpu.memref_slice %arg7[%dma_wait3A_147] : memref<400xi32, #tpu.memory_space<vmem>> -> memref<80xi32, #tpu.memory_space<vmem>>
      %dma_wait3A_149 = arith.constant 0 : i32
      %dma_wait3A_150 = arith.constant 0 : i32
      %dma_wait3A_151 = tpu.memref_slice %arg2[%dma_wait3A_149, %dma_wait3A_150] : memref<200000x32xf32, #tpu.memory_space<hbm>> -> memref<200000x32xf32, #tpu.memory_space<hbm>>
      tpu.wait_indirect_dma semaphore(%arg12 : memref<!tpu.dma_semaphore, #tpu.memory_space<semaphore_mem>>) src(%dma_wait3A_151 : memref<200000x32xf32, #tpu.memory_space<hbm>>) dst(%dma_wait3A_146 : memref<80x32xf32, #tpu.memory_space<vmem>>)
      %dma_wait3A_152 = arith.constant 3 : i32
      %dma_wait3A_153 = arith.constant 0 : i32
      %dma_wait3A_154 = arith.constant 0 : i32
      %dma_wait3A_155 = tpu.memref_slice %arg9[%dma_wait3A_152, %dma_wait3A_153, %dma_wait3A_154] : memref<5x80x32xf32, #tpu.memory_space<vmem>> -> memref<1x80x32xf32, #tpu.memory_space<vmem>>
      %dma_wait3A_156 = tpu.memref_squeeze %dma_wait3A_155 : memref<1x80x32xf32, #tpu.memory_space<vmem>> -> memref<80x32xf32, #tpu.memory_space<vmem>>
      %dma_wait3A_157 = arith.constant 240 : i32
      %dma_wait3A_158 = tpu.memref_slice %arg7[%dma_wait3A_157] : memref<400xi32, #tpu.memory_space<vmem>> -> memref<80xi32, #tpu.memory_space<vmem>>
      %dma_wait3A_159 = arith.constant 0 : i32
      %dma_wait3A_160 = arith.constant 0 : i32
      %dma_wait3A_161 = tpu.memref_slice %arg2[%dma_wait3A_159, %dma_wait3A_160] : memref<200000x32xf32, #tpu.memory_space<hbm>> -> memref<200000x32xf32, #tpu.memory_space<hbm>>
      tpu.wait_indirect_dma semaphore(%arg12 : memref<!tpu.dma_semaphore, #tpu.memory_space<semaphore_mem>>) src(%dma_wait3A_161 : memref<200000x32xf32, #tpu.memory_space<hbm>>) dst(%dma_wait3A_156 : memref<80x32xf32, #tpu.memory_space<vmem>>)
      %dma_wait3A_162 = arith.constant 4 : i32
      %dma_wait3A_163 = arith.constant 0 : i32
      %dma_wait3A_164 = arith.constant 0 : i32
      %dma_wait3A_165 = tpu.memref_slice %arg9[%dma_wait3A_162, %dma_wait3A_163, %dma_wait3A_164] : memref<5x80x32xf32, #tpu.memory_space<vmem>> -> memref<1x80x32xf32, #tpu.memory_space<vmem>>
      %dma_wait3A_166 = tpu.memref_squeeze %dma_wait3A_165 : memref<1x80x32xf32, #tpu.memory_space<vmem>> -> memref<80x32xf32, #tpu.memory_space<vmem>>
      %dma_wait3A_167 = arith.constant 320 : i32
      %dma_wait3A_168 = tpu.memref_slice %arg7[%dma_wait3A_167] : memref<400xi32, #tpu.memory_space<vmem>> -> memref<80xi32, #tpu.memory_space<vmem>>
      %dma_wait3A_169 = arith.constant 0 : i32
      %dma_wait3A_170 = arith.constant 0 : i32
      %dma_wait3A_171 = tpu.memref_slice %arg2[%dma_wait3A_169, %dma_wait3A_170] : memref<200000x32xf32, #tpu.memory_space<hbm>> -> memref<200000x32xf32, #tpu.memory_space<hbm>>
      tpu.wait_indirect_dma semaphore(%arg12 : memref<!tpu.dma_semaphore, #tpu.memory_space<semaphore_mem>>) src(%dma_wait3A_171 : memref<200000x32xf32, #tpu.memory_space<hbm>>) dst(%dma_wait3A_166 : memref<80x32xf32, #tpu.memory_space<vmem>>)
      %dma_start3A_172 = arith.constant 0 : i32
      %dma_start3A_173 = arith.constant 0 : i32
      %dma_start3A_174 = arith.constant 0 : i32
      %dma_start3A_175 = arith.constant 0 : i32
      %dma_start3A_176 = tpu.memref_slice %arg9[%dma_start3A_172, %dma_start3A_174, %dma_start3A_175] : memref<5x80x32xf32, #tpu.memory_space<vmem>> -> memref<1x80x32xf32, #tpu.memory_space<vmem>>
      %dma_start3A_177 = tpu.memref_squeeze %dma_start3A_176 : memref<1x80x32xf32, #tpu.memory_space<vmem>> -> memref<80x32xf32, #tpu.memory_space<vmem>>
      %dma_start3A_178 = arith.constant 0 : i32
      %dma_start3A_179 = tpu.memref_slice %arg8[%dma_start3A_173, %dma_start3A_178] : memref<5x80xi32, #tpu.memory_space<vmem>> -> memref<1x80xi32, #tpu.memory_space<vmem>>
      %dma_start3A_180 = tpu.memref_squeeze %dma_start3A_179 : memref<1x80xi32, #tpu.memory_space<vmem>> -> memref<80xi32, #tpu.memory_space<vmem>>
      %dma_start3A_181 = arith.constant 0 : i32
      %dma_start3A_182 = arith.constant 0 : i32
      %dma_start3A_183 = tpu.memref_slice %arg6[%dma_start3A_181, %dma_start3A_182] : memref<50000x32xf32, #tpu.memory_space<vmem_shared>> -> memref<50000x32xf32, #tpu.memory_space<vmem_shared>>
      tpu.enqueue_indirect_dma source(%dma_start3A_177 : memref<80x32xf32, #tpu.memory_space<vmem>>) target(%dma_start3A_183 : memref<50000x32xf32, #tpu.memory_space<vmem_shared>>) offsets(%dma_start3A_180 : memref<80xi32, #tpu.memory_space<vmem>>) semaphore(%arg13 : memref<!tpu.dma_semaphore, #tpu.memory_space<semaphore_mem>>) {add = true}
      %dma_start3A_184 = arith.constant 1 : i32
      %dma_start3A_185 = arith.constant 1 : i32
      %dma_start3A_186 = arith.constant 0 : i32
      %dma_start3A_187 = arith.constant 0 : i32
      %dma_start3A_188 = tpu.memref_slice %arg9[%dma_start3A_184, %dma_start3A_186, %dma_start3A_187] : memref<5x80x32xf32, #tpu.memory_space<vmem>> -> memref<1x80x32xf32, #tpu.memory_space<vmem>>
      %dma_start3A_189 = tpu.memref_squeeze %dma_start3A_188 : memref<1x80x32xf32, #tpu.memory_space<vmem>> -> memref<80x32xf32, #tpu.memory_space<vmem>>
      %dma_start3A_190 = arith.constant 0 : i32
      %dma_start3A_191 = tpu.memref_slice %arg8[%dma_start3A_185, %dma_start3A_190] : memref<5x80xi32, #tpu.memory_space<vmem>> -> memref<1x80xi32, #tpu.memory_space<vmem>>
      %dma_start3A_192 = tpu.memref_squeeze %dma_start3A_191 : memref<1x80xi32, #tpu.memory_space<vmem>> -> memref<80xi32, #tpu.memory_space<vmem>>
      %dma_start3A_193 = arith.constant 0 : i32
      %dma_start3A_194 = arith.constant 0 : i32
      %dma_start3A_195 = tpu.memref_slice %arg6[%dma_start3A_193, %dma_start3A_194] : memref<50000x32xf32, #tpu.memory_space<vmem_shared>> -> memref<50000x32xf32, #tpu.memory_space<vmem_shared>>
      tpu.enqueue_indirect_dma source(%dma_start3A_189 : memref<80x32xf32, #tpu.memory_space<vmem>>) target(%dma_start3A_195 : memref<50000x32xf32, #tpu.memory_space<vmem_shared>>) offsets(%dma_start3A_192 : memref<80xi32, #tpu.memory_space<vmem>>) semaphore(%arg13 : memref<!tpu.dma_semaphore, #tpu.memory_space<semaphore_mem>>) {add = true}
      %dma_start3A_196 = arith.constant 2 : i32
      %dma_start3A_197 = arith.constant 2 : i32
      %dma_start3A_198 = arith.constant 0 : i32
      %dma_start3A_199 = arith.constant 0 : i32
      %dma_start3A_200 = tpu.memref_slice %arg9[%dma_start3A_196, %dma_start3A_198, %dma_start3A_199] : memref<5x80x32xf32, #tpu.memory_space<vmem>> -> memref<1x80x32xf32, #tpu.memory_space<vmem>>
      %dma_start3A_201 = tpu.memref_squeeze %dma_start3A_200 : memref<1x80x32xf32, #tpu.memory_space<vmem>> -> memref<80x32xf32, #tpu.memory_space<vmem>>
      %dma_start3A_202 = arith.constant 0 : i32
      %dma_start3A_203 = tpu.memref_slice %arg8[%dma_start3A_197, %dma_start3A_202] : memref<5x80xi32, #tpu.memory_space<vmem>> -> memref<1x80xi32, #tpu.memory_space<vmem>>
      %dma_start3A_204 = tpu.memref_squeeze %dma_start3A_203 : memref<1x80xi32, #tpu.memory_space<vmem>> -> memref<80xi32, #tpu.memory_space<vmem>>
      %dma_start3A_205 = arith.constant 0 : i32
      %dma_start3A_206 = arith.constant 0 : i32
      %dma_start3A_207 = tpu.memref_slice %arg6[%dma_start3A_205, %dma_start3A_206] : memref<50000x32xf32, #tpu.memory_space<vmem_shared>> -> memref<50000x32xf32, #tpu.memory_space<vmem_shared>>
      tpu.enqueue_indirect_dma source(%dma_start3A_201 : memref<80x32xf32, #tpu.memory_space<vmem>>) target(%dma_start3A_207 : memref<50000x32xf32, #tpu.memory_space<vmem_shared>>) offsets(%dma_start3A_204 : memref<80xi32, #tpu.memory_space<vmem>>) semaphore(%arg13 : memref<!tpu.dma_semaphore, #tpu.memory_space<semaphore_mem>>) {add = true}
      %dma_start3A_208 = arith.constant 3 : i32
      %dma_start3A_209 = arith.constant 3 : i32
      %dma_start3A_210 = arith.constant 0 : i32
      %dma_start3A_211 = arith.constant 0 : i32
      %dma_start3A_212 = tpu.memref_slice %arg9[%dma_start3A_208, %dma_start3A_210, %dma_start3A_211] : memref<5x80x32xf32, #tpu.memory_space<vmem>> -> memref<1x80x32xf32, #tpu.memory_space<vmem>>
      %dma_start3A_213 = tpu.memref_squeeze %dma_start3A_212 : memref<1x80x32xf32, #tpu.memory_space<vmem>> -> memref<80x32xf32, #tpu.memory_space<vmem>>
      %dma_start3A_214 = arith.constant 0 : i32
      %dma_start3A_215 = tpu.memref_slice %arg8[%dma_start3A_209, %dma_start3A_214] : memref<5x80xi32, #tpu.memory_space<vmem>> -> memref<1x80xi32, #tpu.memory_space<vmem>>
      %dma_start3A_216 = tpu.memref_squeeze %dma_start3A_215 : memref<1x80xi32, #tpu.memory_space<vmem>> -> memref<80xi32, #tpu.memory_space<vmem>>
      %dma_start3A_217 = arith.constant 0 : i32
      %dma_start3A_218 = arith.constant 0 : i32
      %dma_start3A_219 = tpu.memref_slice %arg6[%dma_start3A_217, %dma_start3A_218] : memref<50000x32xf32, #tpu.memory_space<vmem_shared>> -> memref<50000x32xf32, #tpu.memory_space<vmem_shared>>
      tpu.enqueue_indirect_dma source(%dma_start3A_213 : memref<80x32xf32, #tpu.memory_space<vmem>>) target(%dma_start3A_219 : memref<50000x32xf32, #tpu.memory_space<vmem_shared>>) offsets(%dma_start3A_216 : memref<80xi32, #tpu.memory_space<vmem>>) semaphore(%arg13 : memref<!tpu.dma_semaphore, #tpu.memory_space<semaphore_mem>>) {add = true}
      %dma_start3A_220 = arith.constant 4 : i32
      %dma_start3A_221 = arith.constant 4 : i32
      %dma_start3A_222 = arith.constant 0 : i32
      %dma_start3A_223 = arith.constant 0 : i32
      %dma_start3A_224 = tpu.memref_slice %arg9[%dma_start3A_220, %dma_start3A_222, %dma_start3A_223] : memref<5x80x32xf32, #tpu.memory_space<vmem>> -> memref<1x80x32xf32, #tpu.memory_space<vmem>>
      %dma_start3A_225 = tpu.memref_squeeze %dma_start3A_224 : memref<1x80x32xf32, #tpu.memory_space<vmem>> -> memref<80x32xf32, #tpu.memory_space<vmem>>
      %dma_start3A_226 = arith.constant 0 : i32
      %dma_start3A_227 = tpu.memref_slice %arg8[%dma_start3A_221, %dma_start3A_226] : memref<5x80xi32, #tpu.memory_space<vmem>> -> memref<1x80xi32, #tpu.memory_space<vmem>>
      %dma_start3A_228 = tpu.memref_squeeze %dma_start3A_227 : memref<1x80xi32, #tpu.memory_space<vmem>> -> memref<80xi32, #tpu.memory_space<vmem>>
      %dma_start3A_229 = arith.constant 0 : i32
      %dma_start3A_230 = arith.constant 0 : i32
      %dma_start3A_231 = tpu.memref_slice %arg6[%dma_start3A_229, %dma_start3A_230] : memref<50000x32xf32, #tpu.memory_space<vmem_shared>> -> memref<50000x32xf32, #tpu.memory_space<vmem_shared>>
      tpu.enqueue_indirect_dma source(%dma_start3A_225 : memref<80x32xf32, #tpu.memory_space<vmem>>) target(%dma_start3A_231 : memref<50000x32xf32, #tpu.memory_space<vmem_shared>>) offsets(%dma_start3A_228 : memref<80xi32, #tpu.memory_space<vmem>>) semaphore(%arg13 : memref<!tpu.dma_semaphore, #tpu.memory_space<semaphore_mem>>) {add = true}
      %dma_wait3A_232 = arith.constant 0 : i32
      %dma_wait3A_233 = arith.constant 0 : i32
      %dma_wait3A_234 = arith.constant 0 : i32
      %dma_wait3A_235 = arith.constant 0 : i32
      %dma_wait3A_236 = tpu.memref_slice %arg9[%dma_wait3A_232, %dma_wait3A_234, %dma_wait3A_235] : memref<5x80x32xf32, #tpu.memory_space<vmem>> -> memref<1x80x32xf32, #tpu.memory_space<vmem>>
      %dma_wait3A_237 = tpu.memref_squeeze %dma_wait3A_236 : memref<1x80x32xf32, #tpu.memory_space<vmem>> -> memref<80x32xf32, #tpu.memory_space<vmem>>
      %dma_wait3A_238 = arith.constant 0 : i32
      %dma_wait3A_239 = tpu.memref_slice %arg8[%dma_wait3A_233, %dma_wait3A_238] : memref<5x80xi32, #tpu.memory_space<vmem>> -> memref<1x80xi32, #tpu.memory_space<vmem>>
      %dma_wait3A_240 = tpu.memref_squeeze %dma_wait3A_239 : memref<1x80xi32, #tpu.memory_space<vmem>> -> memref<80xi32, #tpu.memory_space<vmem>>
      %dma_wait3A_241 = arith.constant 0 : i32
      %dma_wait3A_242 = arith.constant 0 : i32
      %dma_wait3A_243 = tpu.memref_slice %arg6[%dma_wait3A_241, %dma_wait3A_242] : memref<50000x32xf32, #tpu.memory_space<vmem_shared>> -> memref<50000x32xf32, #tpu.memory_space<vmem_shared>>
      tpu.wait_indirect_dma semaphore(%arg13 : memref<!tpu.dma_semaphore, #tpu.memory_space<semaphore_mem>>) src(%dma_wait3A_237 : memref<80x32xf32, #tpu.memory_space<vmem>>) dst(%dma_wait3A_243 : memref<50000x32xf32, #tpu.memory_space<vmem_shared>>)
      %dma_wait3A_244 = arith.constant 1 : i32
      %dma_wait3A_245 = arith.constant 1 : i32
      %dma_wait3A_246 = arith.constant 0 : i32
      %dma_wait3A_247 = arith.constant 0 : i32
      %dma_wait3A_248 = tpu.memref_slice %arg9[%dma_wait3A_244, %dma_wait3A_246, %dma_wait3A_247] : memref<5x80x32xf32, #tpu.memory_space<vmem>> -> memref<1x80x32xf32, #tpu.memory_space<vmem>>
      %dma_wait3A_249 = tpu.memref_squeeze %dma_wait3A_248 : memref<1x80x32xf32, #tpu.memory_space<vmem>> -> memref<80x32xf32, #tpu.memory_space<vmem>>
      %dma_wait3A_250 = arith.constant 0 : i32
      %dma_wait3A_251 = tpu.memref_slice %arg8[%dma_wait3A_245, %dma_wait3A_250] : memref<5x80xi32, #tpu.memory_space<vmem>> -> memref<1x80xi32, #tpu.memory_space<vmem>>
      %dma_wait3A_252 = tpu.memref_squeeze %dma_wait3A_251 : memref<1x80xi32, #tpu.memory_space<vmem>> -> memref<80xi32, #tpu.memory_space<vmem>>
      %dma_wait3A_253 = arith.constant 0 : i32
      %dma_wait3A_254 = arith.constant 0 : i32
      %dma_wait3A_255 = tpu.memref_slice %arg6[%dma_wait3A_253, %dma_wait3A_254] : memref<50000x32xf32, #tpu.memory_space<vmem_shared>> -> memref<50000x32xf32, #tpu.memory_space<vmem_shared>>
      tpu.wait_indirect_dma semaphore(%arg13 : memref<!tpu.dma_semaphore, #tpu.memory_space<semaphore_mem>>) src(%dma_wait3A_249 : memref<80x32xf32, #tpu.memory_space<vmem>>) dst(%dma_wait3A_255 : memref<50000x32xf32, #tpu.memory_space<vmem_shared>>)
      %dma_wait3A_256 = arith.constant 2 : i32
      %dma_wait3A_257 = arith.constant 2 : i32
      %dma_wait3A_258 = arith.constant 0 : i32
      %dma_wait3A_259 = arith.constant 0 : i32
      %dma_wait3A_260 = tpu.memref_slice %arg9[%dma_wait3A_256, %dma_wait3A_258, %dma_wait3A_259] : memref<5x80x32xf32, #tpu.memory_space<vmem>> -> memref<1x80x32xf32, #tpu.memory_space<vmem>>
      %dma_wait3A_261 = tpu.memref_squeeze %dma_wait3A_260 : memref<1x80x32xf32, #tpu.memory_space<vmem>> -> memref<80x32xf32, #tpu.memory_space<vmem>>
      %dma_wait3A_262 = arith.constant 0 : i32
      %dma_wait3A_263 = tpu.memref_slice %arg8[%dma_wait3A_257, %dma_wait3A_262] : memref<5x80xi32, #tpu.memory_space<vmem>> -> memref<1x80xi32, #tpu.memory_space<vmem>>
      %dma_wait3A_264 = tpu.memref_squeeze %dma_wait3A_263 : memref<1x80xi32, #tpu.memory_space<vmem>> -> memref<80xi32, #tpu.memory_space<vmem>>
      %dma_wait3A_265 = arith.constant 0 : i32
      %dma_wait3A_266 = arith.constant 0 : i32
      %dma_wait3A_267 = tpu.memref_slice %arg6[%dma_wait3A_265, %dma_wait3A_266] : memref<50000x32xf32, #tpu.memory_space<vmem_shared>> -> memref<50000x32xf32, #tpu.memory_space<vmem_shared>>
      tpu.wait_indirect_dma semaphore(%arg13 : memref<!tpu.dma_semaphore, #tpu.memory_space<semaphore_mem>>) src(%dma_wait3A_261 : memref<80x32xf32, #tpu.memory_space<vmem>>) dst(%dma_wait3A_267 : memref<50000x32xf32, #tpu.memory_space<vmem_shared>>)
      %dma_wait3A_268 = arith.constant 3 : i32
      %dma_wait3A_269 = arith.constant 3 : i32
      %dma_wait3A_270 = arith.constant 0 : i32
      %dma_wait3A_271 = arith.constant 0 : i32
      %dma_wait3A_272 = tpu.memref_slice %arg9[%dma_wait3A_268, %dma_wait3A_270, %dma_wait3A_271] : memref<5x80x32xf32, #tpu.memory_space<vmem>> -> memref<1x80x32xf32, #tpu.memory_space<vmem>>
      %dma_wait3A_273 = tpu.memref_squeeze %dma_wait3A_272 : memref<1x80x32xf32, #tpu.memory_space<vmem>> -> memref<80x32xf32, #tpu.memory_space<vmem>>
      %dma_wait3A_274 = arith.constant 0 : i32
      %dma_wait3A_275 = tpu.memref_slice %arg8[%dma_wait3A_269, %dma_wait3A_274] : memref<5x80xi32, #tpu.memory_space<vmem>> -> memref<1x80xi32, #tpu.memory_space<vmem>>
      %dma_wait3A_276 = tpu.memref_squeeze %dma_wait3A_275 : memref<1x80xi32, #tpu.memory_space<vmem>> -> memref<80xi32, #tpu.memory_space<vmem>>
      %dma_wait3A_277 = arith.constant 0 : i32
      %dma_wait3A_278 = arith.constant 0 : i32
      %dma_wait3A_279 = tpu.memref_slice %arg6[%dma_wait3A_277, %dma_wait3A_278] : memref<50000x32xf32, #tpu.memory_space<vmem_shared>> -> memref<50000x32xf32, #tpu.memory_space<vmem_shared>>
      tpu.wait_indirect_dma semaphore(%arg13 : memref<!tpu.dma_semaphore, #tpu.memory_space<semaphore_mem>>) src(%dma_wait3A_273 : memref<80x32xf32, #tpu.memory_space<vmem>>) dst(%dma_wait3A_279 : memref<50000x32xf32, #tpu.memory_space<vmem_shared>>)
      %dma_wait3A_280 = arith.constant 4 : i32
      %dma_wait3A_281 = arith.constant 4 : i32
      %dma_wait3A_282 = arith.constant 0 : i32
      %dma_wait3A_283 = arith.constant 0 : i32
      %dma_wait3A_284 = tpu.memref_slice %arg9[%dma_wait3A_280, %dma_wait3A_282, %dma_wait3A_283] : memref<5x80x32xf32, #tpu.memory_space<vmem>> -> memref<1x80x32xf32, #tpu.memory_space<vmem>>
      %dma_wait3A_285 = tpu.memref_squeeze %dma_wait3A_284 : memref<1x80x32xf32, #tpu.memory_space<vmem>> -> memref<80x32xf32, #tpu.memory_space<vmem>>
      %dma_wait3A_286 = arith.constant 0 : i32
      %dma_wait3A_287 = tpu.memref_slice %arg8[%dma_wait3A_281, %dma_wait3A_286] : memref<5x80xi32, #tpu.memory_space<vmem>> -> memref<1x80xi32, #tpu.memory_space<vmem>>
      %dma_wait3A_288 = tpu.memref_squeeze %dma_wait3A_287 : memref<1x80xi32, #tpu.memory_space<vmem>> -> memref<80xi32, #tpu.memory_space<vmem>>
      %dma_wait3A_289 = arith.constant 0 : i32
      %dma_wait3A_290 = arith.constant 0 : i32
      %dma_wait3A_291 = tpu.memref_slice %arg6[%dma_wait3A_289, %dma_wait3A_290] : memref<50000x32xf32, #tpu.memory_space<vmem_shared>> -> memref<50000x32xf32, #tpu.memory_space<vmem_shared>>
      tpu.wait_indirect_dma semaphore(%arg13 : memref<!tpu.dma_semaphore, #tpu.memory_space<semaphore_mem>>) src(%dma_wait3A_285 : memref<80x32xf32, #tpu.memory_space<vmem>>) dst(%dma_wait3A_291 : memref<50000x32xf32, #tpu.memory_space<vmem_shared>>)
    }
    %scan3A_19 = arith.constant 125 : i32
    %barrier3A_20 = arith.constant 0 : index
    tpu.barrier barrier_id(%barrier3A_20)
    %scan3A_21 = arith.constant 0 : i32
    %scan3A_22 = arith.constant 25 : i32
    %scan3A_23 = arith.addi %scan3A_21, %scan3A_22 : i32
    %scan3A_24 = arith.constant 1 : i32
    scf.for %scan3A_49 = %scan3A_21 to %scan3A_23 step %scan3A_24  : i32 {
      %mul3A_50 = arith.constant 125 : i32
      %mul3A_51 = arith.muli %scan3A_49, %mul3A_50 : i32
      %add3A_52 = arith.addi %mul3A_2, %mul3A_51 : i32
      "tpu.region"() ({
        %run_scoped3A = tpu.sem_alloc : memref<!tpu.dma_semaphore, #tpu.memory_space<semaphore_mem>>
        %dma_start3A = arith.constant 0 : i32
        %dma_start3A_56 = tpu.memref_slice %arg6[%add3A_52, %dma_start3A] : memref<50000x32xf32, #tpu.memory_space<vmem_shared>> -> memref<125x32xf32, #tpu.memory_space<vmem_shared>>
        %dma_start3A_57 = arith.constant 0 : i32
        %dma_start3A_58 = tpu.memref_slice %arg6[%add3A_52, %dma_start3A_57] : memref<50000x32xf32, #tpu.memory_space<vmem_shared>> -> memref<125x32xf32, #tpu.memory_space<vmem_shared>>
        tpu.enqueue_dma source(%dma_start3A_58 : memref<125x32xf32, #tpu.memory_space<vmem_shared>>) target(%arg11 : memref<125x32xf32, #tpu.memory_space<vmem>>) target_semaphore(%run_scoped3A : memref<!tpu.dma_semaphore, #tpu.memory_space<semaphore_mem>>)
        %dma_wait3A = arith.constant 0 : i32
        %dma_wait3A_59 = tpu.memref_slice %arg6[%add3A_52, %dma_wait3A] : memref<50000x32xf32, #tpu.memory_space<vmem_shared>> -> memref<125x32xf32, #tpu.memory_space<vmem_shared>>
        %dma_wait3A_60 = arith.constant 0 : i32
        %dma_wait3A_61 = tpu.memref_slice %arg6[%add3A_52, %dma_wait3A_60] : memref<50000x32xf32, #tpu.memory_space<vmem_shared>> -> memref<125x32xf32, #tpu.memory_space<vmem_shared>>
        tpu.wait_dma2 semaphore(%run_scoped3A : memref<!tpu.dma_semaphore, #tpu.memory_space<semaphore_mem>>) src(%dma_wait3A_61 : memref<125x32xf32, #tpu.memory_space<vmem_shared>>) dst(%arg11 : memref<125x32xf32, #tpu.memory_space<vmem>>)
        tpu.yield
      }) : () -> ()
      %mul3A_53 = arith.constant 125 : i32
      %mul3A_54 = arith.muli %scan3A_49, %mul3A_53 : i32
      %add3A_55 = arith.addi %mul3A_2, %mul3A_54 : i32
      "tpu.region"() ({
        %run_scoped3A = tpu.sem_alloc : memref<!tpu.dma_semaphore, #tpu.memory_space<semaphore_mem>>
        %dma_start3A = arith.constant 0 : i32
        %dma_start3A_56 = tpu.memref_slice %arg5[%add3A_55, %add3A_9, %dma_start3A] : memref<50000x4x32xf32, #tpu.memory_space<hbm>> -> memref<125x1x32xf32, #tpu.memory_space<hbm>>
        %dma_start3A_57 = tpu.memref_squeeze %dma_start3A_56 : memref<125x1x32xf32, #tpu.memory_space<hbm>> -> memref<125x32xf32, #tpu.memory_space<hbm>>
        %dma_start3A_58 = arith.constant 0 : i32
        %dma_start3A_59 = tpu.memref_slice %arg5[%add3A_55, %add3A_9, %dma_start3A_58] : memref<50000x4x32xf32, #tpu.memory_space<hbm>> -> memref<125x1x32xf32, #tpu.memory_space<hbm>>
        %dma_start3A_60 = tpu.memref_squeeze %dma_start3A_59 : memref<125x1x32xf32, #tpu.memory_space<hbm>> -> memref<125x32xf32, #tpu.memory_space<hbm>>
        tpu.enqueue_dma source(%arg11 : memref<125x32xf32, #tpu.memory_space<vmem>>) target(%dma_start3A_60 : memref<125x32xf32, #tpu.memory_space<hbm>>) target_semaphore(%run_scoped3A : memref<!tpu.dma_semaphore, #tpu.memory_space<semaphore_mem>>)
        %dma_wait3A = arith.constant 0 : i32
        %dma_wait3A_61 = tpu.memref_slice %arg5[%add3A_55, %add3A_9, %dma_wait3A] : memref<50000x4x32xf32, #tpu.memory_space<hbm>> -> memref<125x1x32xf32, #tpu.memory_space<hbm>>
        %dma_wait3A_62 = tpu.memref_squeeze %dma_wait3A_61 : memref<125x1x32xf32, #tpu.memory_space<hbm>> -> memref<125x32xf32, #tpu.memory_space<hbm>>
        %dma_wait3A_63 = arith.constant 0 : i32
        %dma_wait3A_64 = tpu.memref_slice %arg5[%add3A_55, %add3A_9, %dma_wait3A_63] : memref<50000x4x32xf32, #tpu.memory_space<hbm>> -> memref<125x1x32xf32, #tpu.memory_space<hbm>>
        %dma_wait3A_65 = tpu.memref_squeeze %dma_wait3A_64 : memref<125x1x32xf32, #tpu.memory_space<hbm>> -> memref<125x32xf32, #tpu.memory_space<hbm>>
        tpu.wait_dma2 semaphore(%run_scoped3A : memref<!tpu.dma_semaphore, #tpu.memory_space<semaphore_mem>>) src(%arg11 : memref<125x32xf32, #tpu.memory_space<vmem>>) dst(%dma_wait3A_65 : memref<125x32xf32, #tpu.memory_space<hbm>>)
        tpu.yield
      }) : () -> ()
    }
    %scan3A_25 = arith.constant 25 : i32
    %barrier3A_26 = arith.constant 0 : index
    tpu.barrier barrier_id(%barrier3A_26)
    %mul3A_27 = arith.constant 2 : i32
    %mul3A_28 = arith.muli %mul3A_27, %arg0 : i32
    %add3A_29 = arith.constant 1 : i32
    %add3A_30 = arith.addi %mul3A_28, %add3A_29 : i32
    %scan3A_31 = arith.constant 0 : i32
    %scan3A_32 = arith.constant 25 : i32
    %scan3A_33 = arith.addi %scan3A_31, %scan3A_32 : i32
    %scan3A_34 = arith.constant 1 : i32
    scf.for %scan3A_49 = %scan3A_31 to %scan3A_33 step %scan3A_34  : i32 {
      %mul3A_50 = arith.constant 125 : i32
      %mul3A_51 = arith.muli %scan3A_49, %mul3A_50 : i32
      %add3A_52 = arith.addi %mul3A_2, %mul3A_51 : i32
      "tpu.region"() ({
        %run_scoped3A = tpu.sem_alloc : memref<!tpu.dma_semaphore, #tpu.memory_space<semaphore_mem>>
        %dma_start3A = arith.constant 0 : i32
        %dma_start3A_53 = tpu.memref_slice %arg6[%add3A_52, %dma_start3A] : memref<50000x32xf32, #tpu.memory_space<vmem_shared>> -> memref<125x32xf32, #tpu.memory_space<vmem_shared>>
        %dma_start3A_54 = arith.constant 0 : i32
        %dma_start3A_55 = tpu.memref_slice %arg6[%add3A_52, %dma_start3A_54] : memref<50000x32xf32, #tpu.memory_space<vmem_shared>> -> memref<125x32xf32, #tpu.memory_space<vmem_shared>>
        tpu.enqueue_dma source(%arg10 : memref<125x32xf32, #tpu.memory_space<vmem>>) target(%dma_start3A_55 : memref<125x32xf32, #tpu.memory_space<vmem_shared>>) target_semaphore(%run_scoped3A : memref<!tpu.dma_semaphore, #tpu.memory_space<semaphore_mem>>)
        %dma_wait3A = arith.constant 0 : i32
        %dma_wait3A_56 = tpu.memref_slice %arg6[%add3A_52, %dma_wait3A] : memref<50000x32xf32, #tpu.memory_space<vmem_shared>> -> memref<125x32xf32, #tpu.memory_space<vmem_shared>>
        %dma_wait3A_57 = arith.constant 0 : i32
        %dma_wait3A_58 = tpu.memref_slice %arg6[%add3A_52, %dma_wait3A_57] : memref<50000x32xf32, #tpu.memory_space<vmem_shared>> -> memref<125x32xf32, #tpu.memory_space<vmem_shared>>
        tpu.wait_dma2 semaphore(%run_scoped3A : memref<!tpu.dma_semaphore, #tpu.memory_space<semaphore_mem>>) src(%arg10 : memref<125x32xf32, #tpu.memory_space<vmem>>) dst(%dma_wait3A_58 : memref<125x32xf32, #tpu.memory_space<vmem_shared>>)
        tpu.yield
      }) : () -> ()
    }
    %scan3A_35 = arith.constant 25 : i32
    %barrier3A_36 = arith.constant 0 : index
    tpu.barrier barrier_id(%barrier3A_36)
    %scan3A_37 = arith.constant 0 : i32
    %scan3A_38 = arith.constant 125 : i32
    %scan3A_39 = arith.addi %scan3A_37, %scan3A_38 : i32
    %scan3A_40 = arith.constant 1 : i32
    scf.for %scan3A_49 = %scan3A_37 to %scan3A_39 step %scan3A_40  : i32 {
      %mul3A_50 = arith.constant 400 : i32
      %mul3A_51 = arith.muli %scan3A_49, %mul3A_50 : i32
      %add3A_52 = arith.addi %mul3A_0, %mul3A_51 : i32
      "tpu.region"() ({
        %run_scoped3A = tpu.sem_alloc : memref<!tpu.dma_semaphore, #tpu.memory_space<semaphore_mem>>
        %dma_start3A_292 = tpu.memref_slice %arg3[%add3A_52] : memref<800000xi32, #tpu.memory_space<hbm>> -> memref<400xi32, #tpu.memory_space<hbm>>
        %dma_start3A_293 = tpu.memref_slice %arg3[%add3A_52] : memref<800000xi32, #tpu.memory_space<hbm>> -> memref<400xi32, #tpu.memory_space<hbm>>
        tpu.enqueue_dma source(%dma_start3A_293 : memref<400xi32, #tpu.memory_space<hbm>>) target(%arg7 : memref<400xi32, #tpu.memory_space<vmem>>) target_semaphore(%run_scoped3A : memref<!tpu.dma_semaphore, #tpu.memory_space<semaphore_mem>>)
        %dma_wait3A_294 = tpu.memref_slice %arg3[%add3A_52] : memref<800000xi32, #tpu.memory_space<hbm>> -> memref<400xi32, #tpu.memory_space<hbm>>
        %dma_wait3A_295 = tpu.memref_slice %arg3[%add3A_52] : memref<800000xi32, #tpu.memory_space<hbm>> -> memref<400xi32, #tpu.memory_space<hbm>>
        tpu.wait_dma2 semaphore(%run_scoped3A : memref<!tpu.dma_semaphore, #tpu.memory_space<semaphore_mem>>) src(%dma_wait3A_295 : memref<400xi32, #tpu.memory_space<hbm>>) dst(%arg7 : memref<400xi32, #tpu.memory_space<vmem>>)
        tpu.yield
      }) : () -> ()
      %jit3A = arith.constant 80 : i32
      %div3A = arith.divsi %add3A_52, %jit3A : i32
      %sign3A = arith.constant 0 : i32
      %sign3A_53 = arith.cmpi sgt, %add3A_52, %sign3A : i32
      %sign3A_54 = arith.extui %sign3A_53 : i1 to i32
      %sign3A_55 = arith.constant 0 : i32
      %sign3A_56 = arith.cmpi slt, %add3A_52, %sign3A_55 : i32
      %sign3A_57 = arith.extui %sign3A_56 : i1 to i32
      %sign3A_58 = arith.subi %sign3A_54, %sign3A_57 : i32
      %sign3A_59 = arith.constant 0 : i32
      %sign3A_60 = arith.cmpi sgt, %jit3A, %sign3A_59 : i32
      %sign3A_61 = arith.extui %sign3A_60 : i1 to i32
      %sign3A_62 = arith.constant 0 : i32
      %sign3A_63 = arith.cmpi slt, %jit3A, %sign3A_62 : i32
      %sign3A_64 = arith.extui %sign3A_63 : i1 to i32
      %sign3A_65 = arith.subi %sign3A_61, %sign3A_64 : i32
      %ne3A = arith.cmpi ne, %sign3A_58, %sign3A_65 : i32
      %rem3A = arith.remsi %add3A_52, %jit3A : i32
      %ne3A_66 = arith.constant 0 : i32
      %ne3A_67 = arith.cmpi ne, %rem3A, %ne3A_66 : i32
      %and3A = arith.andi %ne3A, %ne3A_67 : i1
      %sub3A = arith.constant 1 : i32
      %sub3A_68 = arith.subi %div3A, %sub3A : i32
      %select_n3A = arith.select %and3A, %sub3A_68, %div3A : i32
      "tpu.region"() ({
        %run_scoped3A = tpu.sem_alloc : memref<!tpu.dma_semaphore, #tpu.memory_space<semaphore_mem>>
        %dma_start3A_292 = arith.constant 0 : i32
        %dma_start3A_293 = tpu.memref_slice %arg4[%select_n3A, %dma_start3A_292] : memref<10000x80xi32, #tpu.memory_space<hbm>> -> memref<5x80xi32, #tpu.memory_space<hbm>>
        %dma_start3A_294 = arith.constant 0 : i32
        %dma_start3A_295 = tpu.memref_slice %arg4[%select_n3A, %dma_start3A_294] : memref<10000x80xi32, #tpu.memory_space<hbm>> -> memref<5x80xi32, #tpu.memory_space<hbm>>
        tpu.enqueue_dma source(%dma_start3A_295 : memref<5x80xi32, #tpu.memory_space<hbm>>) target(%arg8 : memref<5x80xi32, #tpu.memory_space<vmem>>) target_semaphore(%run_scoped3A : memref<!tpu.dma_semaphore, #tpu.memory_space<semaphore_mem>>)
        %dma_wait3A_296 = arith.constant 0 : i32
        %dma_wait3A_297 = tpu.memref_slice %arg4[%select_n3A, %dma_wait3A_296] : memref<10000x80xi32, #tpu.memory_space<hbm>> -> memref<5x80xi32, #tpu.memory_space<hbm>>
        %dma_wait3A_298 = arith.constant 0 : i32
        %dma_wait3A_299 = tpu.memref_slice %arg4[%select_n3A, %dma_wait3A_298] : memref<10000x80xi32, #tpu.memory_space<hbm>> -> memref<5x80xi32, #tpu.memory_space<hbm>>
        tpu.wait_dma2 semaphore(%run_scoped3A : memref<!tpu.dma_semaphore, #tpu.memory_space<semaphore_mem>>) src(%dma_wait3A_299 : memref<5x80xi32, #tpu.memory_space<hbm>>) dst(%arg8 : memref<5x80xi32, #tpu.memory_space<vmem>>)
        tpu.yield
      }) : () -> ()
      %scan3A_69 = arith.constant 0 : i32
      %scan3A_70 = arith.constant 25 : i32
      %scan3A_71 = arith.addi %scan3A_69, %scan3A_70 : i32
      %scan3A_72 = arith.constant 1 : i32
      scf.for %scan3A_292 = %scan3A_69 to %scan3A_71 step %scan3A_72  : i32 {
        %mul3A_293 = arith.constant 16 : i32
        %mul3A_294 = arith.muli %mul3A_293, %scan3A_292 : i32
        %get3A = arith.index_cast %mul3A_294 : i32 to index
        %get3A_295 = tpu.vector_load %arg7[%get3A] {strides = array<i32>} : memref<400xi32, #tpu.memory_space<vmem>>, vector<16xi32>,
        %get3A_296 = vector.shape_cast %get3A_295 : vector<16xi32> to vector<16xi32>
        %mul3A_297 = arith.constant 4 : i32
        %mul3A_298 = vector.broadcast %mul3A_297 : i32 to vector<16xi32>
        %mul3A_299 = arith.muli %get3A_296, %mul3A_298 : vector<16xi32>
        %add3A_300 = vector.broadcast %add3A_30 : i32 to vector<16xi32>
        %add3A_301 = arith.addi %mul3A_299, %add3A_300 : vector<16xi32>
        %mul3A_302 = arith.constant 16 : i32
        %mul3A_303 = arith.muli %mul3A_302, %scan3A_292 : i32
        %swap3A = arith.index_cast %mul3A_303 : i32 to index
        %swap3A_304 = tpu.vector_load %arg7[%swap3A] {strides = array<i32>} : memref<400xi32, #tpu.memory_space<vmem>>, vector<16xi32>,
        %swap3A_305 = vector.shape_cast %swap3A_304 : vector<16xi32> to vector<16xi32>
        %swap3A_306 = vector.shape_cast %add3A_301 : vector<16xi32> to vector<16xi32>
        tpu.vector_store %arg7[%swap3A], %swap3A_306 {strides = array<i32>} : memref<400xi32, #tpu.memory_space<vmem>>, vector<16xi32>,
      }
      %scan3A_73 = arith.constant 25 : i32
      %dma_start3A = arith.constant 0 : i32
      %dma_start3A_74 = arith.constant 0 : i32
      %dma_start3A_75 = arith.constant 0 : i32
      %dma_start3A_76 = tpu.memref_slice %arg9[%dma_start3A, %dma_start3A_74, %dma_start3A_75] : memref<5x80x32xf32, #tpu.memory_space<vmem>> -> memref<1x80x32xf32, #tpu.memory_space<vmem>>
      %dma_start3A_77 = tpu.memref_squeeze %dma_start3A_76 : memref<1x80x32xf32, #tpu.memory_space<vmem>> -> memref<80x32xf32, #tpu.memory_space<vmem>>
      %dma_start3A_78 = arith.constant 0 : i32
      %dma_start3A_79 = tpu.memref_slice %arg7[%dma_start3A_78] : memref<400xi32, #tpu.memory_space<vmem>> -> memref<80xi32, #tpu.memory_space<vmem>>
      %dma_start3A_80 = arith.constant 0 : i32
      %dma_start3A_81 = arith.constant 0 : i32
      %dma_start3A_82 = tpu.memref_slice %arg2[%dma_start3A_80, %dma_start3A_81] : memref<200000x32xf32, #tpu.memory_space<hbm>> -> memref<200000x32xf32, #tpu.memory_space<hbm>>
      tpu.enqueue_indirect_dma source(%dma_start3A_82 : memref<200000x32xf32, #tpu.memory_space<hbm>>) target(%dma_start3A_77 : memref<80x32xf32, #tpu.memory_space<vmem>>) offsets(%dma_start3A_79 : memref<80xi32, #tpu.memory_space<vmem>>) semaphore(%arg12 : memref<!tpu.dma_semaphore, #tpu.memory_space<semaphore_mem>>)
      %dma_start3A_83 = arith.constant 1 : i32
      %dma_start3A_84 = arith.constant 0 : i32
      %dma_start3A_85 = arith.constant 0 : i32
      %dma_start3A_86 = tpu.memref_slice %arg9[%dma_start3A_83, %dma_start3A_84, %dma_start3A_85] : memref<5x80x32xf32, #tpu.memory_space<vmem>> -> memref<1x80x32xf32, #tpu.memory_space<vmem>>
      %dma_start3A_87 = tpu.memref_squeeze %dma_start3A_86 : memref<1x80x32xf32, #tpu.memory_space<vmem>> -> memref<80x32xf32, #tpu.memory_space<vmem>>
      %dma_start3A_88 = arith.constant 80 : i32
      %dma_start3A_89 = tpu.memref_slice %arg7[%dma_start3A_88] : memref<400xi32, #tpu.memory_space<vmem>> -> memref<80xi32, #tpu.memory_space<vmem>>
      %dma_start3A_90 = arith.constant 0 : i32
      %dma_start3A_91 = arith.constant 0 : i32
      %dma_start3A_92 = tpu.memref_slice %arg2[%dma_start3A_90, %dma_start3A_91] : memref<200000x32xf32, #tpu.memory_space<hbm>> -> memref<200000x32xf32, #tpu.memory_space<hbm>>
      tpu.enqueue_indirect_dma source(%dma_start3A_92 : memref<200000x32xf32, #tpu.memory_space<hbm>>) target(%dma_start3A_87 : memref<80x32xf32, #tpu.memory_space<vmem>>) offsets(%dma_start3A_89 : memref<80xi32, #tpu.memory_space<vmem>>) semaphore(%arg12 : memref<!tpu.dma_semaphore, #tpu.memory_space<semaphore_mem>>)
      %dma_start3A_93 = arith.constant 2 : i32
      %dma_start3A_94 = arith.constant 0 : i32
      %dma_start3A_95 = arith.constant 0 : i32
      %dma_start3A_96 = tpu.memref_slice %arg9[%dma_start3A_93, %dma_start3A_94, %dma_start3A_95] : memref<5x80x32xf32, #tpu.memory_space<vmem>> -> memref<1x80x32xf32, #tpu.memory_space<vmem>>
      %dma_start3A_97 = tpu.memref_squeeze %dma_start3A_96 : memref<1x80x32xf32, #tpu.memory_space<vmem>> -> memref<80x32xf32, #tpu.memory_space<vmem>>
      %dma_start3A_98 = arith.constant 160 : i32
      %dma_start3A_99 = tpu.memref_slice %arg7[%dma_start3A_98] : memref<400xi32, #tpu.memory_space<vmem>> -> memref<80xi32, #tpu.memory_space<vmem>>
      %dma_start3A_100 = arith.constant 0 : i32
      %dma_start3A_101 = arith.constant 0 : i32
      %dma_start3A_102 = tpu.memref_slice %arg2[%dma_start3A_100, %dma_start3A_101] : memref<200000x32xf32, #tpu.memory_space<hbm>> -> memref<200000x32xf32, #tpu.memory_space<hbm>>
      tpu.enqueue_indirect_dma source(%dma_start3A_102 : memref<200000x32xf32, #tpu.memory_space<hbm>>) target(%dma_start3A_97 : memref<80x32xf32, #tpu.memory_space<vmem>>) offsets(%dma_start3A_99 : memref<80xi32, #tpu.memory_space<vmem>>) semaphore(%arg12 : memref<!tpu.dma_semaphore, #tpu.memory_space<semaphore_mem>>)
      %dma_start3A_103 = arith.constant 3 : i32
      %dma_start3A_104 = arith.constant 0 : i32
      %dma_start3A_105 = arith.constant 0 : i32
      %dma_start3A_106 = tpu.memref_slice %arg9[%dma_start3A_103, %dma_start3A_104, %dma_start3A_105] : memref<5x80x32xf32, #tpu.memory_space<vmem>> -> memref<1x80x32xf32, #tpu.memory_space<vmem>>
      %dma_start3A_107 = tpu.memref_squeeze %dma_start3A_106 : memref<1x80x32xf32, #tpu.memory_space<vmem>> -> memref<80x32xf32, #tpu.memory_space<vmem>>
      %dma_start3A_108 = arith.constant 240 : i32
      %dma_start3A_109 = tpu.memref_slice %arg7[%dma_start3A_108] : memref<400xi32, #tpu.memory_space<vmem>> -> memref<80xi32, #tpu.memory_space<vmem>>
      %dma_start3A_110 = arith.constant 0 : i32
      %dma_start3A_111 = arith.constant 0 : i32
      %dma_start3A_112 = tpu.memref_slice %arg2[%dma_start3A_110, %dma_start3A_111] : memref<200000x32xf32, #tpu.memory_space<hbm>> -> memref<200000x32xf32, #tpu.memory_space<hbm>>
      tpu.enqueue_indirect_dma source(%dma_start3A_112 : memref<200000x32xf32, #tpu.memory_space<hbm>>) target(%dma_start3A_107 : memref<80x32xf32, #tpu.memory_space<vmem>>) offsets(%dma_start3A_109 : memref<80xi32, #tpu.memory_space<vmem>>) semaphore(%arg12 : memref<!tpu.dma_semaphore, #tpu.memory_space<semaphore_mem>>)
      %dma_start3A_113 = arith.constant 4 : i32
      %dma_start3A_114 = arith.constant 0 : i32
      %dma_start3A_115 = arith.constant 0 : i32
      %dma_start3A_116 = tpu.memref_slice %arg9[%dma_start3A_113, %dma_start3A_114, %dma_start3A_115] : memref<5x80x32xf32, #tpu.memory_space<vmem>> -> memref<1x80x32xf32, #tpu.memory_space<vmem>>
      %dma_start3A_117 = tpu.memref_squeeze %dma_start3A_116 : memref<1x80x32xf32, #tpu.memory_space<vmem>> -> memref<80x32xf32, #tpu.memory_space<vmem>>
      %dma_start3A_118 = arith.constant 320 : i32
      %dma_start3A_119 = tpu.memref_slice %arg7[%dma_start3A_118] : memref<400xi32, #tpu.memory_space<vmem>> -> memref<80xi32, #tpu.memory_space<vmem>>
      %dma_start3A_120 = arith.constant 0 : i32
      %dma_start3A_121 = arith.constant 0 : i32
      %dma_start3A_122 = tpu.memref_slice %arg2[%dma_start3A_120, %dma_start3A_121] : memref<200000x32xf32, #tpu.memory_space<hbm>> -> memref<200000x32xf32, #tpu.memory_space<hbm>>
      tpu.enqueue_indirect_dma source(%dma_start3A_122 : memref<200000x32xf32, #tpu.memory_space<hbm>>) target(%dma_start3A_117 : memref<80x32xf32, #tpu.memory_space<vmem>>) offsets(%dma_start3A_119 : memref<80xi32, #tpu.memory_space<vmem>>) semaphore(%arg12 : memref<!tpu.dma_semaphore, #tpu.memory_space<semaphore_mem>>)
      %dma_wait3A = arith.constant 0 : i32
      %dma_wait3A_123 = arith.constant 0 : i32
      %dma_wait3A_124 = arith.constant 0 : i32
      %dma_wait3A_125 = tpu.memref_slice %arg9[%dma_wait3A, %dma_wait3A_123, %dma_wait3A_124] : memref<5x80x32xf32, #tpu.memory_space<vmem>> -> memref<1x80x32xf32, #tpu.memory_space<vmem>>
      %dma_wait3A_126 = tpu.memref_squeeze %dma_wait3A_125 : memref<1x80x32xf32, #tpu.memory_space<vmem>> -> memref<80x32xf32, #tpu.memory_space<vmem>>
      %dma_wait3A_127 = arith.constant 0 : i32
      %dma_wait3A_128 = tpu.memref_slice %arg7[%dma_wait3A_127] : memref<400xi32, #tpu.memory_space<vmem>> -> memref<80xi32, #tpu.memory_space<vmem>>
      %dma_wait3A_129 = arith.constant 0 : i32
      %dma_wait3A_130 = arith.constant 0 : i32
      %dma_wait3A_131 = tpu.memref_slice %arg2[%dma_wait3A_129, %dma_wait3A_130] : memref<200000x32xf32, #tpu.memory_space<hbm>> -> memref<200000x32xf32, #tpu.memory_space<hbm>>
      tpu.wait_indirect_dma semaphore(%arg12 : memref<!tpu.dma_semaphore, #tpu.memory_space<semaphore_mem>>) src(%dma_wait3A_131 : memref<200000x32xf32, #tpu.memory_space<hbm>>) dst(%dma_wait3A_126 : memref<80x32xf32, #tpu.memory_space<vmem>>)
      %dma_wait3A_132 = arith.constant 1 : i32
      %dma_wait3A_133 = arith.constant 0 : i32
      %dma_wait3A_134 = arith.constant 0 : i32
      %dma_wait3A_135 = tpu.memref_slice %arg9[%dma_wait3A_132, %dma_wait3A_133, %dma_wait3A_134] : memref<5x80x32xf32, #tpu.memory_space<vmem>> -> memref<1x80x32xf32, #tpu.memory_space<vmem>>
      %dma_wait3A_136 = tpu.memref_squeeze %dma_wait3A_135 : memref<1x80x32xf32, #tpu.memory_space<vmem>> -> memref<80x32xf32, #tpu.memory_space<vmem>>
      %dma_wait3A_137 = arith.constant 80 : i32
      %dma_wait3A_138 = tpu.memref_slice %arg7[%dma_wait3A_137] : memref<400xi32, #tpu.memory_space<vmem>> -> memref<80xi32, #tpu.memory_space<vmem>>
      %dma_wait3A_139 = arith.constant 0 : i32
      %dma_wait3A_140 = arith.constant 0 : i32
      %dma_wait3A_141 = tpu.memref_slice %arg2[%dma_wait3A_139, %dma_wait3A_140] : memref<200000x32xf32, #tpu.memory_space<hbm>> -> memref<200000x32xf32, #tpu.memory_space<hbm>>
      tpu.wait_indirect_dma semaphore(%arg12 : memref<!tpu.dma_semaphore, #tpu.memory_space<semaphore_mem>>) src(%dma_wait3A_141 : memref<200000x32xf32, #tpu.memory_space<hbm>>) dst(%dma_wait3A_136 : memref<80x32xf32, #tpu.memory_space<vmem>>)
      %dma_wait3A_142 = arith.constant 2 : i32
      %dma_wait3A_143 = arith.constant 0 : i32
      %dma_wait3A_144 = arith.constant 0 : i32
      %dma_wait3A_145 = tpu.memref_slice %arg9[%dma_wait3A_142, %dma_wait3A_143, %dma_wait3A_144] : memref<5x80x32xf32, #tpu.memory_space<vmem>> -> memref<1x80x32xf32, #tpu.memory_space<vmem>>
      %dma_wait3A_146 = tpu.memref_squeeze %dma_wait3A_145 : memref<1x80x32xf32, #tpu.memory_space<vmem>> -> memref<80x32xf32, #tpu.memory_space<vmem>>
      %dma_wait3A_147 = arith.constant 160 : i32
      %dma_wait3A_148 = tpu.memref_slice %arg7[%dma_wait3A_147] : memref<400xi32, #tpu.memory_space<vmem>> -> memref<80xi32, #tpu.memory_space<vmem>>
      %dma_wait3A_149 = arith.constant 0 : i32
      %dma_wait3A_150 = arith.constant 0 : i32
      %dma_wait3A_151 = tpu.memref_slice %arg2[%dma_wait3A_149, %dma_wait3A_150] : memref<200000x32xf32, #tpu.memory_space<hbm>> -> memref<200000x32xf32, #tpu.memory_space<hbm>>
      tpu.wait_indirect_dma semaphore(%arg12 : memref<!tpu.dma_semaphore, #tpu.memory_space<semaphore_mem>>) src(%dma_wait3A_151 : memref<200000x32xf32, #tpu.memory_space<hbm>>) dst(%dma_wait3A_146 : memref<80x32xf32, #tpu.memory_space<vmem>>)
      %dma_wait3A_152 = arith.constant 3 : i32
      %dma_wait3A_153 = arith.constant 0 : i32
      %dma_wait3A_154 = arith.constant 0 : i32
      %dma_wait3A_155 = tpu.memref_slice %arg9[%dma_wait3A_152, %dma_wait3A_153, %dma_wait3A_154] : memref<5x80x32xf32, #tpu.memory_space<vmem>> -> memref<1x80x32xf32, #tpu.memory_space<vmem>>
      %dma_wait3A_156 = tpu.memref_squeeze %dma_wait3A_155 : memref<1x80x32xf32, #tpu.memory_space<vmem>> -> memref<80x32xf32, #tpu.memory_space<vmem>>
      %dma_wait3A_157 = arith.constant 240 : i32
      %dma_wait3A_158 = tpu.memref_slice %arg7[%dma_wait3A_157] : memref<400xi32, #tpu.memory_space<vmem>> -> memref<80xi32, #tpu.memory_space<vmem>>
      %dma_wait3A_159 = arith.constant 0 : i32
      %dma_wait3A_160 = arith.constant 0 : i32
      %dma_wait3A_161 = tpu.memref_slice %arg2[%dma_wait3A_159, %dma_wait3A_160] : memref<200000x32xf32, #tpu.memory_space<hbm>> -> memref<200000x32xf32, #tpu.memory_space<hbm>>
      tpu.wait_indirect_dma semaphore(%arg12 : memref<!tpu.dma_semaphore, #tpu.memory_space<semaphore_mem>>) src(%dma_wait3A_161 : memref<200000x32xf32, #tpu.memory_space<hbm>>) dst(%dma_wait3A_156 : memref<80x32xf32, #tpu.memory_space<vmem>>)
      %dma_wait3A_162 = arith.constant 4 : i32
      %dma_wait3A_163 = arith.constant 0 : i32
      %dma_wait3A_164 = arith.constant 0 : i32
      %dma_wait3A_165 = tpu.memref_slice %arg9[%dma_wait3A_162, %dma_wait3A_163, %dma_wait3A_164] : memref<5x80x32xf32, #tpu.memory_space<vmem>> -> memref<1x80x32xf32, #tpu.memory_space<vmem>>
      %dma_wait3A_166 = tpu.memref_squeeze %dma_wait3A_165 : memref<1x80x32xf32, #tpu.memory_space<vmem>> -> memref<80x32xf32, #tpu.memory_space<vmem>>
      %dma_wait3A_167 = arith.constant 320 : i32
      %dma_wait3A_168 = tpu.memref_slice %arg7[%dma_wait3A_167] : memref<400xi32, #tpu.memory_space<vmem>> -> memref<80xi32, #tpu.memory_space<vmem>>
      %dma_wait3A_169 = arith.constant 0 : i32
      %dma_wait3A_170 = arith.constant 0 : i32
      %dma_wait3A_171 = tpu.memref_slice %arg2[%dma_wait3A_169, %dma_wait3A_170] : memref<200000x32xf32, #tpu.memory_space<hbm>> -> memref<200000x32xf32, #tpu.memory_space<hbm>>
      tpu.wait_indirect_dma semaphore(%arg12 : memref<!tpu.dma_semaphore, #tpu.memory_space<semaphore_mem>>) src(%dma_wait3A_171 : memref<200000x32xf32, #tpu.memory_space<hbm>>) dst(%dma_wait3A_166 : memref<80x32xf32, #tpu.memory_space<vmem>>)
      %dma_start3A_172 = arith.constant 0 : i32
      %dma_start3A_173 = arith.constant 0 : i32
      %dma_start3A_174 = arith.constant 0 : i32
      %dma_start3A_175 = arith.constant 0 : i32
      %dma_start3A_176 = tpu.memref_slice %arg9[%dma_start3A_172, %dma_start3A_174, %dma_start3A_175] : memref<5x80x32xf32, #tpu.memory_space<vmem>> -> memref<1x80x32xf32, #tpu.memory_space<vmem>>
      %dma_start3A_177 = tpu.memref_squeeze %dma_start3A_176 : memref<1x80x32xf32, #tpu.memory_space<vmem>> -> memref<80x32xf32, #tpu.memory_space<vmem>>
      %dma_start3A_178 = arith.constant 0 : i32
      %dma_start3A_179 = tpu.memref_slice %arg8[%dma_start3A_173, %dma_start3A_178] : memref<5x80xi32, #tpu.memory_space<vmem>> -> memref<1x80xi32, #tpu.memory_space<vmem>>
      %dma_start3A_180 = tpu.memref_squeeze %dma_start3A_179 : memref<1x80xi32, #tpu.memory_space<vmem>> -> memref<80xi32, #tpu.memory_space<vmem>>
      %dma_start3A_181 = arith.constant 0 : i32
      %dma_start3A_182 = arith.constant 0 : i32
      %dma_start3A_183 = tpu.memref_slice %arg6[%dma_start3A_181, %dma_start3A_182] : memref<50000x32xf32, #tpu.memory_space<vmem_shared>> -> memref<50000x32xf32, #tpu.memory_space<vmem_shared>>
      tpu.enqueue_indirect_dma source(%dma_start3A_177 : memref<80x32xf32, #tpu.memory_space<vmem>>) target(%dma_start3A_183 : memref<50000x32xf32, #tpu.memory_space<vmem_shared>>) offsets(%dma_start3A_180 : memref<80xi32, #tpu.memory_space<vmem>>) semaphore(%arg13 : memref<!tpu.dma_semaphore, #tpu.memory_space<semaphore_mem>>) {add = true}
      %dma_start3A_184 = arith.constant 1 : i32
      %dma_start3A_185 = arith.constant 1 : i32
      %dma_start3A_186 = arith.constant 0 : i32
      %dma_start3A_187 = arith.constant 0 : i32
      %dma_start3A_188 = tpu.memref_slice %arg9[%dma_start3A_184, %dma_start3A_186, %dma_start3A_187] : memref<5x80x32xf32, #tpu.memory_space<vmem>> -> memref<1x80x32xf32, #tpu.memory_space<vmem>>
      %dma_start3A_189 = tpu.memref_squeeze %dma_start3A_188 : memref<1x80x32xf32, #tpu.memory_space<vmem>> -> memref<80x32xf32, #tpu.memory_space<vmem>>
      %dma_start3A_190 = arith.constant 0 : i32
      %dma_start3A_191 = tpu.memref_slice %arg8[%dma_start3A_185, %dma_start3A_190] : memref<5x80xi32, #tpu.memory_space<vmem>> -> memref<1x80xi32, #tpu.memory_space<vmem>>
      %dma_start3A_192 = tpu.memref_squeeze %dma_start3A_191 : memref<1x80xi32, #tpu.memory_space<vmem>> -> memref<80xi32, #tpu.memory_space<vmem>>
      %dma_start3A_193 = arith.constant 0 : i32
      %dma_start3A_194 = arith.constant 0 : i32
      %dma_start3A_195 = tpu.memref_slice %arg6[%dma_start3A_193, %dma_start3A_194] : memref<50000x32xf32, #tpu.memory_space<vmem_shared>> -> memref<50000x32xf32, #tpu.memory_space<vmem_shared>>
      tpu.enqueue_indirect_dma source(%dma_start3A_189 : memref<80x32xf32, #tpu.memory_space<vmem>>) target(%dma_start3A_195 : memref<50000x32xf32, #tpu.memory_space<vmem_shared>>) offsets(%dma_start3A_192 : memref<80xi32, #tpu.memory_space<vmem>>) semaphore(%arg13 : memref<!tpu.dma_semaphore, #tpu.memory_space<semaphore_mem>>) {add = true}
      %dma_start3A_196 = arith.constant 2 : i32
      %dma_start3A_197 = arith.constant 2 : i32
      %dma_start3A_198 = arith.constant 0 : i32
      %dma_start3A_199 = arith.constant 0 : i32
      %dma_start3A_200 = tpu.memref_slice %arg9[%dma_start3A_196, %dma_start3A_198, %dma_start3A_199] : memref<5x80x32xf32, #tpu.memory_space<vmem>> -> memref<1x80x32xf32, #tpu.memory_space<vmem>>
      %dma_start3A_201 = tpu.memref_squeeze %dma_start3A_200 : memref<1x80x32xf32, #tpu.memory_space<vmem>> -> memref<80x32xf32, #tpu.memory_space<vmem>>
      %dma_start3A_202 = arith.constant 0 : i32
      %dma_start3A_203 = tpu.memref_slice %arg8[%dma_start3A_197, %dma_start3A_202] : memref<5x80xi32, #tpu.memory_space<vmem>> -> memref<1x80xi32, #tpu.memory_space<vmem>>
      %dma_start3A_204 = tpu.memref_squeeze %dma_start3A_203 : memref<1x80xi32, #tpu.memory_space<vmem>> -> memref<80xi32, #tpu.memory_space<vmem>>
      %dma_start3A_205 = arith.constant 0 : i32
      %dma_start3A_206 = arith.constant 0 : i32
      %dma_start3A_207 = tpu.memref_slice %arg6[%dma_start3A_205, %dma_start3A_206] : memref<50000x32xf32, #tpu.memory_space<vmem_shared>> -> memref<50000x32xf32, #tpu.memory_space<vmem_shared>>
      tpu.enqueue_indirect_dma source(%dma_start3A_201 : memref<80x32xf32, #tpu.memory_space<vmem>>) target(%dma_start3A_207 : memref<50000x32xf32, #tpu.memory_space<vmem_shared>>) offsets(%dma_start3A_204 : memref<80xi32, #tpu.memory_space<vmem>>) semaphore(%arg13 : memref<!tpu.dma_semaphore, #tpu.memory_space<semaphore_mem>>) {add = true}
      %dma_start3A_208 = arith.constant 3 : i32
      %dma_start3A_209 = arith.constant 3 : i32
      %dma_start3A_210 = arith.constant 0 : i32
      %dma_start3A_211 = arith.constant 0 : i32
      %dma_start3A_212 = tpu.memref_slice %arg9[%dma_start3A_208, %dma_start3A_210, %dma_start3A_211] : memref<5x80x32xf32, #tpu.memory_space<vmem>> -> memref<1x80x32xf32, #tpu.memory_space<vmem>>
      %dma_start3A_213 = tpu.memref_squeeze %dma_start3A_212 : memref<1x80x32xf32, #tpu.memory_space<vmem>> -> memref<80x32xf32, #tpu.memory_space<vmem>>
      %dma_start3A_214 = arith.constant 0 : i32
      %dma_start3A_215 = tpu.memref_slice %arg8[%dma_start3A_209, %dma_start3A_214] : memref<5x80xi32, #tpu.memory_space<vmem>> -> memref<1x80xi32, #tpu.memory_space<vmem>>
      %dma_start3A_216 = tpu.memref_squeeze %dma_start3A_215 : memref<1x80xi32, #tpu.memory_space<vmem>> -> memref<80xi32, #tpu.memory_space<vmem>>
      %dma_start3A_217 = arith.constant 0 : i32
      %dma_start3A_218 = arith.constant 0 : i32
      %dma_start3A_219 = tpu.memref_slice %arg6[%dma_start3A_217, %dma_start3A_218] : memref<50000x32xf32, #tpu.memory_space<vmem_shared>> -> memref<50000x32xf32, #tpu.memory_space<vmem_shared>>
      tpu.enqueue_indirect_dma source(%dma_start3A_213 : memref<80x32xf32, #tpu.memory_space<vmem>>) target(%dma_start3A_219 : memref<50000x32xf32, #tpu.memory_space<vmem_shared>>) offsets(%dma_start3A_216 : memref<80xi32, #tpu.memory_space<vmem>>) semaphore(%arg13 : memref<!tpu.dma_semaphore, #tpu.memory_space<semaphore_mem>>) {add = true}
      %dma_start3A_220 = arith.constant 4 : i32
      %dma_start3A_221 = arith.constant 4 : i32
      %dma_start3A_222 = arith.constant 0 : i32
      %dma_start3A_223 = arith.constant 0 : i32
      %dma_start3A_224 = tpu.memref_slice %arg9[%dma_start3A_220, %dma_start3A_222, %dma_start3A_223] : memref<5x80x32xf32, #tpu.memory_space<vmem>> -> memref<1x80x32xf32, #tpu.memory_space<vmem>>
      %dma_start3A_225 = tpu.memref_squeeze %dma_start3A_224 : memref<1x80x32xf32, #tpu.memory_space<vmem>> -> memref<80x32xf32, #tpu.memory_space<vmem>>
      %dma_start3A_226 = arith.constant 0 : i32
      %dma_start3A_227 = tpu.memref_slice %arg8[%dma_start3A_221, %dma_start3A_226] : memref<5x80xi32, #tpu.memory_space<vmem>> -> memref<1x80xi32, #tpu.memory_space<vmem>>
      %dma_start3A_228 = tpu.memref_squeeze %dma_start3A_227 : memref<1x80xi32, #tpu.memory_space<vmem>> -> memref<80xi32, #tpu.memory_space<vmem>>
      %dma_start3A_229 = arith.constant 0 : i32
      %dma_start3A_230 = arith.constant 0 : i32
      %dma_start3A_231 = tpu.memref_slice %arg6[%dma_start3A_229, %dma_start3A_230] : memref<50000x32xf32, #tpu.memory_space<vmem_shared>> -> memref<50000x32xf32, #tpu.memory_space<vmem_shared>>
      tpu.enqueue_indirect_dma source(%dma_start3A_225 : memref<80x32xf32, #tpu.memory_space<vmem>>) target(%dma_start3A_231 : memref<50000x32xf32, #tpu.memory_space<vmem_shared>>) offsets(%dma_start3A_228 : memref<80xi32, #tpu.memory_space<vmem>>) semaphore(%arg13 : memref<!tpu.dma_semaphore, #tpu.memory_space<semaphore_mem>>) {add = true}
      %dma_wait3A_232 = arith.constant 0 : i32
      %dma_wait3A_233 = arith.constant 0 : i32
      %dma_wait3A_234 = arith.constant 0 : i32
      %dma_wait3A_235 = arith.constant 0 : i32
      %dma_wait3A_236 = tpu.memref_slice %arg9[%dma_wait3A_232, %dma_wait3A_234, %dma_wait3A_235] : memref<5x80x32xf32, #tpu.memory_space<vmem>> -> memref<1x80x32xf32, #tpu.memory_space<vmem>>
      %dma_wait3A_237 = tpu.memref_squeeze %dma_wait3A_236 : memref<1x80x32xf32, #tpu.memory_space<vmem>> -> memref<80x32xf32, #tpu.memory_space<vmem>>
      %dma_wait3A_238 = arith.constant 0 : i32
      %dma_wait3A_239 = tpu.memref_slice %arg8[%dma_wait3A_233, %dma_wait3A_238] : memref<5x80xi32, #tpu.memory_space<vmem>> -> memref<1x80xi32, #tpu.memory_space<vmem>>
      %dma_wait3A_240 = tpu.memref_squeeze %dma_wait3A_239 : memref<1x80xi32, #tpu.memory_space<vmem>> -> memref<80xi32, #tpu.memory_space<vmem>>
      %dma_wait3A_241 = arith.constant 0 : i32
      %dma_wait3A_242 = arith.constant 0 : i32
      %dma_wait3A_243 = tpu.memref_slice %arg6[%dma_wait3A_241, %dma_wait3A_242] : memref<50000x32xf32, #tpu.memory_space<vmem_shared>> -> memref<50000x32xf32, #tpu.memory_space<vmem_shared>>
      tpu.wait_indirect_dma semaphore(%arg13 : memref<!tpu.dma_semaphore, #tpu.memory_space<semaphore_mem>>) src(%dma_wait3A_237 : memref<80x32xf32, #tpu.memory_space<vmem>>) dst(%dma_wait3A_243 : memref<50000x32xf32, #tpu.memory_space<vmem_shared>>)
      %dma_wait3A_244 = arith.constant 1 : i32
      %dma_wait3A_245 = arith.constant 1 : i32
      %dma_wait3A_246 = arith.constant 0 : i32
      %dma_wait3A_247 = arith.constant 0 : i32
      %dma_wait3A_248 = tpu.memref_slice %arg9[%dma_wait3A_244, %dma_wait3A_246, %dma_wait3A_247] : memref<5x80x32xf32, #tpu.memory_space<vmem>> -> memref<1x80x32xf32, #tpu.memory_space<vmem>>
      %dma_wait3A_249 = tpu.memref_squeeze %dma_wait3A_248 : memref<1x80x32xf32, #tpu.memory_space<vmem>> -> memref<80x32xf32, #tpu.memory_space<vmem>>
      %dma_wait3A_250 = arith.constant 0 : i32
      %dma_wait3A_251 = tpu.memref_slice %arg8[%dma_wait3A_245, %dma_wait3A_250] : memref<5x80xi32, #tpu.memory_space<vmem>> -> memref<1x80xi32, #tpu.memory_space<vmem>>
      %dma_wait3A_252 = tpu.memref_squeeze %dma_wait3A_251 : memref<1x80xi32, #tpu.memory_space<vmem>> -> memref<80xi32, #tpu.memory_space<vmem>>
      %dma_wait3A_253 = arith.constant 0 : i32
      %dma_wait3A_254 = arith.constant 0 : i32
      %dma_wait3A_255 = tpu.memref_slice %arg6[%dma_wait3A_253, %dma_wait3A_254] : memref<50000x32xf32, #tpu.memory_space<vmem_shared>> -> memref<50000x32xf32, #tpu.memory_space<vmem_shared>>
      tpu.wait_indirect_dma semaphore(%arg13 : memref<!tpu.dma_semaphore, #tpu.memory_space<semaphore_mem>>) src(%dma_wait3A_249 : memref<80x32xf32, #tpu.memory_space<vmem>>) dst(%dma_wait3A_255 : memref<50000x32xf32, #tpu.memory_space<vmem_shared>>)
      %dma_wait3A_256 = arith.constant 2 : i32
      %dma_wait3A_257 = arith.constant 2 : i32
      %dma_wait3A_258 = arith.constant 0 : i32
      %dma_wait3A_259 = arith.constant 0 : i32
      %dma_wait3A_260 = tpu.memref_slice %arg9[%dma_wait3A_256, %dma_wait3A_258, %dma_wait3A_259] : memref<5x80x32xf32, #tpu.memory_space<vmem>> -> memref<1x80x32xf32, #tpu.memory_space<vmem>>
      %dma_wait3A_261 = tpu.memref_squeeze %dma_wait3A_260 : memref<1x80x32xf32, #tpu.memory_space<vmem>> -> memref<80x32xf32, #tpu.memory_space<vmem>>
      %dma_wait3A_262 = arith.constant 0 : i32
      %dma_wait3A_263 = tpu.memref_slice %arg8[%dma_wait3A_257, %dma_wait3A_262] : memref<5x80xi32, #tpu.memory_space<vmem>> -> memref<1x80xi32, #tpu.memory_space<vmem>>
      %dma_wait3A_264 = tpu.memref_squeeze %dma_wait3A_263 : memref<1x80xi32, #tpu.memory_space<vmem>> -> memref<80xi32, #tpu.memory_space<vmem>>
      %dma_wait3A_265 = arith.constant 0 : i32
      %dma_wait3A_266 = arith.constant 0 : i32
      %dma_wait3A_267 = tpu.memref_slice %arg6[%dma_wait3A_265, %dma_wait3A_266] : memref<50000x32xf32, #tpu.memory_space<vmem_shared>> -> memref<50000x32xf32, #tpu.memory_space<vmem_shared>>
      tpu.wait_indirect_dma semaphore(%arg13 : memref<!tpu.dma_semaphore, #tpu.memory_space<semaphore_mem>>) src(%dma_wait3A_261 : memref<80x32xf32, #tpu.memory_space<vmem>>) dst(%dma_wait3A_267 : memref<50000x32xf32, #tpu.memory_space<vmem_shared>>)
      %dma_wait3A_268 = arith.constant 3 : i32
      %dma_wait3A_269 = arith.constant 3 : i32
      %dma_wait3A_270 = arith.constant 0 : i32
      %dma_wait3A_271 = arith.constant 0 : i32
      %dma_wait3A_272 = tpu.memref_slice %arg9[%dma_wait3A_268, %dma_wait3A_270, %dma_wait3A_271] : memref<5x80x32xf32, #tpu.memory_space<vmem>> -> memref<1x80x32xf32, #tpu.memory_space<vmem>>
      %dma_wait3A_273 = tpu.memref_squeeze %dma_wait3A_272 : memref<1x80x32xf32, #tpu.memory_space<vmem>> -> memref<80x32xf32, #tpu.memory_space<vmem>>
      %dma_wait3A_274 = arith.constant 0 : i32
      %dma_wait3A_275 = tpu.memref_slice %arg8[%dma_wait3A_269, %dma_wait3A_274] : memref<5x80xi32, #tpu.memory_space<vmem>> -> memref<1x80xi32, #tpu.memory_space<vmem>>
      %dma_wait3A_276 = tpu.memref_squeeze %dma_wait3A_275 : memref<1x80xi32, #tpu.memory_space<vmem>> -> memref<80xi32, #tpu.memory_space<vmem>>
      %dma_wait3A_277 = arith.constant 0 : i32
      %dma_wait3A_278 = arith.constant 0 : i32
      %dma_wait3A_279 = tpu.memref_slice %arg6[%dma_wait3A_277, %dma_wait3A_278] : memref<50000x32xf32, #tpu.memory_space<vmem_shared>> -> memref<50000x32xf32, #tpu.memory_space<vmem_shared>>
      tpu.wait_indirect_dma semaphore(%arg13 : memref<!tpu.dma_semaphore, #tpu.memory_space<semaphore_mem>>) src(%dma_wait3A_273 : memref<80x32xf32, #tpu.memory_space<vmem>>) dst(%dma_wait3A_279 : memref<50000x32xf32, #tpu.memory_space<vmem_shared>>)
      %dma_wait3A_280 = arith.constant 4 : i32
      %dma_wait3A_281 = arith.constant 4 : i32
      %dma_wait3A_282 = arith.constant 0 : i32
      %dma_wait3A_283 = arith.constant 0 : i32
      %dma_wait3A_284 = tpu.memref_slice %arg9[%dma_wait3A_280, %dma_wait3A_282, %dma_wait3A_283] : memref<5x80x32xf32, #tpu.memory_space<vmem>> -> memref<1x80x32xf32, #tpu.memory_space<vmem>>
      %dma_wait3A_285 = tpu.memref_squeeze %dma_wait3A_284 : memref<1x80x32xf32, #tpu.memory_space<vmem>> -> memref<80x32xf32, #tpu.memory_space<vmem>>
      %dma_wait3A_286 = arith.constant 0 : i32
      %dma_wait3A_287 = tpu.memref_slice %arg8[%dma_wait3A_281, %dma_wait3A_286] : memref<5x80xi32, #tpu.memory_space<vmem>> -> memref<1x80xi32, #tpu.memory_space<vmem>>
      %dma_wait3A_288 = tpu.memref_squeeze %dma_wait3A_287 : memref<1x80xi32, #tpu.memory_space<vmem>> -> memref<80xi32, #tpu.memory_space<vmem>>
      %dma_wait3A_289 = arith.constant 0 : i32
      %dma_wait3A_290 = arith.constant 0 : i32
      %dma_wait3A_291 = tpu.memref_slice %arg6[%dma_wait3A_289, %dma_wait3A_290] : memref<50000x32xf32, #tpu.memory_space<vmem_shared>> -> memref<50000x32xf32, #tpu.memory_space<vmem_shared>>
      tpu.wait_indirect_dma semaphore(%arg13 : memref<!tpu.dma_semaphore, #tpu.memory_space<semaphore_mem>>) src(%dma_wait3A_285 : memref<80x32xf32, #tpu.memory_space<vmem>>) dst(%dma_wait3A_291 : memref<50000x32xf32, #tpu.memory_space<vmem_shared>>)
    }
    %scan3A_41 = arith.constant 125 : i32
    %barrier3A_42 = arith.constant 0 : index
    tpu.barrier barrier_id(%barrier3A_42)
    %scan3A_43 = arith.constant 0 : i32
    %scan3A_44 = arith.constant 25 : i32
    %scan3A_45 = arith.addi %scan3A_43, %scan3A_44 : i32
    %scan3A_46 = arith.constant 1 : i32
    scf.for %scan3A_49 = %scan3A_43 to %scan3A_45 step %scan3A_46  : i32 {
      %mul3A_50 = arith.constant 125 : i32
      %mul3A_51 = arith.muli %scan3A_49, %mul3A_50 : i32
      %add3A_52 = arith.addi %mul3A_2, %mul3A_51 : i32
      "tpu.region"() ({
        %run_scoped3A = tpu.sem_alloc : memref<!tpu.dma_semaphore, #tpu.memory_space<semaphore_mem>>
        %dma_start3A = arith.constant 0 : i32
        %dma_start3A_56 = tpu.memref_slice %arg6[%add3A_52, %dma_start3A] : memref<50000x32xf32, #tpu.memory_space<vmem_shared>> -> memref<125x32xf32, #tpu.memory_space<vmem_shared>>
        %dma_start3A_57 = arith.constant 0 : i32
        %dma_start3A_58 = tpu.memref_slice %arg6[%add3A_52, %dma_start3A_57] : memref<50000x32xf32, #tpu.memory_space<vmem_shared>> -> memref<125x32xf32, #tpu.memory_space<vmem_shared>>
        tpu.enqueue_dma source(%dma_start3A_58 : memref<125x32xf32, #tpu.memory_space<vmem_shared>>) target(%arg11 : memref<125x32xf32, #tpu.memory_space<vmem>>) target_semaphore(%run_scoped3A : memref<!tpu.dma_semaphore, #tpu.memory_space<semaphore_mem>>)
        %dma_wait3A = arith.constant 0 : i32
        %dma_wait3A_59 = tpu.memref_slice %arg6[%add3A_52, %dma_wait3A] : memref<50000x32xf32, #tpu.memory_space<vmem_shared>> -> memref<125x32xf32, #tpu.memory_space<vmem_shared>>
        %dma_wait3A_60 = arith.constant 0 : i32
        %dma_wait3A_61 = tpu.memref_slice %arg6[%add3A_52, %dma_wait3A_60] : memref<50000x32xf32, #tpu.memory_space<vmem_shared>> -> memref<125x32xf32, #tpu.memory_space<vmem_shared>>
        tpu.wait_dma2 semaphore(%run_scoped3A : memref<!tpu.dma_semaphore, #tpu.memory_space<semaphore_mem>>) src(%dma_wait3A_61 : memref<125x32xf32, #tpu.memory_space<vmem_shared>>) dst(%arg11 : memref<125x32xf32, #tpu.memory_space<vmem>>)
        tpu.yield
      }) : () -> ()
      %mul3A_53 = arith.constant 125 : i32
      %mul3A_54 = arith.muli %scan3A_49, %mul3A_53 : i32
      %add3A_55 = arith.addi %mul3A_2, %mul3A_54 : i32
      "tpu.region"() ({
        %run_scoped3A = tpu.sem_alloc : memref<!tpu.dma_semaphore, #tpu.memory_space<semaphore_mem>>
        %dma_start3A = arith.constant 0 : i32
        %dma_start3A_56 = tpu.memref_slice %arg5[%add3A_55, %add3A_30, %dma_start3A] : memref<50000x4x32xf32, #tpu.memory_space<hbm>> -> memref<125x1x32xf32, #tpu.memory_space<hbm>>
        %dma_start3A_57 = tpu.memref_squeeze %dma_start3A_56 : memref<125x1x32xf32, #tpu.memory_space<hbm>> -> memref<125x32xf32, #tpu.memory_space<hbm>>
        %dma_start3A_58 = arith.constant 0 : i32
        %dma_start3A_59 = tpu.memref_slice %arg5[%add3A_55, %add3A_30, %dma_start3A_58] : memref<50000x4x32xf32, #tpu.memory_space<hbm>> -> memref<125x1x32xf32, #tpu.memory_space<hbm>>
        %dma_start3A_60 = tpu.memref_squeeze %dma_start3A_59 : memref<125x1x32xf32, #tpu.memory_space<hbm>> -> memref<125x32xf32, #tpu.memory_space<hbm>>
        tpu.enqueue_dma source(%arg11 : memref<125x32xf32, #tpu.memory_space<vmem>>) target(%dma_start3A_60 : memref<125x32xf32, #tpu.memory_space<hbm>>) target_semaphore(%run_scoped3A : memref<!tpu.dma_semaphore, #tpu.memory_space<semaphore_mem>>)
        %dma_wait3A = arith.constant 0 : i32
        %dma_wait3A_61 = tpu.memref_slice %arg5[%add3A_55, %add3A_30, %dma_wait3A] : memref<50000x4x32xf32, #tpu.memory_space<hbm>> -> memref<125x1x32xf32, #tpu.memory_space<hbm>>
        %dma_wait3A_62 = tpu.memref_squeeze %dma_wait3A_61 : memref<125x1x32xf32, #tpu.memory_space<hbm>> -> memref<125x32xf32, #tpu.memory_space<hbm>>
        %dma_wait3A_63 = arith.constant 0 : i32
        %dma_wait3A_64 = tpu.memref_slice %arg5[%add3A_55, %add3A_30, %dma_wait3A_63] : memref<50000x4x32xf32, #tpu.memory_space<hbm>> -> memref<125x1x32xf32, #tpu.memory_space<hbm>>
        %dma_wait3A_65 = tpu.memref_squeeze %dma_wait3A_64 : memref<125x1x32xf32, #tpu.memory_space<hbm>> -> memref<125x32xf32, #tpu.memory_space<hbm>>
        tpu.wait_dma2 semaphore(%run_scoped3A : memref<!tpu.dma_semaphore, #tpu.memory_space<semaphore_mem>>) src(%arg11 : memref<125x32xf32, #tpu.memory_space<vmem>>) dst(%dma_wait3A_65 : memref<125x32xf32, #tpu.memory_space<hbm>>)
        tpu.yield
      }) : () -> ()
    }
    %scan3A_47 = arith.constant 25 : i32
    %barrier3A_48 = arith.constant 0 : index
    tpu.barrier barrier_id(%barrier3A_48)
    return
  }
}

#map = affine_map<(d0, d1) -> (0, 0)>
#map1 = affine_map<(d0, d1) -> (0)>
#map2 = affine_map<(d0, d1) -> (0, 0, 0)>
module attributes {stable_mosaic.version = 14 : i64} {
  func.func @_sc_aggregate(%arg0: i32, %arg1: i32, %arg2: memref<200000x32xf32, #tpu.memory_space<hbm>>, %arg3: memref<800000xi32, #tpu.memory_space<hbm>>, %arg4: memref<10000x80xi32, #tpu.memory_space<hbm>>, %arg5: memref<50000x4x32xf32, #tpu.memory_space<hbm>>, %arg6: memref<50000x32xf32, #tpu.memory_space<vmem_shared>>, %arg7: memref<400xi32, #tpu.memory_space<vmem>>, %arg8: memref<5x80xi32, #tpu.memory_space<vmem>>, %arg9: memref<5x80x32xf32, #tpu.memory_space<vmem>>, %arg10: memref<125x32xf32, #tpu.memory_space<vmem>>, %arg11: memref<125x32xf32, #tpu.memory_space<vmem>>, %arg12: memref<!tpu.dma_semaphore, #tpu.memory_space<semaphore_mem>>, %arg13: memref<!tpu.dma_semaphore, #tpu.memory_space<semaphore_mem>>) attributes {dimension_semantics = [#tpu.dimension_semantics<core_parallel>, #tpu.dimension_semantics<subcore_parallel>], iteration_bounds = array<i64: 2, 16>, scalar_prefetch = 0 : i64, scratch_operands = 8 : i64, tpu.core_type = #tpu.core_type<sc_vector_subcore>, window_params = [{transform_indices = #map}, {transform_indices = #map1}, {transform_indices = #map}, {transform_indices = #map2}]} {
    %mul3A = arith.constant 50000 : i32
    %mul3A_0 = arith.muli %arg1, %mul3A : i32
    %mul3A_1 = arith.constant 3125 : i32
    %mul3A_2 = arith.muli %arg1, %mul3A_1 : i32
    %scan3A = arith.constant 0 : i32
    %scan3A_3 = arith.constant 125 : i32
    %scan3A_4 = arith.addi %scan3A, %scan3A_3 : i32
    %scan3A_5 = arith.constant 1 : i32
    scf.for %scan3A_49 = %scan3A to %scan3A_4 step %scan3A_5  : i32 {
      %broadcast_in_dim3A = arith.constant 0.000000e+00 : f32
      %broadcast_in_dim3A_50 = vector.broadcast %broadcast_in_dim3A : f32 to vector<16xf32>
      %swap3A = arith.index_cast %scan3A_49 : i32 to index
      %swap3A_51 = arith.constant 0 : index
      %swap3A_52 = tpu.vector_load %arg10[%swap3A, %swap3A_51] {strides = array<i32>} : memref<125x32xf32, #tpu.memory_space<vmem>>, vector<1x16xf32>,
      %swap3A_53 = vector.shape_cast %swap3A_52 : vector<1x16xf32> to vector<16xf32>
      %swap3A_54 = vector.shape_cast %broadcast_in_dim3A_50 : vector<16xf32> to vector<1x16xf32>
      tpu.vector_store %arg10[%swap3A, %swap3A_51], %swap3A_54 {strides = array<i32>} : memref<125x32xf32, #tpu.memory_space<vmem>>, vector<1x16xf32>,
      %broadcast_in_dim3A_55 = arith.constant 0.000000e+00 : f32
      %broadcast_in_dim3A_56 = vector.broadcast %broadcast_in_dim3A_55 : f32 to vector<16xf32>
      %swap3A_57 = arith.index_cast %scan3A_49 : i32 to index
      %swap3A_58 = arith.constant 16 : index
      %swap3A_59 = tpu.vector_load %arg10[%swap3A_57, %swap3A_58] {strides = array<i32>} : memref<125x32xf32, #tpu.memory_space<vmem>>, vector<1x16xf32>,
      %swap3A_60 = vector.shape_cast %swap3A_59 : vector<1x16xf32> to vector<16xf32>
      %swap3A_61 = vector.shape_cast %broadcast_in_dim3A_56 : vector<16xf32> to vector<1x16xf32>
      tpu.vector_store %arg10[%swap3A_57, %swap3A_58], %swap3A_61 {strides = array<i32>} : memref<125x32xf32, #tpu.memory_space<vmem>>, vector<1x16xf32>,
    }
    %scan3A_6 = arith.constant 125 : i32
    %mul3A_7 = arith.constant 2 : i32
    %mul3A_8 = arith.muli %mul3A_7, %arg0 : i32
    %add3A = arith.constant 0 : i32
    %add3A_9 = arith.addi %mul3A_8, %add3A : i32
    %scan3A_10 = arith.constant 0 : i32
    %scan3A_11 = arith.constant 25 : i32
    %scan3A_12 = arith.addi %scan3A_10, %scan3A_11 : i32
    %scan3A_13 = arith.constant 1 : i32
    scf.for %scan3A_49 = %scan3A_10 to %scan3A_12 step %scan3A_13  : i32 {
      %mul3A_50 = arith.constant 125 : i32
      %mul3A_51 = arith.muli %scan3A_49, %mul3A_50 : i32
      %add3A_52 = arith.addi %mul3A_2, %mul3A_51 : i32
      "tpu.region"() ({
        %run_scoped3A = tpu.sem_alloc : memref<!tpu.dma_semaphore, #tpu.memory_space<semaphore_mem>>
        %dma_start3A = arith.constant 0 : i32
        %dma_start3A_53 = tpu.memref_slice %arg6[%add3A_52, %dma_start3A] : memref<50000x32xf32, #tpu.memory_space<vmem_shared>> -> memref<125x32xf32, #tpu.memory_space<vmem_shared>>
        %dma_start3A_54 = arith.constant 0 : i32
        %dma_start3A_55 = tpu.memref_slice %arg6[%add3A_52, %dma_start3A_54] : memref<50000x32xf32, #tpu.memory_space<vmem_shared>> -> memref<125x32xf32, #tpu.memory_space<vmem_shared>>
        tpu.enqueue_dma source(%arg10 : memref<125x32xf32, #tpu.memory_space<vmem>>) target(%dma_start3A_55 : memref<125x32xf32, #tpu.memory_space<vmem_shared>>) target_semaphore(%run_scoped3A : memref<!tpu.dma_semaphore, #tpu.memory_space<semaphore_mem>>)
        %dma_wait3A = arith.constant 0 : i32
        %dma_wait3A_56 = tpu.memref_slice %arg6[%add3A_52, %dma_wait3A] : memref<50000x32xf32, #tpu.memory_space<vmem_shared>> -> memref<125x32xf32, #tpu.memory_space<vmem_shared>>
        %dma_wait3A_57 = arith.constant 0 : i32
        %dma_wait3A_58 = tpu.memref_slice %arg6[%add3A_52, %dma_wait3A_57] : memref<50000x32xf32, #tpu.memory_space<vmem_shared>> -> memref<125x32xf32, #tpu.memory_space<vmem_shared>>
        tpu.wait_dma2 semaphore(%run_scoped3A : memref<!tpu.dma_semaphore, #tpu.memory_space<semaphore_mem>>) src(%arg10 : memref<125x32xf32, #tpu.memory_space<vmem>>) dst(%dma_wait3A_58 : memref<125x32xf32, #tpu.memory_space<vmem_shared>>)
        tpu.yield
      }) : () -> ()
    }
    %scan3A_14 = arith.constant 25 : i32
    %barrier3A = arith.constant 0 : index
    tpu.barrier barrier_id(%barrier3A)
    %scan3A_15 = arith.constant 0 : i32
    %scan3A_16 = arith.constant 125 : i32
    %scan3A_17 = arith.addi %scan3A_15, %scan3A_16 : i32
    %scan3A_18 = arith.constant 1 : i32
    scf.for %scan3A_49 = %scan3A_15 to %scan3A_17 step %scan3A_18  : i32 {
      %mul3A_50 = arith.constant 400 : i32
      %mul3A_51 = arith.muli %scan3A_49, %mul3A_50 : i32
      %add3A_52 = arith.addi %mul3A_0, %mul3A_51 : i32
      "tpu.region"() ({
        %run_scoped3A = tpu.sem_alloc : memref<!tpu.dma_semaphore, #tpu.memory_space<semaphore_mem>>
        %dma_start3A_292 = tpu.memref_slice %arg3[%add3A_52] : memref<800000xi32, #tpu.memory_space<hbm>> -> memref<400xi32, #tpu.memory_space<hbm>>
        %dma_start3A_293 = tpu.memref_slice %arg3[%add3A_52] : memref<800000xi32, #tpu.memory_space<hbm>> -> memref<400xi32, #tpu.memory_space<hbm>>
        tpu.enqueue_dma source(%dma_start3A_293 : memref<400xi32, #tpu.memory_space<hbm>>) target(%arg7 : memref<400xi32, #tpu.memory_space<vmem>>) target_semaphore(%run_scoped3A : memref<!tpu.dma_semaphore, #tpu.memory_space<semaphore_mem>>)
        %dma_wait3A_294 = tpu.memref_slice %arg3[%add3A_52] : memref<800000xi32, #tpu.memory_space<hbm>> -> memref<400xi32, #tpu.memory_space<hbm>>
        %dma_wait3A_295 = tpu.memref_slice %arg3[%add3A_52] : memref<800000xi32, #tpu.memory_space<hbm>> -> memref<400xi32, #tpu.memory_space<hbm>>
        tpu.wait_dma2 semaphore(%run_scoped3A : memref<!tpu.dma_semaphore, #tpu.memory_space<semaphore_mem>>) src(%dma_wait3A_295 : memref<400xi32, #tpu.memory_space<hbm>>) dst(%arg7 : memref<400xi32, #tpu.memory_space<vmem>>)
        tpu.yield
      }) : () -> ()
      %jit3A = arith.constant 80 : i32
      %div3A = arith.divsi %add3A_52, %jit3A : i32
      %sign3A = arith.constant 0 : i32
      %sign3A_53 = arith.cmpi sgt, %add3A_52, %sign3A : i32
      %sign3A_54 = arith.extui %sign3A_53 : i1 to i32
      %sign3A_55 = arith.constant 0 : i32
      %sign3A_56 = arith.cmpi slt, %add3A_52, %sign3A_55 : i32
      %sign3A_57 = arith.extui %sign3A_56 : i1 to i32
      %sign3A_58 = arith.subi %sign3A_54, %sign3A_57 : i32
      %sign3A_59 = arith.constant 0 : i32
      %sign3A_60 = arith.cmpi sgt, %jit3A, %sign3A_59 : i32
      %sign3A_61 = arith.extui %sign3A_60 : i1 to i32
      %sign3A_62 = arith.constant 0 : i32
      %sign3A_63 = arith.cmpi slt, %jit3A, %sign3A_62 : i32
      %sign3A_64 = arith.extui %sign3A_63 : i1 to i32
      %sign3A_65 = arith.subi %sign3A_61, %sign3A_64 : i32
      %ne3A = arith.cmpi ne, %sign3A_58, %sign3A_65 : i32
      %rem3A = arith.remsi %add3A_52, %jit3A : i32
      %ne3A_66 = arith.constant 0 : i32
      %ne3A_67 = arith.cmpi ne, %rem3A, %ne3A_66 : i32
      %and3A = arith.andi %ne3A, %ne3A_67 : i1
      %sub3A = arith.constant 1 : i32
      %sub3A_68 = arith.subi %div3A, %sub3A : i32
      %select_n3A = arith.select %and3A, %sub3A_68, %div3A : i32
      "tpu.region"() ({
        %run_scoped3A = tpu.sem_alloc : memref<!tpu.dma_semaphore, #tpu.memory_space<semaphore_mem>>
        %dma_start3A_292 = arith.constant 0 : i32
        %dma_start3A_293 = tpu.memref_slice %arg4[%select_n3A, %dma_start3A_292] : memref<10000x80xi32, #tpu.memory_space<hbm>> -> memref<5x80xi32, #tpu.memory_space<hbm>>
        %dma_start3A_294 = arith.constant 0 : i32
        %dma_start3A_295 = tpu.memref_slice %arg4[%select_n3A, %dma_start3A_294] : memref<10000x80xi32, #tpu.memory_space<hbm>> -> memref<5x80xi32, #tpu.memory_space<hbm>>
        tpu.enqueue_dma source(%dma_start3A_295 : memref<5x80xi32, #tpu.memory_space<hbm>>) target(%arg8 : memref<5x80xi32, #tpu.memory_space<vmem>>) target_semaphore(%run_scoped3A : memref<!tpu.dma_semaphore, #tpu.memory_space<semaphore_mem>>)
        %dma_wait3A_296 = arith.constant 0 : i32
        %dma_wait3A_297 = tpu.memref_slice %arg4[%select_n3A, %dma_wait3A_296] : memref<10000x80xi32, #tpu.memory_space<hbm>> -> memref<5x80xi32, #tpu.memory_space<hbm>>
        %dma_wait3A_298 = arith.constant 0 : i32
        %dma_wait3A_299 = tpu.memref_slice %arg4[%select_n3A, %dma_wait3A_298] : memref<10000x80xi32, #tpu.memory_space<hbm>> -> memref<5x80xi32, #tpu.memory_space<hbm>>
        tpu.wait_dma2 semaphore(%run_scoped3A : memref<!tpu.dma_semaphore, #tpu.memory_space<semaphore_mem>>) src(%dma_wait3A_299 : memref<5x80xi32, #tpu.memory_space<hbm>>) dst(%arg8 : memref<5x80xi32, #tpu.memory_space<vmem>>)
        tpu.yield
      }) : () -> ()
      %scan3A_69 = arith.constant 0 : i32
      %scan3A_70 = arith.constant 25 : i32
      %scan3A_71 = arith.addi %scan3A_69, %scan3A_70 : i32
      %scan3A_72 = arith.constant 1 : i32
      scf.for %scan3A_292 = %scan3A_69 to %scan3A_71 step %scan3A_72  : i32 {
        %mul3A_293 = arith.constant 16 : i32
        %mul3A_294 = arith.muli %mul3A_293, %scan3A_292 : i32
        %get3A = arith.index_cast %mul3A_294 : i32 to index
        %get3A_295 = tpu.vector_load %arg7[%get3A] {strides = array<i32>} : memref<400xi32, #tpu.memory_space<vmem>>, vector<16xi32>,
        %get3A_296 = vector.shape_cast %get3A_295 : vector<16xi32> to vector<16xi32>
        %mul3A_297 = arith.constant 4 : i32
        %mul3A_298 = vector.broadcast %mul3A_297 : i32 to vector<16xi32>
        %mul3A_299 = arith.muli %get3A_296, %mul3A_298 : vector<16xi32>
        %add3A_300 = vector.broadcast %add3A_9 : i32 to vector<16xi32>
        %add3A_301 = arith.addi %mul3A_299, %add3A_300 : vector<16xi32>
        %mul3A_302 = arith.constant 16 : i32
        %mul3A_303 = arith.muli %mul3A_302, %scan3A_292 : i32
        %swap3A = arith.index_cast %mul3A_303 : i32 to index
        %swap3A_304 = tpu.vector_load %arg7[%swap3A] {strides = array<i32>} : memref<400xi32, #tpu.memory_space<vmem>>, vector<16xi32>,
        %swap3A_305 = vector.shape_cast %swap3A_304 : vector<16xi32> to vector<16xi32>
        %swap3A_306 = vector.shape_cast %add3A_301 : vector<16xi32> to vector<16xi32>
        tpu.vector_store %arg7[%swap3A], %swap3A_306 {strides = array<i32>} : memref<400xi32, #tpu.memory_space<vmem>>, vector<16xi32>,
      }
      %scan3A_73 = arith.constant 25 : i32
      %dma_start3A = arith.constant 0 : i32
      %dma_start3A_74 = arith.constant 0 : i32
      %dma_start3A_75 = arith.constant 0 : i32
      %dma_start3A_76 = tpu.memref_slice %arg9[%dma_start3A, %dma_start3A_74, %dma_start3A_75] : memref<5x80x32xf32, #tpu.memory_space<vmem>> -> memref<1x80x32xf32, #tpu.memory_space<vmem>>
      %dma_start3A_77 = tpu.memref_squeeze %dma_start3A_76 : memref<1x80x32xf32, #tpu.memory_space<vmem>> -> memref<80x32xf32, #tpu.memory_space<vmem>>
      %dma_start3A_78 = arith.constant 0 : i32
      %dma_start3A_79 = tpu.memref_slice %arg7[%dma_start3A_78] : memref<400xi32, #tpu.memory_space<vmem>> -> memref<80xi32, #tpu.memory_space<vmem>>
      %dma_start3A_80 = arith.constant 0 : i32
      %dma_start3A_81 = arith.constant 0 : i32
      %dma_start3A_82 = tpu.memref_slice %arg2[%dma_start3A_80, %dma_start3A_81] : memref<200000x32xf32, #tpu.memory_space<hbm>> -> memref<200000x32xf32, #tpu.memory_space<hbm>>
      tpu.enqueue_indirect_dma source(%dma_start3A_82 : memref<200000x32xf32, #tpu.memory_space<hbm>>) target(%dma_start3A_77 : memref<80x32xf32, #tpu.memory_space<vmem>>) offsets(%dma_start3A_79 : memref<80xi32, #tpu.memory_space<vmem>>) semaphore(%arg12 : memref<!tpu.dma_semaphore, #tpu.memory_space<semaphore_mem>>)
      %dma_start3A_83 = arith.constant 1 : i32
      %dma_start3A_84 = arith.constant 0 : i32
      %dma_start3A_85 = arith.constant 0 : i32
      %dma_start3A_86 = tpu.memref_slice %arg9[%dma_start3A_83, %dma_start3A_84, %dma_start3A_85] : memref<5x80x32xf32, #tpu.memory_space<vmem>> -> memref<1x80x32xf32, #tpu.memory_space<vmem>>
      %dma_start3A_87 = tpu.memref_squeeze %dma_start3A_86 : memref<1x80x32xf32, #tpu.memory_space<vmem>> -> memref<80x32xf32, #tpu.memory_space<vmem>>
      %dma_start3A_88 = arith.constant 80 : i32
      %dma_start3A_89 = tpu.memref_slice %arg7[%dma_start3A_88] : memref<400xi32, #tpu.memory_space<vmem>> -> memref<80xi32, #tpu.memory_space<vmem>>
      %dma_start3A_90 = arith.constant 0 : i32
      %dma_start3A_91 = arith.constant 0 : i32
      %dma_start3A_92 = tpu.memref_slice %arg2[%dma_start3A_90, %dma_start3A_91] : memref<200000x32xf32, #tpu.memory_space<hbm>> -> memref<200000x32xf32, #tpu.memory_space<hbm>>
      tpu.enqueue_indirect_dma source(%dma_start3A_92 : memref<200000x32xf32, #tpu.memory_space<hbm>>) target(%dma_start3A_87 : memref<80x32xf32, #tpu.memory_space<vmem>>) offsets(%dma_start3A_89 : memref<80xi32, #tpu.memory_space<vmem>>) semaphore(%arg12 : memref<!tpu.dma_semaphore, #tpu.memory_space<semaphore_mem>>)
      %dma_start3A_93 = arith.constant 2 : i32
      %dma_start3A_94 = arith.constant 0 : i32
      %dma_start3A_95 = arith.constant 0 : i32
      %dma_start3A_96 = tpu.memref_slice %arg9[%dma_start3A_93, %dma_start3A_94, %dma_start3A_95] : memref<5x80x32xf32, #tpu.memory_space<vmem>> -> memref<1x80x32xf32, #tpu.memory_space<vmem>>
      %dma_start3A_97 = tpu.memref_squeeze %dma_start3A_96 : memref<1x80x32xf32, #tpu.memory_space<vmem>> -> memref<80x32xf32, #tpu.memory_space<vmem>>
      %dma_start3A_98 = arith.constant 160 : i32
      %dma_start3A_99 = tpu.memref_slice %arg7[%dma_start3A_98] : memref<400xi32, #tpu.memory_space<vmem>> -> memref<80xi32, #tpu.memory_space<vmem>>
      %dma_start3A_100 = arith.constant 0 : i32
      %dma_start3A_101 = arith.constant 0 : i32
      %dma_start3A_102 = tpu.memref_slice %arg2[%dma_start3A_100, %dma_start3A_101] : memref<200000x32xf32, #tpu.memory_space<hbm>> -> memref<200000x32xf32, #tpu.memory_space<hbm>>
      tpu.enqueue_indirect_dma source(%dma_start3A_102 : memref<200000x32xf32, #tpu.memory_space<hbm>>) target(%dma_start3A_97 : memref<80x32xf32, #tpu.memory_space<vmem>>) offsets(%dma_start3A_99 : memref<80xi32, #tpu.memory_space<vmem>>) semaphore(%arg12 : memref<!tpu.dma_semaphore, #tpu.memory_space<semaphore_mem>>)
      %dma_start3A_103 = arith.constant 3 : i32
      %dma_start3A_104 = arith.constant 0 : i32
      %dma_start3A_105 = arith.constant 0 : i32
      %dma_start3A_106 = tpu.memref_slice %arg9[%dma_start3A_103, %dma_start3A_104, %dma_start3A_105] : memref<5x80x32xf32, #tpu.memory_space<vmem>> -> memref<1x80x32xf32, #tpu.memory_space<vmem>>
      %dma_start3A_107 = tpu.memref_squeeze %dma_start3A_106 : memref<1x80x32xf32, #tpu.memory_space<vmem>> -> memref<80x32xf32, #tpu.memory_space<vmem>>
      %dma_start3A_108 = arith.constant 240 : i32
      %dma_start3A_109 = tpu.memref_slice %arg7[%dma_start3A_108] : memref<400xi32, #tpu.memory_space<vmem>> -> memref<80xi32, #tpu.memory_space<vmem>>
      %dma_start3A_110 = arith.constant 0 : i32
      %dma_start3A_111 = arith.constant 0 : i32
      %dma_start3A_112 = tpu.memref_slice %arg2[%dma_start3A_110, %dma_start3A_111] : memref<200000x32xf32, #tpu.memory_space<hbm>> -> memref<200000x32xf32, #tpu.memory_space<hbm>>
      tpu.enqueue_indirect_dma source(%dma_start3A_112 : memref<200000x32xf32, #tpu.memory_space<hbm>>) target(%dma_start3A_107 : memref<80x32xf32, #tpu.memory_space<vmem>>) offsets(%dma_start3A_109 : memref<80xi32, #tpu.memory_space<vmem>>) semaphore(%arg12 : memref<!tpu.dma_semaphore, #tpu.memory_space<semaphore_mem>>)
      %dma_start3A_113 = arith.constant 4 : i32
      %dma_start3A_114 = arith.constant 0 : i32
      %dma_start3A_115 = arith.constant 0 : i32
      %dma_start3A_116 = tpu.memref_slice %arg9[%dma_start3A_113, %dma_start3A_114, %dma_start3A_115] : memref<5x80x32xf32, #tpu.memory_space<vmem>> -> memref<1x80x32xf32, #tpu.memory_space<vmem>>
      %dma_start3A_117 = tpu.memref_squeeze %dma_start3A_116 : memref<1x80x32xf32, #tpu.memory_space<vmem>> -> memref<80x32xf32, #tpu.memory_space<vmem>>
      %dma_start3A_118 = arith.constant 320 : i32
      %dma_start3A_119 = tpu.memref_slice %arg7[%dma_start3A_118] : memref<400xi32, #tpu.memory_space<vmem>> -> memref<80xi32, #tpu.memory_space<vmem>>
      %dma_start3A_120 = arith.constant 0 : i32
      %dma_start3A_121 = arith.constant 0 : i32
      %dma_start3A_122 = tpu.memref_slice %arg2[%dma_start3A_120, %dma_start3A_121] : memref<200000x32xf32, #tpu.memory_space<hbm>> -> memref<200000x32xf32, #tpu.memory_space<hbm>>
      tpu.enqueue_indirect_dma source(%dma_start3A_122 : memref<200000x32xf32, #tpu.memory_space<hbm>>) target(%dma_start3A_117 : memref<80x32xf32, #tpu.memory_space<vmem>>) offsets(%dma_start3A_119 : memref<80xi32, #tpu.memory_space<vmem>>) semaphore(%arg12 : memref<!tpu.dma_semaphore, #tpu.memory_space<semaphore_mem>>)
      %dma_wait3A = arith.constant 0 : i32
      %dma_wait3A_123 = arith.constant 0 : i32
      %dma_wait3A_124 = arith.constant 0 : i32
      %dma_wait3A_125 = tpu.memref_slice %arg9[%dma_wait3A, %dma_wait3A_123, %dma_wait3A_124] : memref<5x80x32xf32, #tpu.memory_space<vmem>> -> memref<1x80x32xf32, #tpu.memory_space<vmem>>
      %dma_wait3A_126 = tpu.memref_squeeze %dma_wait3A_125 : memref<1x80x32xf32, #tpu.memory_space<vmem>> -> memref<80x32xf32, #tpu.memory_space<vmem>>
      %dma_wait3A_127 = arith.constant 0 : i32
      %dma_wait3A_128 = tpu.memref_slice %arg7[%dma_wait3A_127] : memref<400xi32, #tpu.memory_space<vmem>> -> memref<80xi32, #tpu.memory_space<vmem>>
      %dma_wait3A_129 = arith.constant 0 : i32
      %dma_wait3A_130 = arith.constant 0 : i32
      %dma_wait3A_131 = tpu.memref_slice %arg2[%dma_wait3A_129, %dma_wait3A_130] : memref<200000x32xf32, #tpu.memory_space<hbm>> -> memref<200000x32xf32, #tpu.memory_space<hbm>>
      tpu.wait_indirect_dma semaphore(%arg12 : memref<!tpu.dma_semaphore, #tpu.memory_space<semaphore_mem>>) src(%dma_wait3A_131 : memref<200000x32xf32, #tpu.memory_space<hbm>>) dst(%dma_wait3A_126 : memref<80x32xf32, #tpu.memory_space<vmem>>)
      %dma_wait3A_132 = arith.constant 1 : i32
      %dma_wait3A_133 = arith.constant 0 : i32
      %dma_wait3A_134 = arith.constant 0 : i32
      %dma_wait3A_135 = tpu.memref_slice %arg9[%dma_wait3A_132, %dma_wait3A_133, %dma_wait3A_134] : memref<5x80x32xf32, #tpu.memory_space<vmem>> -> memref<1x80x32xf32, #tpu.memory_space<vmem>>
      %dma_wait3A_136 = tpu.memref_squeeze %dma_wait3A_135 : memref<1x80x32xf32, #tpu.memory_space<vmem>> -> memref<80x32xf32, #tpu.memory_space<vmem>>
      %dma_wait3A_137 = arith.constant 80 : i32
      %dma_wait3A_138 = tpu.memref_slice %arg7[%dma_wait3A_137] : memref<400xi32, #tpu.memory_space<vmem>> -> memref<80xi32, #tpu.memory_space<vmem>>
      %dma_wait3A_139 = arith.constant 0 : i32
      %dma_wait3A_140 = arith.constant 0 : i32
      %dma_wait3A_141 = tpu.memref_slice %arg2[%dma_wait3A_139, %dma_wait3A_140] : memref<200000x32xf32, #tpu.memory_space<hbm>> -> memref<200000x32xf32, #tpu.memory_space<hbm>>
      tpu.wait_indirect_dma semaphore(%arg12 : memref<!tpu.dma_semaphore, #tpu.memory_space<semaphore_mem>>) src(%dma_wait3A_141 : memref<200000x32xf32, #tpu.memory_space<hbm>>) dst(%dma_wait3A_136 : memref<80x32xf32, #tpu.memory_space<vmem>>)
      %dma_wait3A_142 = arith.constant 2 : i32
      %dma_wait3A_143 = arith.constant 0 : i32
      %dma_wait3A_144 = arith.constant 0 : i32
      %dma_wait3A_145 = tpu.memref_slice %arg9[%dma_wait3A_142, %dma_wait3A_143, %dma_wait3A_144] : memref<5x80x32xf32, #tpu.memory_space<vmem>> -> memref<1x80x32xf32, #tpu.memory_space<vmem>>
      %dma_wait3A_146 = tpu.memref_squeeze %dma_wait3A_145 : memref<1x80x32xf32, #tpu.memory_space<vmem>> -> memref<80x32xf32, #tpu.memory_space<vmem>>
      %dma_wait3A_147 = arith.constant 160 : i32
      %dma_wait3A_148 = tpu.memref_slice %arg7[%dma_wait3A_147] : memref<400xi32, #tpu.memory_space<vmem>> -> memref<80xi32, #tpu.memory_space<vmem>>
      %dma_wait3A_149 = arith.constant 0 : i32
      %dma_wait3A_150 = arith.constant 0 : i32
      %dma_wait3A_151 = tpu.memref_slice %arg2[%dma_wait3A_149, %dma_wait3A_150] : memref<200000x32xf32, #tpu.memory_space<hbm>> -> memref<200000x32xf32, #tpu.memory_space<hbm>>
      tpu.wait_indirect_dma semaphore(%arg12 : memref<!tpu.dma_semaphore, #tpu.memory_space<semaphore_mem>>) src(%dma_wait3A_151 : memref<200000x32xf32, #tpu.memory_space<hbm>>) dst(%dma_wait3A_146 : memref<80x32xf32, #tpu.memory_space<vmem>>)
      %dma_wait3A_152 = arith.constant 3 : i32
      %dma_wait3A_153 = arith.constant 0 : i32
      %dma_wait3A_154 = arith.constant 0 : i32
      %dma_wait3A_155 = tpu.memref_slice %arg9[%dma_wait3A_152, %dma_wait3A_153, %dma_wait3A_154] : memref<5x80x32xf32, #tpu.memory_space<vmem>> -> memref<1x80x32xf32, #tpu.memory_space<vmem>>
      %dma_wait3A_156 = tpu.memref_squeeze %dma_wait3A_155 : memref<1x80x32xf32, #tpu.memory_space<vmem>> -> memref<80x32xf32, #tpu.memory_space<vmem>>
      %dma_wait3A_157 = arith.constant 240 : i32
      %dma_wait3A_158 = tpu.memref_slice %arg7[%dma_wait3A_157] : memref<400xi32, #tpu.memory_space<vmem>> -> memref<80xi32, #tpu.memory_space<vmem>>
      %dma_wait3A_159 = arith.constant 0 : i32
      %dma_wait3A_160 = arith.constant 0 : i32
      %dma_wait3A_161 = tpu.memref_slice %arg2[%dma_wait3A_159, %dma_wait3A_160] : memref<200000x32xf32, #tpu.memory_space<hbm>> -> memref<200000x32xf32, #tpu.memory_space<hbm>>
      tpu.wait_indirect_dma semaphore(%arg12 : memref<!tpu.dma_semaphore, #tpu.memory_space<semaphore_mem>>) src(%dma_wait3A_161 : memref<200000x32xf32, #tpu.memory_space<hbm>>) dst(%dma_wait3A_156 : memref<80x32xf32, #tpu.memory_space<vmem>>)
      %dma_wait3A_162 = arith.constant 4 : i32
      %dma_wait3A_163 = arith.constant 0 : i32
      %dma_wait3A_164 = arith.constant 0 : i32
      %dma_wait3A_165 = tpu.memref_slice %arg9[%dma_wait3A_162, %dma_wait3A_163, %dma_wait3A_164] : memref<5x80x32xf32, #tpu.memory_space<vmem>> -> memref<1x80x32xf32, #tpu.memory_space<vmem>>
      %dma_wait3A_166 = tpu.memref_squeeze %dma_wait3A_165 : memref<1x80x32xf32, #tpu.memory_space<vmem>> -> memref<80x32xf32, #tpu.memory_space<vmem>>
      %dma_wait3A_167 = arith.constant 320 : i32
      %dma_wait3A_168 = tpu.memref_slice %arg7[%dma_wait3A_167] : memref<400xi32, #tpu.memory_space<vmem>> -> memref<80xi32, #tpu.memory_space<vmem>>
      %dma_wait3A_169 = arith.constant 0 : i32
      %dma_wait3A_170 = arith.constant 0 : i32
      %dma_wait3A_171 = tpu.memref_slice %arg2[%dma_wait3A_169, %dma_wait3A_170] : memref<200000x32xf32, #tpu.memory_space<hbm>> -> memref<200000x32xf32, #tpu.memory_space<hbm>>
      tpu.wait_indirect_dma semaphore(%arg12 : memref<!tpu.dma_semaphore, #tpu.memory_space<semaphore_mem>>) src(%dma_wait3A_171 : memref<200000x32xf32, #tpu.memory_space<hbm>>) dst(%dma_wait3A_166 : memref<80x32xf32, #tpu.memory_space<vmem>>)
      %dma_start3A_172 = arith.constant 0 : i32
      %dma_start3A_173 = arith.constant 0 : i32
      %dma_start3A_174 = arith.constant 0 : i32
      %dma_start3A_175 = arith.constant 0 : i32
      %dma_start3A_176 = tpu.memref_slice %arg9[%dma_start3A_172, %dma_start3A_174, %dma_start3A_175] : memref<5x80x32xf32, #tpu.memory_space<vmem>> -> memref<1x80x32xf32, #tpu.memory_space<vmem>>
      %dma_start3A_177 = tpu.memref_squeeze %dma_start3A_176 : memref<1x80x32xf32, #tpu.memory_space<vmem>> -> memref<80x32xf32, #tpu.memory_space<vmem>>
      %dma_start3A_178 = arith.constant 0 : i32
      %dma_start3A_179 = tpu.memref_slice %arg8[%dma_start3A_173, %dma_start3A_178] : memref<5x80xi32, #tpu.memory_space<vmem>> -> memref<1x80xi32, #tpu.memory_space<vmem>>
      %dma_start3A_180 = tpu.memref_squeeze %dma_start3A_179 : memref<1x80xi32, #tpu.memory_space<vmem>> -> memref<80xi32, #tpu.memory_space<vmem>>
      %dma_start3A_181 = arith.constant 0 : i32
      %dma_start3A_182 = arith.constant 0 : i32
      %dma_start3A_183 = tpu.memref_slice %arg6[%dma_start3A_181, %dma_start3A_182] : memref<50000x32xf32, #tpu.memory_space<vmem_shared>> -> memref<50000x32xf32, #tpu.memory_space<vmem_shared>>
      tpu.enqueue_indirect_dma source(%dma_start3A_177 : memref<80x32xf32, #tpu.memory_space<vmem>>) target(%dma_start3A_183 : memref<50000x32xf32, #tpu.memory_space<vmem_shared>>) offsets(%dma_start3A_180 : memref<80xi32, #tpu.memory_space<vmem>>) semaphore(%arg13 : memref<!tpu.dma_semaphore, #tpu.memory_space<semaphore_mem>>) {add = true}
      %dma_start3A_184 = arith.constant 1 : i32
      %dma_start3A_185 = arith.constant 1 : i32
      %dma_start3A_186 = arith.constant 0 : i32
      %dma_start3A_187 = arith.constant 0 : i32
      %dma_start3A_188 = tpu.memref_slice %arg9[%dma_start3A_184, %dma_start3A_186, %dma_start3A_187] : memref<5x80x32xf32, #tpu.memory_space<vmem>> -> memref<1x80x32xf32, #tpu.memory_space<vmem>>
      %dma_start3A_189 = tpu.memref_squeeze %dma_start3A_188 : memref<1x80x32xf32, #tpu.memory_space<vmem>> -> memref<80x32xf32, #tpu.memory_space<vmem>>
      %dma_start3A_190 = arith.constant 0 : i32
      %dma_start3A_191 = tpu.memref_slice %arg8[%dma_start3A_185, %dma_start3A_190] : memref<5x80xi32, #tpu.memory_space<vmem>> -> memref<1x80xi32, #tpu.memory_space<vmem>>
      %dma_start3A_192 = tpu.memref_squeeze %dma_start3A_191 : memref<1x80xi32, #tpu.memory_space<vmem>> -> memref<80xi32, #tpu.memory_space<vmem>>
      %dma_start3A_193 = arith.constant 0 : i32
      %dma_start3A_194 = arith.constant 0 : i32
      %dma_start3A_195 = tpu.memref_slice %arg6[%dma_start3A_193, %dma_start3A_194] : memref<50000x32xf32, #tpu.memory_space<vmem_shared>> -> memref<50000x32xf32, #tpu.memory_space<vmem_shared>>
      tpu.enqueue_indirect_dma source(%dma_start3A_189 : memref<80x32xf32, #tpu.memory_space<vmem>>) target(%dma_start3A_195 : memref<50000x32xf32, #tpu.memory_space<vmem_shared>>) offsets(%dma_start3A_192 : memref<80xi32, #tpu.memory_space<vmem>>) semaphore(%arg13 : memref<!tpu.dma_semaphore, #tpu.memory_space<semaphore_mem>>) {add = true}
      %dma_start3A_196 = arith.constant 2 : i32
      %dma_start3A_197 = arith.constant 2 : i32
      %dma_start3A_198 = arith.constant 0 : i32
      %dma_start3A_199 = arith.constant 0 : i32
      %dma_start3A_200 = tpu.memref_slice %arg9[%dma_start3A_196, %dma_start3A_198, %dma_start3A_199] : memref<5x80x32xf32, #tpu.memory_space<vmem>> -> memref<1x80x32xf32, #tpu.memory_space<vmem>>
      %dma_start3A_201 = tpu.memref_squeeze %dma_start3A_200 : memref<1x80x32xf32, #tpu.memory_space<vmem>> -> memref<80x32xf32, #tpu.memory_space<vmem>>
      %dma_start3A_202 = arith.constant 0 : i32
      %dma_start3A_203 = tpu.memref_slice %arg8[%dma_start3A_197, %dma_start3A_202] : memref<5x80xi32, #tpu.memory_space<vmem>> -> memref<1x80xi32, #tpu.memory_space<vmem>>
      %dma_start3A_204 = tpu.memref_squeeze %dma_start3A_203 : memref<1x80xi32, #tpu.memory_space<vmem>> -> memref<80xi32, #tpu.memory_space<vmem>>
      %dma_start3A_205 = arith.constant 0 : i32
      %dma_start3A_206 = arith.constant 0 : i32
      %dma_start3A_207 = tpu.memref_slice %arg6[%dma_start3A_205, %dma_start3A_206] : memref<50000x32xf32, #tpu.memory_space<vmem_shared>> -> memref<50000x32xf32, #tpu.memory_space<vmem_shared>>
      tpu.enqueue_indirect_dma source(%dma_start3A_201 : memref<80x32xf32, #tpu.memory_space<vmem>>) target(%dma_start3A_207 : memref<50000x32xf32, #tpu.memory_space<vmem_shared>>) offsets(%dma_start3A_204 : memref<80xi32, #tpu.memory_space<vmem>>) semaphore(%arg13 : memref<!tpu.dma_semaphore, #tpu.memory_space<semaphore_mem>>) {add = true}
      %dma_start3A_208 = arith.constant 3 : i32
      %dma_start3A_209 = arith.constant 3 : i32
      %dma_start3A_210 = arith.constant 0 : i32
      %dma_start3A_211 = arith.constant 0 : i32
      %dma_start3A_212 = tpu.memref_slice %arg9[%dma_start3A_208, %dma_start3A_210, %dma_start3A_211] : memref<5x80x32xf32, #tpu.memory_space<vmem>> -> memref<1x80x32xf32, #tpu.memory_space<vmem>>
      %dma_start3A_213 = tpu.memref_squeeze %dma_start3A_212 : memref<1x80x32xf32, #tpu.memory_space<vmem>> -> memref<80x32xf32, #tpu.memory_space<vmem>>
      %dma_start3A_214 = arith.constant 0 : i32
      %dma_start3A_215 = tpu.memref_slice %arg8[%dma_start3A_209, %dma_start3A_214] : memref<5x80xi32, #tpu.memory_space<vmem>> -> memref<1x80xi32, #tpu.memory_space<vmem>>
      %dma_start3A_216 = tpu.memref_squeeze %dma_start3A_215 : memref<1x80xi32, #tpu.memory_space<vmem>> -> memref<80xi32, #tpu.memory_space<vmem>>
      %dma_start3A_217 = arith.constant 0 : i32
      %dma_start3A_218 = arith.constant 0 : i32
      %dma_start3A_219 = tpu.memref_slice %arg6[%dma_start3A_217, %dma_start3A_218] : memref<50000x32xf32, #tpu.memory_space<vmem_shared>> -> memref<50000x32xf32, #tpu.memory_space<vmem_shared>>
      tpu.enqueue_indirect_dma source(%dma_start3A_213 : memref<80x32xf32, #tpu.memory_space<vmem>>) target(%dma_start3A_219 : memref<50000x32xf32, #tpu.memory_space<vmem_shared>>) offsets(%dma_start3A_216 : memref<80xi32, #tpu.memory_space<vmem>>) semaphore(%arg13 : memref<!tpu.dma_semaphore, #tpu.memory_space<semaphore_mem>>) {add = true}
      %dma_start3A_220 = arith.constant 4 : i32
      %dma_start3A_221 = arith.constant 4 : i32
      %dma_start3A_222 = arith.constant 0 : i32
      %dma_start3A_223 = arith.constant 0 : i32
      %dma_start3A_224 = tpu.memref_slice %arg9[%dma_start3A_220, %dma_start3A_222, %dma_start3A_223] : memref<5x80x32xf32, #tpu.memory_space<vmem>> -> memref<1x80x32xf32, #tpu.memory_space<vmem>>
      %dma_start3A_225 = tpu.memref_squeeze %dma_start3A_224 : memref<1x80x32xf32, #tpu.memory_space<vmem>> -> memref<80x32xf32, #tpu.memory_space<vmem>>
      %dma_start3A_226 = arith.constant 0 : i32
      %dma_start3A_227 = tpu.memref_slice %arg8[%dma_start3A_221, %dma_start3A_226] : memref<5x80xi32, #tpu.memory_space<vmem>> -> memref<1x80xi32, #tpu.memory_space<vmem>>
      %dma_start3A_228 = tpu.memref_squeeze %dma_start3A_227 : memref<1x80xi32, #tpu.memory_space<vmem>> -> memref<80xi32, #tpu.memory_space<vmem>>
      %dma_start3A_229 = arith.constant 0 : i32
      %dma_start3A_230 = arith.constant 0 : i32
      %dma_start3A_231 = tpu.memref_slice %arg6[%dma_start3A_229, %dma_start3A_230] : memref<50000x32xf32, #tpu.memory_space<vmem_shared>> -> memref<50000x32xf32, #tpu.memory_space<vmem_shared>>
      tpu.enqueue_indirect_dma source(%dma_start3A_225 : memref<80x32xf32, #tpu.memory_space<vmem>>) target(%dma_start3A_231 : memref<50000x32xf32, #tpu.memory_space<vmem_shared>>) offsets(%dma_start3A_228 : memref<80xi32, #tpu.memory_space<vmem>>) semaphore(%arg13 : memref<!tpu.dma_semaphore, #tpu.memory_space<semaphore_mem>>) {add = true}
      %dma_wait3A_232 = arith.constant 0 : i32
      %dma_wait3A_233 = arith.constant 0 : i32
      %dma_wait3A_234 = arith.constant 0 : i32
      %dma_wait3A_235 = arith.constant 0 : i32
      %dma_wait3A_236 = tpu.memref_slice %arg9[%dma_wait3A_232, %dma_wait3A_234, %dma_wait3A_235] : memref<5x80x32xf32, #tpu.memory_space<vmem>> -> memref<1x80x32xf32, #tpu.memory_space<vmem>>
      %dma_wait3A_237 = tpu.memref_squeeze %dma_wait3A_236 : memref<1x80x32xf32, #tpu.memory_space<vmem>> -> memref<80x32xf32, #tpu.memory_space<vmem>>
      %dma_wait3A_238 = arith.constant 0 : i32
      %dma_wait3A_239 = tpu.memref_slice %arg8[%dma_wait3A_233, %dma_wait3A_238] : memref<5x80xi32, #tpu.memory_space<vmem>> -> memref<1x80xi32, #tpu.memory_space<vmem>>
      %dma_wait3A_240 = tpu.memref_squeeze %dma_wait3A_239 : memref<1x80xi32, #tpu.memory_space<vmem>> -> memref<80xi32, #tpu.memory_space<vmem>>
      %dma_wait3A_241 = arith.constant 0 : i32
      %dma_wait3A_242 = arith.constant 0 : i32
      %dma_wait3A_243 = tpu.memref_slice %arg6[%dma_wait3A_241, %dma_wait3A_242] : memref<50000x32xf32, #tpu.memory_space<vmem_shared>> -> memref<50000x32xf32, #tpu.memory_space<vmem_shared>>
      tpu.wait_indirect_dma semaphore(%arg13 : memref<!tpu.dma_semaphore, #tpu.memory_space<semaphore_mem>>) src(%dma_wait3A_237 : memref<80x32xf32, #tpu.memory_space<vmem>>) dst(%dma_wait3A_243 : memref<50000x32xf32, #tpu.memory_space<vmem_shared>>)
      %dma_wait3A_244 = arith.constant 1 : i32
      %dma_wait3A_245 = arith.constant 1 : i32
      %dma_wait3A_246 = arith.constant 0 : i32
      %dma_wait3A_247 = arith.constant 0 : i32
      %dma_wait3A_248 = tpu.memref_slice %arg9[%dma_wait3A_244, %dma_wait3A_246, %dma_wait3A_247] : memref<5x80x32xf32, #tpu.memory_space<vmem>> -> memref<1x80x32xf32, #tpu.memory_space<vmem>>
      %dma_wait3A_249 = tpu.memref_squeeze %dma_wait3A_248 : memref<1x80x32xf32, #tpu.memory_space<vmem>> -> memref<80x32xf32, #tpu.memory_space<vmem>>
      %dma_wait3A_250 = arith.constant 0 : i32
      %dma_wait3A_251 = tpu.memref_slice %arg8[%dma_wait3A_245, %dma_wait3A_250] : memref<5x80xi32, #tpu.memory_space<vmem>> -> memref<1x80xi32, #tpu.memory_space<vmem>>
      %dma_wait3A_252 = tpu.memref_squeeze %dma_wait3A_251 : memref<1x80xi32, #tpu.memory_space<vmem>> -> memref<80xi32, #tpu.memory_space<vmem>>
      %dma_wait3A_253 = arith.constant 0 : i32
      %dma_wait3A_254 = arith.constant 0 : i32
      %dma_wait3A_255 = tpu.memref_slice %arg6[%dma_wait3A_253, %dma_wait3A_254] : memref<50000x32xf32, #tpu.memory_space<vmem_shared>> -> memref<50000x32xf32, #tpu.memory_space<vmem_shared>>
      tpu.wait_indirect_dma semaphore(%arg13 : memref<!tpu.dma_semaphore, #tpu.memory_space<semaphore_mem>>) src(%dma_wait3A_249 : memref<80x32xf32, #tpu.memory_space<vmem>>) dst(%dma_wait3A_255 : memref<50000x32xf32, #tpu.memory_space<vmem_shared>>)
      %dma_wait3A_256 = arith.constant 2 : i32
      %dma_wait3A_257 = arith.constant 2 : i32
      %dma_wait3A_258 = arith.constant 0 : i32
      %dma_wait3A_259 = arith.constant 0 : i32
      %dma_wait3A_260 = tpu.memref_slice %arg9[%dma_wait3A_256, %dma_wait3A_258, %dma_wait3A_259] : memref<5x80x32xf32, #tpu.memory_space<vmem>> -> memref<1x80x32xf32, #tpu.memory_space<vmem>>
      %dma_wait3A_261 = tpu.memref_squeeze %dma_wait3A_260 : memref<1x80x32xf32, #tpu.memory_space<vmem>> -> memref<80x32xf32, #tpu.memory_space<vmem>>
      %dma_wait3A_262 = arith.constant 0 : i32
      %dma_wait3A_263 = tpu.memref_slice %arg8[%dma_wait3A_257, %dma_wait3A_262] : memref<5x80xi32, #tpu.memory_space<vmem>> -> memref<1x80xi32, #tpu.memory_space<vmem>>
      %dma_wait3A_264 = tpu.memref_squeeze %dma_wait3A_263 : memref<1x80xi32, #tpu.memory_space<vmem>> -> memref<80xi32, #tpu.memory_space<vmem>>
      %dma_wait3A_265 = arith.constant 0 : i32
      %dma_wait3A_266 = arith.constant 0 : i32
      %dma_wait3A_267 = tpu.memref_slice %arg6[%dma_wait3A_265, %dma_wait3A_266] : memref<50000x32xf32, #tpu.memory_space<vmem_shared>> -> memref<50000x32xf32, #tpu.memory_space<vmem_shared>>
      tpu.wait_indirect_dma semaphore(%arg13 : memref<!tpu.dma_semaphore, #tpu.memory_space<semaphore_mem>>) src(%dma_wait3A_261 : memref<80x32xf32, #tpu.memory_space<vmem>>) dst(%dma_wait3A_267 : memref<50000x32xf32, #tpu.memory_space<vmem_shared>>)
      %dma_wait3A_268 = arith.constant 3 : i32
      %dma_wait3A_269 = arith.constant 3 : i32
      %dma_wait3A_270 = arith.constant 0 : i32
      %dma_wait3A_271 = arith.constant 0 : i32
      %dma_wait3A_272 = tpu.memref_slice %arg9[%dma_wait3A_268, %dma_wait3A_270, %dma_wait3A_271] : memref<5x80x32xf32, #tpu.memory_space<vmem>> -> memref<1x80x32xf32, #tpu.memory_space<vmem>>
      %dma_wait3A_273 = tpu.memref_squeeze %dma_wait3A_272 : memref<1x80x32xf32, #tpu.memory_space<vmem>> -> memref<80x32xf32, #tpu.memory_space<vmem>>
      %dma_wait3A_274 = arith.constant 0 : i32
      %dma_wait3A_275 = tpu.memref_slice %arg8[%dma_wait3A_269, %dma_wait3A_274] : memref<5x80xi32, #tpu.memory_space<vmem>> -> memref<1x80xi32, #tpu.memory_space<vmem>>
      %dma_wait3A_276 = tpu.memref_squeeze %dma_wait3A_275 : memref<1x80xi32, #tpu.memory_space<vmem>> -> memref<80xi32, #tpu.memory_space<vmem>>
      %dma_wait3A_277 = arith.constant 0 : i32
      %dma_wait3A_278 = arith.constant 0 : i32
      %dma_wait3A_279 = tpu.memref_slice %arg6[%dma_wait3A_277, %dma_wait3A_278] : memref<50000x32xf32, #tpu.memory_space<vmem_shared>> -> memref<50000x32xf32, #tpu.memory_space<vmem_shared>>
      tpu.wait_indirect_dma semaphore(%arg13 : memref<!tpu.dma_semaphore, #tpu.memory_space<semaphore_mem>>) src(%dma_wait3A_273 : memref<80x32xf32, #tpu.memory_space<vmem>>) dst(%dma_wait3A_279 : memref<50000x32xf32, #tpu.memory_space<vmem_shared>>)
      %dma_wait3A_280 = arith.constant 4 : i32
      %dma_wait3A_281 = arith.constant 4 : i32
      %dma_wait3A_282 = arith.constant 0 : i32
      %dma_wait3A_283 = arith.constant 0 : i32
      %dma_wait3A_284 = tpu.memref_slice %arg9[%dma_wait3A_280, %dma_wait3A_282, %dma_wait3A_283] : memref<5x80x32xf32, #tpu.memory_space<vmem>> -> memref<1x80x32xf32, #tpu.memory_space<vmem>>
      %dma_wait3A_285 = tpu.memref_squeeze %dma_wait3A_284 : memref<1x80x32xf32, #tpu.memory_space<vmem>> -> memref<80x32xf32, #tpu.memory_space<vmem>>
      %dma_wait3A_286 = arith.constant 0 : i32
      %dma_wait3A_287 = tpu.memref_slice %arg8[%dma_wait3A_281, %dma_wait3A_286] : memref<5x80xi32, #tpu.memory_space<vmem>> -> memref<1x80xi32, #tpu.memory_space<vmem>>
      %dma_wait3A_288 = tpu.memref_squeeze %dma_wait3A_287 : memref<1x80xi32, #tpu.memory_space<vmem>> -> memref<80xi32, #tpu.memory_space<vmem>>
      %dma_wait3A_289 = arith.constant 0 : i32
      %dma_wait3A_290 = arith.constant 0 : i32
      %dma_wait3A_291 = tpu.memref_slice %arg6[%dma_wait3A_289, %dma_wait3A_290] : memref<50000x32xf32, #tpu.memory_space<vmem_shared>> -> memref<50000x32xf32, #tpu.memory_space<vmem_shared>>
      tpu.wait_indirect_dma semaphore(%arg13 : memref<!tpu.dma_semaphore, #tpu.memory_space<semaphore_mem>>) src(%dma_wait3A_285 : memref<80x32xf32, #tpu.memory_space<vmem>>) dst(%dma_wait3A_291 : memref<50000x32xf32, #tpu.memory_space<vmem_shared>>)
    }
    %scan3A_19 = arith.constant 125 : i32
    %barrier3A_20 = arith.constant 0 : index
    tpu.barrier barrier_id(%barrier3A_20)
    %scan3A_21 = arith.constant 0 : i32
    %scan3A_22 = arith.constant 25 : i32
    %scan3A_23 = arith.addi %scan3A_21, %scan3A_22 : i32
    %scan3A_24 = arith.constant 1 : i32
    scf.for %scan3A_49 = %scan3A_21 to %scan3A_23 step %scan3A_24  : i32 {
      %mul3A_50 = arith.constant 125 : i32
      %mul3A_51 = arith.muli %scan3A_49, %mul3A_50 : i32
      %add3A_52 = arith.addi %mul3A_2, %mul3A_51 : i32
      "tpu.region"() ({
        %run_scoped3A = tpu.sem_alloc : memref<!tpu.dma_semaphore, #tpu.memory_space<semaphore_mem>>
        %dma_start3A = arith.constant 0 : i32
        %dma_start3A_56 = tpu.memref_slice %arg6[%add3A_52, %dma_start3A] : memref<50000x32xf32, #tpu.memory_space<vmem_shared>> -> memref<125x32xf32, #tpu.memory_space<vmem_shared>>
        %dma_start3A_57 = arith.constant 0 : i32
        %dma_start3A_58 = tpu.memref_slice %arg6[%add3A_52, %dma_start3A_57] : memref<50000x32xf32, #tpu.memory_space<vmem_shared>> -> memref<125x32xf32, #tpu.memory_space<vmem_shared>>
        tpu.enqueue_dma source(%dma_start3A_58 : memref<125x32xf32, #tpu.memory_space<vmem_shared>>) target(%arg11 : memref<125x32xf32, #tpu.memory_space<vmem>>) target_semaphore(%run_scoped3A : memref<!tpu.dma_semaphore, #tpu.memory_space<semaphore_mem>>)
        %dma_wait3A = arith.constant 0 : i32
        %dma_wait3A_59 = tpu.memref_slice %arg6[%add3A_52, %dma_wait3A] : memref<50000x32xf32, #tpu.memory_space<vmem_shared>> -> memref<125x32xf32, #tpu.memory_space<vmem_shared>>
        %dma_wait3A_60 = arith.constant 0 : i32
        %dma_wait3A_61 = tpu.memref_slice %arg6[%add3A_52, %dma_wait3A_60] : memref<50000x32xf32, #tpu.memory_space<vmem_shared>> -> memref<125x32xf32, #tpu.memory_space<vmem_shared>>
        tpu.wait_dma2 semaphore(%run_scoped3A : memref<!tpu.dma_semaphore, #tpu.memory_space<semaphore_mem>>) src(%dma_wait3A_61 : memref<125x32xf32, #tpu.memory_space<vmem_shared>>) dst(%arg11 : memref<125x32xf32, #tpu.memory_space<vmem>>)
        tpu.yield
      }) : () -> ()
      %mul3A_53 = arith.constant 125 : i32
      %mul3A_54 = arith.muli %scan3A_49, %mul3A_53 : i32
      %add3A_55 = arith.addi %mul3A_2, %mul3A_54 : i32
      "tpu.region"() ({
        %run_scoped3A = tpu.sem_alloc : memref<!tpu.dma_semaphore, #tpu.memory_space<semaphore_mem>>
        %dma_start3A = arith.constant 0 : i32
        %dma_start3A_56 = tpu.memref_slice %arg5[%add3A_55, %add3A_9, %dma_start3A] : memref<50000x4x32xf32, #tpu.memory_space<hbm>> -> memref<125x1x32xf32, #tpu.memory_space<hbm>>
        %dma_start3A_57 = tpu.memref_squeeze %dma_start3A_56 : memref<125x1x32xf32, #tpu.memory_space<hbm>> -> memref<125x32xf32, #tpu.memory_space<hbm>>
        %dma_start3A_58 = arith.constant 0 : i32
        %dma_start3A_59 = tpu.memref_slice %arg5[%add3A_55, %add3A_9, %dma_start3A_58] : memref<50000x4x32xf32, #tpu.memory_space<hbm>> -> memref<125x1x32xf32, #tpu.memory_space<hbm>>
        %dma_start3A_60 = tpu.memref_squeeze %dma_start3A_59 : memref<125x1x32xf32, #tpu.memory_space<hbm>> -> memref<125x32xf32, #tpu.memory_space<hbm>>
        tpu.enqueue_dma source(%arg11 : memref<125x32xf32, #tpu.memory_space<vmem>>) target(%dma_start3A_60 : memref<125x32xf32, #tpu.memory_space<hbm>>) target_semaphore(%run_scoped3A : memref<!tpu.dma_semaphore, #tpu.memory_space<semaphore_mem>>)
        %dma_wait3A = arith.constant 0 : i32
        %dma_wait3A_61 = tpu.memref_slice %arg5[%add3A_55, %add3A_9, %dma_wait3A] : memref<50000x4x32xf32, #tpu.memory_space<hbm>> -> memref<125x1x32xf32, #tpu.memory_space<hbm>>
        %dma_wait3A_62 = tpu.memref_squeeze %dma_wait3A_61 : memref<125x1x32xf32, #tpu.memory_space<hbm>> -> memref<125x32xf32, #tpu.memory_space<hbm>>
        %dma_wait3A_63 = arith.constant 0 : i32
        %dma_wait3A_64 = tpu.memref_slice %arg5[%add3A_55, %add3A_9, %dma_wait3A_63] : memref<50000x4x32xf32, #tpu.memory_space<hbm>> -> memref<125x1x32xf32, #tpu.memory_space<hbm>>
        %dma_wait3A_65 = tpu.memref_squeeze %dma_wait3A_64 : memref<125x1x32xf32, #tpu.memory_space<hbm>> -> memref<125x32xf32, #tpu.memory_space<hbm>>
        tpu.wait_dma2 semaphore(%run_scoped3A : memref<!tpu.dma_semaphore, #tpu.memory_space<semaphore_mem>>) src(%arg11 : memref<125x32xf32, #tpu.memory_space<vmem>>) dst(%dma_wait3A_65 : memref<125x32xf32, #tpu.memory_space<hbm>>)
        tpu.yield
      }) : () -> ()
    }
    %scan3A_25 = arith.constant 25 : i32
    %barrier3A_26 = arith.constant 0 : index
    tpu.barrier barrier_id(%barrier3A_26)
    %mul3A_27 = arith.constant 2 : i32
    %mul3A_28 = arith.muli %mul3A_27, %arg0 : i32
    %add3A_29 = arith.constant 1 : i32
    %add3A_30 = arith.addi %mul3A_28, %add3A_29 : i32
    %scan3A_31 = arith.constant 0 : i32
    %scan3A_32 = arith.constant 25 : i32
    %scan3A_33 = arith.addi %scan3A_31, %scan3A_32 : i32
    %scan3A_34 = arith.constant 1 : i32
    scf.for %scan3A_49 = %scan3A_31 to %scan3A_33 step %scan3A_34  : i32 {
      %mul3A_50 = arith.constant 125 : i32
      %mul3A_51 = arith.muli %scan3A_49, %mul3A_50 : i32
      %add3A_52 = arith.addi %mul3A_2, %mul3A_51 : i32
      "tpu.region"() ({
        %run_scoped3A = tpu.sem_alloc : memref<!tpu.dma_semaphore, #tpu.memory_space<semaphore_mem>>
        %dma_start3A = arith.constant 0 : i32
        %dma_start3A_53 = tpu.memref_slice %arg6[%add3A_52, %dma_start3A] : memref<50000x32xf32, #tpu.memory_space<vmem_shared>> -> memref<125x32xf32, #tpu.memory_space<vmem_shared>>
        %dma_start3A_54 = arith.constant 0 : i32
        %dma_start3A_55 = tpu.memref_slice %arg6[%add3A_52, %dma_start3A_54] : memref<50000x32xf32, #tpu.memory_space<vmem_shared>> -> memref<125x32xf32, #tpu.memory_space<vmem_shared>>
        tpu.enqueue_dma source(%arg10 : memref<125x32xf32, #tpu.memory_space<vmem>>) target(%dma_start3A_55 : memref<125x32xf32, #tpu.memory_space<vmem_shared>>) target_semaphore(%run_scoped3A : memref<!tpu.dma_semaphore, #tpu.memory_space<semaphore_mem>>)
        %dma_wait3A = arith.constant 0 : i32
        %dma_wait3A_56 = tpu.memref_slice %arg6[%add3A_52, %dma_wait3A] : memref<50000x32xf32, #tpu.memory_space<vmem_shared>> -> memref<125x32xf32, #tpu.memory_space<vmem_shared>>
        %dma_wait3A_57 = arith.constant 0 : i32
        %dma_wait3A_58 = tpu.memref_slice %arg6[%add3A_52, %dma_wait3A_57] : memref<50000x32xf32, #tpu.memory_space<vmem_shared>> -> memref<125x32xf32, #tpu.memory_space<vmem_shared>>
        tpu.wait_dma2 semaphore(%run_scoped3A : memref<!tpu.dma_semaphore, #tpu.memory_space<semaphore_mem>>) src(%arg10 : memref<125x32xf32, #tpu.memory_space<vmem>>) dst(%dma_wait3A_58 : memref<125x32xf32, #tpu.memory_space<vmem_shared>>)
        tpu.yield
      }) : () -> ()
    }
    %scan3A_35 = arith.constant 25 : i32
    %barrier3A_36 = arith.constant 0 : index
    tpu.barrier barrier_id(%barrier3A_36)
    %scan3A_37 = arith.constant 0 : i32
    %scan3A_38 = arith.constant 125 : i32
    %scan3A_39 = arith.addi %scan3A_37, %scan3A_38 : i32
    %scan3A_40 = arith.constant 1 : i32
    scf.for %scan3A_49 = %scan3A_37 to %scan3A_39 step %scan3A_40  : i32 {
      %mul3A_50 = arith.constant 400 : i32
      %mul3A_51 = arith.muli %scan3A_49, %mul3A_50 : i32
      %add3A_52 = arith.addi %mul3A_0, %mul3A_51 : i32
      "tpu.region"() ({
        %run_scoped3A = tpu.sem_alloc : memref<!tpu.dma_semaphore, #tpu.memory_space<semaphore_mem>>
        %dma_start3A_292 = tpu.memref_slice %arg3[%add3A_52] : memref<800000xi32, #tpu.memory_space<hbm>> -> memref<400xi32, #tpu.memory_space<hbm>>
        %dma_start3A_293 = tpu.memref_slice %arg3[%add3A_52] : memref<800000xi32, #tpu.memory_space<hbm>> -> memref<400xi32, #tpu.memory_space<hbm>>
        tpu.enqueue_dma source(%dma_start3A_293 : memref<400xi32, #tpu.memory_space<hbm>>) target(%arg7 : memref<400xi32, #tpu.memory_space<vmem>>) target_semaphore(%run_scoped3A : memref<!tpu.dma_semaphore, #tpu.memory_space<semaphore_mem>>)
        %dma_wait3A_294 = tpu.memref_slice %arg3[%add3A_52] : memref<800000xi32, #tpu.memory_space<hbm>> -> memref<400xi32, #tpu.memory_space<hbm>>
        %dma_wait3A_295 = tpu.memref_slice %arg3[%add3A_52] : memref<800000xi32, #tpu.memory_space<hbm>> -> memref<400xi32, #tpu.memory_space<hbm>>
        tpu.wait_dma2 semaphore(%run_scoped3A : memref<!tpu.dma_semaphore, #tpu.memory_space<semaphore_mem>>) src(%dma_wait3A_295 : memref<400xi32, #tpu.memory_space<hbm>>) dst(%arg7 : memref<400xi32, #tpu.memory_space<vmem>>)
        tpu.yield
      }) : () -> ()
      %jit3A = arith.constant 80 : i32
      %div3A = arith.divsi %add3A_52, %jit3A : i32
      %sign3A = arith.constant 0 : i32
      %sign3A_53 = arith.cmpi sgt, %add3A_52, %sign3A : i32
      %sign3A_54 = arith.extui %sign3A_53 : i1 to i32
      %sign3A_55 = arith.constant 0 : i32
      %sign3A_56 = arith.cmpi slt, %add3A_52, %sign3A_55 : i32
      %sign3A_57 = arith.extui %sign3A_56 : i1 to i32
      %sign3A_58 = arith.subi %sign3A_54, %sign3A_57 : i32
      %sign3A_59 = arith.constant 0 : i32
      %sign3A_60 = arith.cmpi sgt, %jit3A, %sign3A_59 : i32
      %sign3A_61 = arith.extui %sign3A_60 : i1 to i32
      %sign3A_62 = arith.constant 0 : i32
      %sign3A_63 = arith.cmpi slt, %jit3A, %sign3A_62 : i32
      %sign3A_64 = arith.extui %sign3A_63 : i1 to i32
      %sign3A_65 = arith.subi %sign3A_61, %sign3A_64 : i32
      %ne3A = arith.cmpi ne, %sign3A_58, %sign3A_65 : i32
      %rem3A = arith.remsi %add3A_52, %jit3A : i32
      %ne3A_66 = arith.constant 0 : i32
      %ne3A_67 = arith.cmpi ne, %rem3A, %ne3A_66 : i32
      %and3A = arith.andi %ne3A, %ne3A_67 : i1
      %sub3A = arith.constant 1 : i32
      %sub3A_68 = arith.subi %div3A, %sub3A : i32
      %select_n3A = arith.select %and3A, %sub3A_68, %div3A : i32
      "tpu.region"() ({
        %run_scoped3A = tpu.sem_alloc : memref<!tpu.dma_semaphore, #tpu.memory_space<semaphore_mem>>
        %dma_start3A_292 = arith.constant 0 : i32
        %dma_start3A_293 = tpu.memref_slice %arg4[%select_n3A, %dma_start3A_292] : memref<10000x80xi32, #tpu.memory_space<hbm>> -> memref<5x80xi32, #tpu.memory_space<hbm>>
        %dma_start3A_294 = arith.constant 0 : i32
        %dma_start3A_295 = tpu.memref_slice %arg4[%select_n3A, %dma_start3A_294] : memref<10000x80xi32, #tpu.memory_space<hbm>> -> memref<5x80xi32, #tpu.memory_space<hbm>>
        tpu.enqueue_dma source(%dma_start3A_295 : memref<5x80xi32, #tpu.memory_space<hbm>>) target(%arg8 : memref<5x80xi32, #tpu.memory_space<vmem>>) target_semaphore(%run_scoped3A : memref<!tpu.dma_semaphore, #tpu.memory_space<semaphore_mem>>)
        %dma_wait3A_296 = arith.constant 0 : i32
        %dma_wait3A_297 = tpu.memref_slice %arg4[%select_n3A, %dma_wait3A_296] : memref<10000x80xi32, #tpu.memory_space<hbm>> -> memref<5x80xi32, #tpu.memory_space<hbm>>
        %dma_wait3A_298 = arith.constant 0 : i32
        %dma_wait3A_299 = tpu.memref_slice %arg4[%select_n3A, %dma_wait3A_298] : memref<10000x80xi32, #tpu.memory_space<hbm>> -> memref<5x80xi32, #tpu.memory_space<hbm>>
        tpu.wait_dma2 semaphore(%run_scoped3A : memref<!tpu.dma_semaphore, #tpu.memory_space<semaphore_mem>>) src(%dma_wait3A_299 : memref<5x80xi32, #tpu.memory_space<hbm>>) dst(%arg8 : memref<5x80xi32, #tpu.memory_space<vmem>>)
        tpu.yield
      }) : () -> ()
      %scan3A_69 = arith.constant 0 : i32
      %scan3A_70 = arith.constant 25 : i32
      %scan3A_71 = arith.addi %scan3A_69, %scan3A_70 : i32
      %scan3A_72 = arith.constant 1 : i32
      scf.for %scan3A_292 = %scan3A_69 to %scan3A_71 step %scan3A_72  : i32 {
        %mul3A_293 = arith.constant 16 : i32
        %mul3A_294 = arith.muli %mul3A_293, %scan3A_292 : i32
        %get3A = arith.index_cast %mul3A_294 : i32 to index
        %get3A_295 = tpu.vector_load %arg7[%get3A] {strides = array<i32>} : memref<400xi32, #tpu.memory_space<vmem>>, vector<16xi32>,
        %get3A_296 = vector.shape_cast %get3A_295 : vector<16xi32> to vector<16xi32>
        %mul3A_297 = arith.constant 4 : i32
        %mul3A_298 = vector.broadcast %mul3A_297 : i32 to vector<16xi32>
        %mul3A_299 = arith.muli %get3A_296, %mul3A_298 : vector<16xi32>
        %add3A_300 = vector.broadcast %add3A_30 : i32 to vector<16xi32>
        %add3A_301 = arith.addi %mul3A_299, %add3A_300 : vector<16xi32>
        %mul3A_302 = arith.constant 16 : i32
        %mul3A_303 = arith.muli %mul3A_302, %scan3A_292 : i32
        %swap3A = arith.index_cast %mul3A_303 : i32 to index
        %swap3A_304 = tpu.vector_load %arg7[%swap3A] {strides = array<i32>} : memref<400xi32, #tpu.memory_space<vmem>>, vector<16xi32>,
        %swap3A_305 = vector.shape_cast %swap3A_304 : vector<16xi32> to vector<16xi32>
        %swap3A_306 = vector.shape_cast %add3A_301 : vector<16xi32> to vector<16xi32>
        tpu.vector_store %arg7[%swap3A], %swap3A_306 {strides = array<i32>} : memref<400xi32, #tpu.memory_space<vmem>>, vector<16xi32>,
      }
      %scan3A_73 = arith.constant 25 : i32
      %dma_start3A = arith.constant 0 : i32
      %dma_start3A_74 = arith.constant 0 : i32
      %dma_start3A_75 = arith.constant 0 : i32
      %dma_start3A_76 = tpu.memref_slice %arg9[%dma_start3A, %dma_start3A_74, %dma_start3A_75] : memref<5x80x32xf32, #tpu.memory_space<vmem>> -> memref<1x80x32xf32, #tpu.memory_space<vmem>>
      %dma_start3A_77 = tpu.memref_squeeze %dma_start3A_76 : memref<1x80x32xf32, #tpu.memory_space<vmem>> -> memref<80x32xf32, #tpu.memory_space<vmem>>
      %dma_start3A_78 = arith.constant 0 : i32
      %dma_start3A_79 = tpu.memref_slice %arg7[%dma_start3A_78] : memref<400xi32, #tpu.memory_space<vmem>> -> memref<80xi32, #tpu.memory_space<vmem>>
      %dma_start3A_80 = arith.constant 0 : i32
      %dma_start3A_81 = arith.constant 0 : i32
      %dma_start3A_82 = tpu.memref_slice %arg2[%dma_start3A_80, %dma_start3A_81] : memref<200000x32xf32, #tpu.memory_space<hbm>> -> memref<200000x32xf32, #tpu.memory_space<hbm>>
      tpu.enqueue_indirect_dma source(%dma_start3A_82 : memref<200000x32xf32, #tpu.memory_space<hbm>>) target(%dma_start3A_77 : memref<80x32xf32, #tpu.memory_space<vmem>>) offsets(%dma_start3A_79 : memref<80xi32, #tpu.memory_space<vmem>>) semaphore(%arg12 : memref<!tpu.dma_semaphore, #tpu.memory_space<semaphore_mem>>)
      %dma_start3A_83 = arith.constant 1 : i32
      %dma_start3A_84 = arith.constant 0 : i32
      %dma_start3A_85 = arith.constant 0 : i32
      %dma_start3A_86 = tpu.memref_slice %arg9[%dma_start3A_83, %dma_start3A_84, %dma_start3A_85] : memref<5x80x32xf32, #tpu.memory_space<vmem>> -> memref<1x80x32xf32, #tpu.memory_space<vmem>>
      %dma_start3A_87 = tpu.memref_squeeze %dma_start3A_86 : memref<1x80x32xf32, #tpu.memory_space<vmem>> -> memref<80x32xf32, #tpu.memory_space<vmem>>
      %dma_start3A_88 = arith.constant 80 : i32
      %dma_start3A_89 = tpu.memref_slice %arg7[%dma_start3A_88] : memref<400xi32, #tpu.memory_space<vmem>> -> memref<80xi32, #tpu.memory_space<vmem>>
      %dma_start3A_90 = arith.constant 0 : i32
      %dma_start3A_91 = arith.constant 0 : i32
      %dma_start3A_92 = tpu.memref_slice %arg2[%dma_start3A_90, %dma_start3A_91] : memref<200000x32xf32, #tpu.memory_space<hbm>> -> memref<200000x32xf32, #tpu.memory_space<hbm>>
      tpu.enqueue_indirect_dma source(%dma_start3A_92 : memref<200000x32xf32, #tpu.memory_space<hbm>>) target(%dma_start3A_87 : memref<80x32xf32, #tpu.memory_space<vmem>>) offsets(%dma_start3A_89 : memref<80xi32, #tpu.memory_space<vmem>>) semaphore(%arg12 : memref<!tpu.dma_semaphore, #tpu.memory_space<semaphore_mem>>)
      %dma_start3A_93 = arith.constant 2 : i32
      %dma_start3A_94 = arith.constant 0 : i32
      %dma_start3A_95 = arith.constant 0 : i32
      %dma_start3A_96 = tpu.memref_slice %arg9[%dma_start3A_93, %dma_start3A_94, %dma_start3A_95] : memref<5x80x32xf32, #tpu.memory_space<vmem>> -> memref<1x80x32xf32, #tpu.memory_space<vmem>>
      %dma_start3A_97 = tpu.memref_squeeze %dma_start3A_96 : memref<1x80x32xf32, #tpu.memory_space<vmem>> -> memref<80x32xf32, #tpu.memory_space<vmem>>
      %dma_start3A_98 = arith.constant 160 : i32
      %dma_start3A_99 = tpu.memref_slice %arg7[%dma_start3A_98] : memref<400xi32, #tpu.memory_space<vmem>> -> memref<80xi32, #tpu.memory_space<vmem>>
      %dma_start3A_100 = arith.constant 0 : i32
      %dma_start3A_101 = arith.constant 0 : i32
      %dma_start3A_102 = tpu.memref_slice %arg2[%dma_start3A_100, %dma_start3A_101] : memref<200000x32xf32, #tpu.memory_space<hbm>> -> memref<200000x32xf32, #tpu.memory_space<hbm>>
      tpu.enqueue_indirect_dma source(%dma_start3A_102 : memref<200000x32xf32, #tpu.memory_space<hbm>>) target(%dma_start3A_97 : memref<80x32xf32, #tpu.memory_space<vmem>>) offsets(%dma_start3A_99 : memref<80xi32, #tpu.memory_space<vmem>>) semaphore(%arg12 : memref<!tpu.dma_semaphore, #tpu.memory_space<semaphore_mem>>)
      %dma_start3A_103 = arith.constant 3 : i32
      %dma_start3A_104 = arith.constant 0 : i32
      %dma_start3A_105 = arith.constant 0 : i32
      %dma_start3A_106 = tpu.memref_slice %arg9[%dma_start3A_103, %dma_start3A_104, %dma_start3A_105] : memref<5x80x32xf32, #tpu.memory_space<vmem>> -> memref<1x80x32xf32, #tpu.memory_space<vmem>>
      %dma_start3A_107 = tpu.memref_squeeze %dma_start3A_106 : memref<1x80x32xf32, #tpu.memory_space<vmem>> -> memref<80x32xf32, #tpu.memory_space<vmem>>
      %dma_start3A_108 = arith.constant 240 : i32
      %dma_start3A_109 = tpu.memref_slice %arg7[%dma_start3A_108] : memref<400xi32, #tpu.memory_space<vmem>> -> memref<80xi32, #tpu.memory_space<vmem>>
      %dma_start3A_110 = arith.constant 0 : i32
      %dma_start3A_111 = arith.constant 0 : i32
      %dma_start3A_112 = tpu.memref_slice %arg2[%dma_start3A_110, %dma_start3A_111] : memref<200000x32xf32, #tpu.memory_space<hbm>> -> memref<200000x32xf32, #tpu.memory_space<hbm>>
      tpu.enqueue_indirect_dma source(%dma_start3A_112 : memref<200000x32xf32, #tpu.memory_space<hbm>>) target(%dma_start3A_107 : memref<80x32xf32, #tpu.memory_space<vmem>>) offsets(%dma_start3A_109 : memref<80xi32, #tpu.memory_space<vmem>>) semaphore(%arg12 : memref<!tpu.dma_semaphore, #tpu.memory_space<semaphore_mem>>)
      %dma_start3A_113 = arith.constant 4 : i32
      %dma_start3A_114 = arith.constant 0 : i32
      %dma_start3A_115 = arith.constant 0 : i32
      %dma_start3A_116 = tpu.memref_slice %arg9[%dma_start3A_113, %dma_start3A_114, %dma_start3A_115] : memref<5x80x32xf32, #tpu.memory_space<vmem>> -> memref<1x80x32xf32, #tpu.memory_space<vmem>>
      %dma_start3A_117 = tpu.memref_squeeze %dma_start3A_116 : memref<1x80x32xf32, #tpu.memory_space<vmem>> -> memref<80x32xf32, #tpu.memory_space<vmem>>
      %dma_start3A_118 = arith.constant 320 : i32
      %dma_start3A_119 = tpu.memref_slice %arg7[%dma_start3A_118] : memref<400xi32, #tpu.memory_space<vmem>> -> memref<80xi32, #tpu.memory_space<vmem>>
      %dma_start3A_120 = arith.constant 0 : i32
      %dma_start3A_121 = arith.constant 0 : i32
      %dma_start3A_122 = tpu.memref_slice %arg2[%dma_start3A_120, %dma_start3A_121] : memref<200000x32xf32, #tpu.memory_space<hbm>> -> memref<200000x32xf32, #tpu.memory_space<hbm>>
      tpu.enqueue_indirect_dma source(%dma_start3A_122 : memref<200000x32xf32, #tpu.memory_space<hbm>>) target(%dma_start3A_117 : memref<80x32xf32, #tpu.memory_space<vmem>>) offsets(%dma_start3A_119 : memref<80xi32, #tpu.memory_space<vmem>>) semaphore(%arg12 : memref<!tpu.dma_semaphore, #tpu.memory_space<semaphore_mem>>)
      %dma_wait3A = arith.constant 0 : i32
      %dma_wait3A_123 = arith.constant 0 : i32
      %dma_wait3A_124 = arith.constant 0 : i32
      %dma_wait3A_125 = tpu.memref_slice %arg9[%dma_wait3A, %dma_wait3A_123, %dma_wait3A_124] : memref<5x80x32xf32, #tpu.memory_space<vmem>> -> memref<1x80x32xf32, #tpu.memory_space<vmem>>
      %dma_wait3A_126 = tpu.memref_squeeze %dma_wait3A_125 : memref<1x80x32xf32, #tpu.memory_space<vmem>> -> memref<80x32xf32, #tpu.memory_space<vmem>>
      %dma_wait3A_127 = arith.constant 0 : i32
      %dma_wait3A_128 = tpu.memref_slice %arg7[%dma_wait3A_127] : memref<400xi32, #tpu.memory_space<vmem>> -> memref<80xi32, #tpu.memory_space<vmem>>
      %dma_wait3A_129 = arith.constant 0 : i32
      %dma_wait3A_130 = arith.constant 0 : i32
      %dma_wait3A_131 = tpu.memref_slice %arg2[%dma_wait3A_129, %dma_wait3A_130] : memref<200000x32xf32, #tpu.memory_space<hbm>> -> memref<200000x32xf32, #tpu.memory_space<hbm>>
      tpu.wait_indirect_dma semaphore(%arg12 : memref<!tpu.dma_semaphore, #tpu.memory_space<semaphore_mem>>) src(%dma_wait3A_131 : memref<200000x32xf32, #tpu.memory_space<hbm>>) dst(%dma_wait3A_126 : memref<80x32xf32, #tpu.memory_space<vmem>>)
      %dma_wait3A_132 = arith.constant 1 : i32
      %dma_wait3A_133 = arith.constant 0 : i32
      %dma_wait3A_134 = arith.constant 0 : i32
      %dma_wait3A_135 = tpu.memref_slice %arg9[%dma_wait3A_132, %dma_wait3A_133, %dma_wait3A_134] : memref<5x80x32xf32, #tpu.memory_space<vmem>> -> memref<1x80x32xf32, #tpu.memory_space<vmem>>
      %dma_wait3A_136 = tpu.memref_squeeze %dma_wait3A_135 : memref<1x80x32xf32, #tpu.memory_space<vmem>> -> memref<80x32xf32, #tpu.memory_space<vmem>>
      %dma_wait3A_137 = arith.constant 80 : i32
      %dma_wait3A_138 = tpu.memref_slice %arg7[%dma_wait3A_137] : memref<400xi32, #tpu.memory_space<vmem>> -> memref<80xi32, #tpu.memory_space<vmem>>
      %dma_wait3A_139 = arith.constant 0 : i32
      %dma_wait3A_140 = arith.constant 0 : i32
      %dma_wait3A_141 = tpu.memref_slice %arg2[%dma_wait3A_139, %dma_wait3A_140] : memref<200000x32xf32, #tpu.memory_space<hbm>> -> memref<200000x32xf32, #tpu.memory_space<hbm>>
      tpu.wait_indirect_dma semaphore(%arg12 : memref<!tpu.dma_semaphore, #tpu.memory_space<semaphore_mem>>) src(%dma_wait3A_141 : memref<200000x32xf32, #tpu.memory_space<hbm>>) dst(%dma_wait3A_136 : memref<80x32xf32, #tpu.memory_space<vmem>>)
      %dma_wait3A_142 = arith.constant 2 : i32
      %dma_wait3A_143 = arith.constant 0 : i32
      %dma_wait3A_144 = arith.constant 0 : i32
      %dma_wait3A_145 = tpu.memref_slice %arg9[%dma_wait3A_142, %dma_wait3A_143, %dma_wait3A_144] : memref<5x80x32xf32, #tpu.memory_space<vmem>> -> memref<1x80x32xf32, #tpu.memory_space<vmem>>
      %dma_wait3A_146 = tpu.memref_squeeze %dma_wait3A_145 : memref<1x80x32xf32, #tpu.memory_space<vmem>> -> memref<80x32xf32, #tpu.memory_space<vmem>>
      %dma_wait3A_147 = arith.constant 160 : i32
      %dma_wait3A_148 = tpu.memref_slice %arg7[%dma_wait3A_147] : memref<400xi32, #tpu.memory_space<vmem>> -> memref<80xi32, #tpu.memory_space<vmem>>
      %dma_wait3A_149 = arith.constant 0 : i32
      %dma_wait3A_150 = arith.constant 0 : i32
      %dma_wait3A_151 = tpu.memref_slice %arg2[%dma_wait3A_149, %dma_wait3A_150] : memref<200000x32xf32, #tpu.memory_space<hbm>> -> memref<200000x32xf32, #tpu.memory_space<hbm>>
      tpu.wait_indirect_dma semaphore(%arg12 : memref<!tpu.dma_semaphore, #tpu.memory_space<semaphore_mem>>) src(%dma_wait3A_151 : memref<200000x32xf32, #tpu.memory_space<hbm>>) dst(%dma_wait3A_146 : memref<80x32xf32, #tpu.memory_space<vmem>>)
      %dma_wait3A_152 = arith.constant 3 : i32
      %dma_wait3A_153 = arith.constant 0 : i32
      %dma_wait3A_154 = arith.constant 0 : i32
      %dma_wait3A_155 = tpu.memref_slice %arg9[%dma_wait3A_152, %dma_wait3A_153, %dma_wait3A_154] : memref<5x80x32xf32, #tpu.memory_space<vmem>> -> memref<1x80x32xf32, #tpu.memory_space<vmem>>
      %dma_wait3A_156 = tpu.memref_squeeze %dma_wait3A_155 : memref<1x80x32xf32, #tpu.memory_space<vmem>> -> memref<80x32xf32, #tpu.memory_space<vmem>>
      %dma_wait3A_157 = arith.constant 240 : i32
      %dma_wait3A_158 = tpu.memref_slice %arg7[%dma_wait3A_157] : memref<400xi32, #tpu.memory_space<vmem>> -> memref<80xi32, #tpu.memory_space<vmem>>
      %dma_wait3A_159 = arith.constant 0 : i32
      %dma_wait3A_160 = arith.constant 0 : i32
      %dma_wait3A_161 = tpu.memref_slice %arg2[%dma_wait3A_159, %dma_wait3A_160] : memref<200000x32xf32, #tpu.memory_space<hbm>> -> memref<200000x32xf32, #tpu.memory_space<hbm>>
      tpu.wait_indirect_dma semaphore(%arg12 : memref<!tpu.dma_semaphore, #tpu.memory_space<semaphore_mem>>) src(%dma_wait3A_161 : memref<200000x32xf32, #tpu.memory_space<hbm>>) dst(%dma_wait3A_156 : memref<80x32xf32, #tpu.memory_space<vmem>>)
      %dma_wait3A_162 = arith.constant 4 : i32
      %dma_wait3A_163 = arith.constant 0 : i32
      %dma_wait3A_164 = arith.constant 0 : i32
      %dma_wait3A_165 = tpu.memref_slice %arg9[%dma_wait3A_162, %dma_wait3A_163, %dma_wait3A_164] : memref<5x80x32xf32, #tpu.memory_space<vmem>> -> memref<1x80x32xf32, #tpu.memory_space<vmem>>
      %dma_wait3A_166 = tpu.memref_squeeze %dma_wait3A_165 : memref<1x80x32xf32, #tpu.memory_space<vmem>> -> memref<80x32xf32, #tpu.memory_space<vmem>>
      %dma_wait3A_167 = arith.constant 320 : i32
      %dma_wait3A_168 = tpu.memref_slice %arg7[%dma_wait3A_167] : memref<400xi32, #tpu.memory_space<vmem>> -> memref<80xi32, #tpu.memory_space<vmem>>
      %dma_wait3A_169 = arith.constant 0 : i32
      %dma_wait3A_170 = arith.constant 0 : i32
      %dma_wait3A_171 = tpu.memref_slice %arg2[%dma_wait3A_169, %dma_wait3A_170] : memref<200000x32xf32, #tpu.memory_space<hbm>> -> memref<200000x32xf32, #tpu.memory_space<hbm>>
      tpu.wait_indirect_dma semaphore(%arg12 : memref<!tpu.dma_semaphore, #tpu.memory_space<semaphore_mem>>) src(%dma_wait3A_171 : memref<200000x32xf32, #tpu.memory_space<hbm>>) dst(%dma_wait3A_166 : memref<80x32xf32, #tpu.memory_space<vmem>>)
      %dma_start3A_172 = arith.constant 0 : i32
      %dma_start3A_173 = arith.constant 0 : i32
      %dma_start3A_174 = arith.constant 0 : i32
      %dma_start3A_175 = arith.constant 0 : i32
      %dma_start3A_176 = tpu.memref_slice %arg9[%dma_start3A_172, %dma_start3A_174, %dma_start3A_175] : memref<5x80x32xf32, #tpu.memory_space<vmem>> -> memref<1x80x32xf32, #tpu.memory_space<vmem>>
      %dma_start3A_177 = tpu.memref_squeeze %dma_start3A_176 : memref<1x80x32xf32, #tpu.memory_space<vmem>> -> memref<80x32xf32, #tpu.memory_space<vmem>>
      %dma_start3A_178 = arith.constant 0 : i32
      %dma_start3A_179 = tpu.memref_slice %arg8[%dma_start3A_173, %dma_start3A_178] : memref<5x80xi32, #tpu.memory_space<vmem>> -> memref<1x80xi32, #tpu.memory_space<vmem>>
      %dma_start3A_180 = tpu.memref_squeeze %dma_start3A_179 : memref<1x80xi32, #tpu.memory_space<vmem>> -> memref<80xi32, #tpu.memory_space<vmem>>
      %dma_start3A_181 = arith.constant 0 : i32
      %dma_start3A_182 = arith.constant 0 : i32
      %dma_start3A_183 = tpu.memref_slice %arg6[%dma_start3A_181, %dma_start3A_182] : memref<50000x32xf32, #tpu.memory_space<vmem_shared>> -> memref<50000x32xf32, #tpu.memory_space<vmem_shared>>
      tpu.enqueue_indirect_dma source(%dma_start3A_177 : memref<80x32xf32, #tpu.memory_space<vmem>>) target(%dma_start3A_183 : memref<50000x32xf32, #tpu.memory_space<vmem_shared>>) offsets(%dma_start3A_180 : memref<80xi32, #tpu.memory_space<vmem>>) semaphore(%arg13 : memref<!tpu.dma_semaphore, #tpu.memory_space<semaphore_mem>>) {add = true}
      %dma_start3A_184 = arith.constant 1 : i32
      %dma_start3A_185 = arith.constant 1 : i32
      %dma_start3A_186 = arith.constant 0 : i32
      %dma_start3A_187 = arith.constant 0 : i32
      %dma_start3A_188 = tpu.memref_slice %arg9[%dma_start3A_184, %dma_start3A_186, %dma_start3A_187] : memref<5x80x32xf32, #tpu.memory_space<vmem>> -> memref<1x80x32xf32, #tpu.memory_space<vmem>>
      %dma_start3A_189 = tpu.memref_squeeze %dma_start3A_188 : memref<1x80x32xf32, #tpu.memory_space<vmem>> -> memref<80x32xf32, #tpu.memory_space<vmem>>
      %dma_start3A_190 = arith.constant 0 : i32
      %dma_start3A_191 = tpu.memref_slice %arg8[%dma_start3A_185, %dma_start3A_190] : memref<5x80xi32, #tpu.memory_space<vmem>> -> memref<1x80xi32, #tpu.memory_space<vmem>>
      %dma_start3A_192 = tpu.memref_squeeze %dma_start3A_191 : memref<1x80xi32, #tpu.memory_space<vmem>> -> memref<80xi32, #tpu.memory_space<vmem>>
      %dma_start3A_193 = arith.constant 0 : i32
      %dma_start3A_194 = arith.constant 0 : i32
      %dma_start3A_195 = tpu.memref_slice %arg6[%dma_start3A_193, %dma_start3A_194] : memref<50000x32xf32, #tpu.memory_space<vmem_shared>> -> memref<50000x32xf32, #tpu.memory_space<vmem_shared>>
      tpu.enqueue_indirect_dma source(%dma_start3A_189 : memref<80x32xf32, #tpu.memory_space<vmem>>) target(%dma_start3A_195 : memref<50000x32xf32, #tpu.memory_space<vmem_shared>>) offsets(%dma_start3A_192 : memref<80xi32, #tpu.memory_space<vmem>>) semaphore(%arg13 : memref<!tpu.dma_semaphore, #tpu.memory_space<semaphore_mem>>) {add = true}
      %dma_start3A_196 = arith.constant 2 : i32
      %dma_start3A_197 = arith.constant 2 : i32
      %dma_start3A_198 = arith.constant 0 : i32
      %dma_start3A_199 = arith.constant 0 : i32
      %dma_start3A_200 = tpu.memref_slice %arg9[%dma_start3A_196, %dma_start3A_198, %dma_start3A_199] : memref<5x80x32xf32, #tpu.memory_space<vmem>> -> memref<1x80x32xf32, #tpu.memory_space<vmem>>
      %dma_start3A_201 = tpu.memref_squeeze %dma_start3A_200 : memref<1x80x32xf32, #tpu.memory_space<vmem>> -> memref<80x32xf32, #tpu.memory_space<vmem>>
      %dma_start3A_202 = arith.constant 0 : i32
      %dma_start3A_203 = tpu.memref_slice %arg8[%dma_start3A_197, %dma_start3A_202] : memref<5x80xi32, #tpu.memory_space<vmem>> -> memref<1x80xi32, #tpu.memory_space<vmem>>
      %dma_start3A_204 = tpu.memref_squeeze %dma_start3A_203 : memref<1x80xi32, #tpu.memory_space<vmem>> -> memref<80xi32, #tpu.memory_space<vmem>>
      %dma_start3A_205 = arith.constant 0 : i32
      %dma_start3A_206 = arith.constant 0 : i32
      %dma_start3A_207 = tpu.memref_slice %arg6[%dma_start3A_205, %dma_start3A_206] : memref<50000x32xf32, #tpu.memory_space<vmem_shared>> -> memref<50000x32xf32, #tpu.memory_space<vmem_shared>>
      tpu.enqueue_indirect_dma source(%dma_start3A_201 : memref<80x32xf32, #tpu.memory_space<vmem>>) target(%dma_start3A_207 : memref<50000x32xf32, #tpu.memory_space<vmem_shared>>) offsets(%dma_start3A_204 : memref<80xi32, #tpu.memory_space<vmem>>) semaphore(%arg13 : memref<!tpu.dma_semaphore, #tpu.memory_space<semaphore_mem>>) {add = true}
      %dma_start3A_208 = arith.constant 3 : i32
      %dma_start3A_209 = arith.constant 3 : i32
      %dma_start3A_210 = arith.constant 0 : i32
      %dma_start3A_211 = arith.constant 0 : i32
      %dma_start3A_212 = tpu.memref_slice %arg9[%dma_start3A_208, %dma_start3A_210, %dma_start3A_211] : memref<5x80x32xf32, #tpu.memory_space<vmem>> -> memref<1x80x32xf32, #tpu.memory_space<vmem>>
      %dma_start3A_213 = tpu.memref_squeeze %dma_start3A_212 : memref<1x80x32xf32, #tpu.memory_space<vmem>> -> memref<80x32xf32, #tpu.memory_space<vmem>>
      %dma_start3A_214 = arith.constant 0 : i32
      %dma_start3A_215 = tpu.memref_slice %arg8[%dma_start3A_209, %dma_start3A_214] : memref<5x80xi32, #tpu.memory_space<vmem>> -> memref<1x80xi32, #tpu.memory_space<vmem>>
      %dma_start3A_216 = tpu.memref_squeeze %dma_start3A_215 : memref<1x80xi32, #tpu.memory_space<vmem>> -> memref<80xi32, #tpu.memory_space<vmem>>
      %dma_start3A_217 = arith.constant 0 : i32
      %dma_start3A_218 = arith.constant 0 : i32
      %dma_start3A_219 = tpu.memref_slice %arg6[%dma_start3A_217, %dma_start3A_218] : memref<50000x32xf32, #tpu.memory_space<vmem_shared>> -> memref<50000x32xf32, #tpu.memory_space<vmem_shared>>
      tpu.enqueue_indirect_dma source(%dma_start3A_213 : memref<80x32xf32, #tpu.memory_space<vmem>>) target(%dma_start3A_219 : memref<50000x32xf32, #tpu.memory_space<vmem_shared>>) offsets(%dma_start3A_216 : memref<80xi32, #tpu.memory_space<vmem>>) semaphore(%arg13 : memref<!tpu.dma_semaphore, #tpu.memory_space<semaphore_mem>>) {add = true}
      %dma_start3A_220 = arith.constant 4 : i32
      %dma_start3A_221 = arith.constant 4 : i32
      %dma_start3A_222 = arith.constant 0 : i32
      %dma_start3A_223 = arith.constant 0 : i32
      %dma_start3A_224 = tpu.memref_slice %arg9[%dma_start3A_220, %dma_start3A_222, %dma_start3A_223] : memref<5x80x32xf32, #tpu.memory_space<vmem>> -> memref<1x80x32xf32, #tpu.memory_space<vmem>>
      %dma_start3A_225 = tpu.memref_squeeze %dma_start3A_224 : memref<1x80x32xf32, #tpu.memory_space<vmem>> -> memref<80x32xf32, #tpu.memory_space<vmem>>
      %dma_start3A_226 = arith.constant 0 : i32
      %dma_start3A_227 = tpu.memref_slice %arg8[%dma_start3A_221, %dma_start3A_226] : memref<5x80xi32, #tpu.memory_space<vmem>> -> memref<1x80xi32, #tpu.memory_space<vmem>>
      %dma_start3A_228 = tpu.memref_squeeze %dma_start3A_227 : memref<1x80xi32, #tpu.memory_space<vmem>> -> memref<80xi32, #tpu.memory_space<vmem>>
      %dma_start3A_229 = arith.constant 0 : i32
      %dma_start3A_230 = arith.constant 0 : i32
      %dma_start3A_231 = tpu.memref_slice %arg6[%dma_start3A_229, %dma_start3A_230] : memref<50000x32xf32, #tpu.memory_space<vmem_shared>> -> memref<50000x32xf32, #tpu.memory_space<vmem_shared>>
      tpu.enqueue_indirect_dma source(%dma_start3A_225 : memref<80x32xf32, #tpu.memory_space<vmem>>) target(%dma_start3A_231 : memref<50000x32xf32, #tpu.memory_space<vmem_shared>>) offsets(%dma_start3A_228 : memref<80xi32, #tpu.memory_space<vmem>>) semaphore(%arg13 : memref<!tpu.dma_semaphore, #tpu.memory_space<semaphore_mem>>) {add = true}
      %dma_wait3A_232 = arith.constant 0 : i32
      %dma_wait3A_233 = arith.constant 0 : i32
      %dma_wait3A_234 = arith.constant 0 : i32
      %dma_wait3A_235 = arith.constant 0 : i32
      %dma_wait3A_236 = tpu.memref_slice %arg9[%dma_wait3A_232, %dma_wait3A_234, %dma_wait3A_235] : memref<5x80x32xf32, #tpu.memory_space<vmem>> -> memref<1x80x32xf32, #tpu.memory_space<vmem>>
      %dma_wait3A_237 = tpu.memref_squeeze %dma_wait3A_236 : memref<1x80x32xf32, #tpu.memory_space<vmem>> -> memref<80x32xf32, #tpu.memory_space<vmem>>
      %dma_wait3A_238 = arith.constant 0 : i32
      %dma_wait3A_239 = tpu.memref_slice %arg8[%dma_wait3A_233, %dma_wait3A_238] : memref<5x80xi32, #tpu.memory_space<vmem>> -> memref<1x80xi32, #tpu.memory_space<vmem>>
      %dma_wait3A_240 = tpu.memref_squeeze %dma_wait3A_239 : memref<1x80xi32, #tpu.memory_space<vmem>> -> memref<80xi32, #tpu.memory_space<vmem>>
      %dma_wait3A_241 = arith.constant 0 : i32
      %dma_wait3A_242 = arith.constant 0 : i32
      %dma_wait3A_243 = tpu.memref_slice %arg6[%dma_wait3A_241, %dma_wait3A_242] : memref<50000x32xf32, #tpu.memory_space<vmem_shared>> -> memref<50000x32xf32, #tpu.memory_space<vmem_shared>>
      tpu.wait_indirect_dma semaphore(%arg13 : memref<!tpu.dma_semaphore, #tpu.memory_space<semaphore_mem>>) src(%dma_wait3A_237 : memref<80x32xf32, #tpu.memory_space<vmem>>) dst(%dma_wait3A_243 : memref<50000x32xf32, #tpu.memory_space<vmem_shared>>)
      %dma_wait3A_244 = arith.constant 1 : i32
      %dma_wait3A_245 = arith.constant 1 : i32
      %dma_wait3A_246 = arith.constant 0 : i32
      %dma_wait3A_247 = arith.constant 0 : i32
      %dma_wait3A_248 = tpu.memref_slice %arg9[%dma_wait3A_244, %dma_wait3A_246, %dma_wait3A_247] : memref<5x80x32xf32, #tpu.memory_space<vmem>> -> memref<1x80x32xf32, #tpu.memory_space<vmem>>
      %dma_wait3A_249 = tpu.memref_squeeze %dma_wait3A_248 : memref<1x80x32xf32, #tpu.memory_space<vmem>> -> memref<80x32xf32, #tpu.memory_space<vmem>>
      %dma_wait3A_250 = arith.constant 0 : i32
      %dma_wait3A_251 = tpu.memref_slice %arg8[%dma_wait3A_245, %dma_wait3A_250] : memref<5x80xi32, #tpu.memory_space<vmem>> -> memref<1x80xi32, #tpu.memory_space<vmem>>
      %dma_wait3A_252 = tpu.memref_squeeze %dma_wait3A_251 : memref<1x80xi32, #tpu.memory_space<vmem>> -> memref<80xi32, #tpu.memory_space<vmem>>
      %dma_wait3A_253 = arith.constant 0 : i32
      %dma_wait3A_254 = arith.constant 0 : i32
      %dma_wait3A_255 = tpu.memref_slice %arg6[%dma_wait3A_253, %dma_wait3A_254] : memref<50000x32xf32, #tpu.memory_space<vmem_shared>> -> memref<50000x32xf32, #tpu.memory_space<vmem_shared>>
      tpu.wait_indirect_dma semaphore(%arg13 : memref<!tpu.dma_semaphore, #tpu.memory_space<semaphore_mem>>) src(%dma_wait3A_249 : memref<80x32xf32, #tpu.memory_space<vmem>>) dst(%dma_wait3A_255 : memref<50000x32xf32, #tpu.memory_space<vmem_shared>>)
      %dma_wait3A_256 = arith.constant 2 : i32
      %dma_wait3A_257 = arith.constant 2 : i32
      %dma_wait3A_258 = arith.constant 0 : i32
      %dma_wait3A_259 = arith.constant 0 : i32
      %dma_wait3A_260 = tpu.memref_slice %arg9[%dma_wait3A_256, %dma_wait3A_258, %dma_wait3A_259] : memref<5x80x32xf32, #tpu.memory_space<vmem>> -> memref<1x80x32xf32, #tpu.memory_space<vmem>>
      %dma_wait3A_261 = tpu.memref_squeeze %dma_wait3A_260 : memref<1x80x32xf32, #tpu.memory_space<vmem>> -> memref<80x32xf32, #tpu.memory_space<vmem>>
      %dma_wait3A_262 = arith.constant 0 : i32
      %dma_wait3A_263 = tpu.memref_slice %arg8[%dma_wait3A_257, %dma_wait3A_262] : memref<5x80xi32, #tpu.memory_space<vmem>> -> memref<1x80xi32, #tpu.memory_space<vmem>>
      %dma_wait3A_264 = tpu.memref_squeeze %dma_wait3A_263 : memref<1x80xi32, #tpu.memory_space<vmem>> -> memref<80xi32, #tpu.memory_space<vmem>>
      %dma_wait3A_265 = arith.constant 0 : i32
      %dma_wait3A_266 = arith.constant 0 : i32
      %dma_wait3A_267 = tpu.memref_slice %arg6[%dma_wait3A_265, %dma_wait3A_266] : memref<50000x32xf32, #tpu.memory_space<vmem_shared>> -> memref<50000x32xf32, #tpu.memory_space<vmem_shared>>
      tpu.wait_indirect_dma semaphore(%arg13 : memref<!tpu.dma_semaphore, #tpu.memory_space<semaphore_mem>>) src(%dma_wait3A_261 : memref<80x32xf32, #tpu.memory_space<vmem>>) dst(%dma_wait3A_267 : memref<50000x32xf32, #tpu.memory_space<vmem_shared>>)
      %dma_wait3A_268 = arith.constant 3 : i32
      %dma_wait3A_269 = arith.constant 3 : i32
      %dma_wait3A_270 = arith.constant 0 : i32
      %dma_wait3A_271 = arith.constant 0 : i32
      %dma_wait3A_272 = tpu.memref_slice %arg9[%dma_wait3A_268, %dma_wait3A_270, %dma_wait3A_271] : memref<5x80x32xf32, #tpu.memory_space<vmem>> -> memref<1x80x32xf32, #tpu.memory_space<vmem>>
      %dma_wait3A_273 = tpu.memref_squeeze %dma_wait3A_272 : memref<1x80x32xf32, #tpu.memory_space<vmem>> -> memref<80x32xf32, #tpu.memory_space<vmem>>
      %dma_wait3A_274 = arith.constant 0 : i32
      %dma_wait3A_275 = tpu.memref_slice %arg8[%dma_wait3A_269, %dma_wait3A_274] : memref<5x80xi32, #tpu.memory_space<vmem>> -> memref<1x80xi32, #tpu.memory_space<vmem>>
      %dma_wait3A_276 = tpu.memref_squeeze %dma_wait3A_275 : memref<1x80xi32, #tpu.memory_space<vmem>> -> memref<80xi32, #tpu.memory_space<vmem>>
      %dma_wait3A_277 = arith.constant 0 : i32
      %dma_wait3A_278 = arith.constant 0 : i32
      %dma_wait3A_279 = tpu.memref_slice %arg6[%dma_wait3A_277, %dma_wait3A_278] : memref<50000x32xf32, #tpu.memory_space<vmem_shared>> -> memref<50000x32xf32, #tpu.memory_space<vmem_shared>>
      tpu.wait_indirect_dma semaphore(%arg13 : memref<!tpu.dma_semaphore, #tpu.memory_space<semaphore_mem>>) src(%dma_wait3A_273 : memref<80x32xf32, #tpu.memory_space<vmem>>) dst(%dma_wait3A_279 : memref<50000x32xf32, #tpu.memory_space<vmem_shared>>)
      %dma_wait3A_280 = arith.constant 4 : i32
      %dma_wait3A_281 = arith.constant 4 : i32
      %dma_wait3A_282 = arith.constant 0 : i32
      %dma_wait3A_283 = arith.constant 0 : i32
      %dma_wait3A_284 = tpu.memref_slice %arg9[%dma_wait3A_280, %dma_wait3A_282, %dma_wait3A_283] : memref<5x80x32xf32, #tpu.memory_space<vmem>> -> memref<1x80x32xf32, #tpu.memory_space<vmem>>
      %dma_wait3A_285 = tpu.memref_squeeze %dma_wait3A_284 : memref<1x80x32xf32, #tpu.memory_space<vmem>> -> memref<80x32xf32, #tpu.memory_space<vmem>>
      %dma_wait3A_286 = arith.constant 0 : i32
      %dma_wait3A_287 = tpu.memref_slice %arg8[%dma_wait3A_281, %dma_wait3A_286] : memref<5x80xi32, #tpu.memory_space<vmem>> -> memref<1x80xi32, #tpu.memory_space<vmem>>
      %dma_wait3A_288 = tpu.memref_squeeze %dma_wait3A_287 : memref<1x80xi32, #tpu.memory_space<vmem>> -> memref<80xi32, #tpu.memory_space<vmem>>
      %dma_wait3A_289 = arith.constant 0 : i32
      %dma_wait3A_290 = arith.constant 0 : i32
      %dma_wait3A_291 = tpu.memref_slice %arg6[%dma_wait3A_289, %dma_wait3A_290] : memref<50000x32xf32, #tpu.memory_space<vmem_shared>> -> memref<50000x32xf32, #tpu.memory_space<vmem_shared>>
      tpu.wait_indirect_dma semaphore(%arg13 : memref<!tpu.dma_semaphore, #tpu.memory_space<semaphore_mem>>) src(%dma_wait3A_285 : memref<80x32xf32, #tpu.memory_space<vmem>>) dst(%dma_wait3A_291 : memref<50000x32xf32, #tpu.memory_space<vmem_shared>>)
    }
    %scan3A_41 = arith.constant 125 : i32
    %barrier3A_42 = arith.constant 0 : index
    tpu.barrier barrier_id(%barrier3A_42)
    %scan3A_43 = arith.constant 0 : i32
    %scan3A_44 = arith.constant 25 : i32
    %scan3A_45 = arith.addi %scan3A_43, %scan3A_44 : i32
    %scan3A_46 = arith.constant 1 : i32
    scf.for %scan3A_49 = %scan3A_43 to %scan3A_45 step %scan3A_46  : i32 {
      %mul3A_50 = arith.constant 125 : i32
      %mul3A_51 = arith.muli %scan3A_49, %mul3A_50 : i32
      %add3A_52 = arith.addi %mul3A_2, %mul3A_51 : i32
      "tpu.region"() ({
        %run_scoped3A = tpu.sem_alloc : memref<!tpu.dma_semaphore, #tpu.memory_space<semaphore_mem>>
        %dma_start3A = arith.constant 0 : i32
        %dma_start3A_56 = tpu.memref_slice %arg6[%add3A_52, %dma_start3A] : memref<50000x32xf32, #tpu.memory_space<vmem_shared>> -> memref<125x32xf32, #tpu.memory_space<vmem_shared>>
        %dma_start3A_57 = arith.constant 0 : i32
        %dma_start3A_58 = tpu.memref_slice %arg6[%add3A_52, %dma_start3A_57] : memref<50000x32xf32, #tpu.memory_space<vmem_shared>> -> memref<125x32xf32, #tpu.memory_space<vmem_shared>>
        tpu.enqueue_dma source(%dma_start3A_58 : memref<125x32xf32, #tpu.memory_space<vmem_shared>>) target(%arg11 : memref<125x32xf32, #tpu.memory_space<vmem>>) target_semaphore(%run_scoped3A : memref<!tpu.dma_semaphore, #tpu.memory_space<semaphore_mem>>)
        %dma_wait3A = arith.constant 0 : i32
        %dma_wait3A_59 = tpu.memref_slice %arg6[%add3A_52, %dma_wait3A] : memref<50000x32xf32, #tpu.memory_space<vmem_shared>> -> memref<125x32xf32, #tpu.memory_space<vmem_shared>>
        %dma_wait3A_60 = arith.constant 0 : i32
        %dma_wait3A_61 = tpu.memref_slice %arg6[%add3A_52, %dma_wait3A_60] : memref<50000x32xf32, #tpu.memory_space<vmem_shared>> -> memref<125x32xf32, #tpu.memory_space<vmem_shared>>
        tpu.wait_dma2 semaphore(%run_scoped3A : memref<!tpu.dma_semaphore, #tpu.memory_space<semaphore_mem>>) src(%dma_wait3A_61 : memref<125x32xf32, #tpu.memory_space<vmem_shared>>) dst(%arg11 : memref<125x32xf32, #tpu.memory_space<vmem>>)
        tpu.yield
      }) : () -> ()
      %mul3A_53 = arith.constant 125 : i32
      %mul3A_54 = arith.muli %scan3A_49, %mul3A_53 : i32
      %add3A_55 = arith.addi %mul3A_2, %mul3A_54 : i32
      "tpu.region"() ({
        %run_scoped3A = tpu.sem_alloc : memref<!tpu.dma_semaphore, #tpu.memory_space<semaphore_mem>>
        %dma_start3A = arith.constant 0 : i32
        %dma_start3A_56 = tpu.memref_slice %arg5[%add3A_55, %add3A_30, %dma_start3A] : memref<50000x4x32xf32, #tpu.memory_space<hbm>> -> memref<125x1x32xf32, #tpu.memory_space<hbm>>
        %dma_start3A_57 = tpu.memref_squeeze %dma_start3A_56 : memref<125x1x32xf32, #tpu.memory_space<hbm>> -> memref<125x32xf32, #tpu.memory_space<hbm>>
        %dma_start3A_58 = arith.constant 0 : i32
        %dma_start3A_59 = tpu.memref_slice %arg5[%add3A_55, %add3A_30, %dma_start3A_58] : memref<50000x4x32xf32, #tpu.memory_space<hbm>> -> memref<125x1x32xf32, #tpu.memory_space<hbm>>
        %dma_start3A_60 = tpu.memref_squeeze %dma_start3A_59 : memref<125x1x32xf32, #tpu.memory_space<hbm>> -> memref<125x32xf32, #tpu.memory_space<hbm>>
        tpu.enqueue_dma source(%arg11 : memref<125x32xf32, #tpu.memory_space<vmem>>) target(%dma_start3A_60 : memref<125x32xf32, #tpu.memory_space<hbm>>) target_semaphore(%run_scoped3A : memref<!tpu.dma_semaphore, #tpu.memory_space<semaphore_mem>>)
        %dma_wait3A = arith.constant 0 : i32
        %dma_wait3A_61 = tpu.memref_slice %arg5[%add3A_55, %add3A_30, %dma_wait3A] : memref<50000x4x32xf32, #tpu.memory_space<hbm>> -> memref<125x1x32xf32, #tpu.memory_space<hbm>>
        %dma_wait3A_62 = tpu.memref_squeeze %dma_wait3A_61 : memref<125x1x32xf32, #tpu.memory_space<hbm>> -> memref<125x32xf32, #tpu.memory_space<hbm>>
        %dma_wait3A_63 = arith.constant 0 : i32
        %dma_wait3A_64 = tpu.memref_slice %arg5[%add3A_55, %add3A_30, %dma_wait3A_63] : memref<50000x4x32xf32, #tpu.memory_space<hbm>> -> memref<125x1x32xf32, #tpu.memory_space<hbm>>
        %dma_wait3A_65 = tpu.memref_squeeze %dma_wait3A_64 : memref<125x1x32xf32, #tpu.memory_space<hbm>> -> memref<125x32xf32, #tpu.memory_space<hbm>>
        tpu.wait_dma2 semaphore(%run_scoped3A : memref<!tpu.dma_semaphore, #tpu.memory_space<semaphore_mem>>) src(%arg11 : memref<125x32xf32, #tpu.memory_space<vmem>>) dst(%dma_wait3A_65 : memref<125x32xf32, #tpu.memory_space<hbm>>)
        tpu.yield
      }) : () -> ()
    }
    %scan3A_47 = arith.constant 25 : i32
    %barrier3A_48 = arith.constant 0 : index
    tpu.barrier barrier_id(%barrier3A_48)
    return
  }
}

module attributes {stable_mosaic.version = 14 : i64} {
  func.func @_tc_init_msg(%arg0: i32, %arg1: memref<2000x128xf32, #tpu.memory_space<vmem>>, %arg2: memref<2000x128xf32, #tpu.memory_space<vmem>>, %arg3: memref<128x64xf32, #tpu.memory_space<vmem>>, %arg4: memref<1x64xf32, #tpu.memory_space<vmem>>, %arg5: memref<128x64xf32, #tpu.memory_space<vmem>>, %arg6: memref<1x64xf32, #tpu.memory_space<vmem>>, %arg7: memref<128x128xf32, #tpu.memory_space<vmem>>, %arg8: memref<1x128xf32, #tpu.memory_space<vmem>>, %arg9: memref<2000x128xf32, #tpu.memory_space<vmem>>, %arg10: memref<2000x128xf32, #tpu.memory_space<vmem>>) attributes {dimension_semantics = [#tpu.dimension_semantics<arbitrary>], iteration_bounds = array<i64: 25>, scalar_prefetch = 0 : i64, scratch_operands = 0 : i64, tpu.core_type = #tpu.core_type<tc>, window_params = [{transform_indices = @transform_0, window_bounds = array<i64: 2000, 128>}, {transform_indices = @transform_1, window_bounds = array<i64: 2000, 128>}, {pipeline_mode = #tpu.pipeline_mode<synchronous>, transform_indices = @transform_2, window_bounds = array<i64: 128, 64>}, {pipeline_mode = #tpu.pipeline_mode<synchronous>, transform_indices = @transform_3, window_bounds = array<i64: 1, 64>}, {pipeline_mode = #tpu.pipeline_mode<synchronous>, transform_indices = @transform_4, window_bounds = array<i64: 128, 64>}, {pipeline_mode = #tpu.pipeline_mode<synchronous>, transform_indices = @transform_5, window_bounds = array<i64: 1, 64>}, {pipeline_mode = #tpu.pipeline_mode<synchronous>, transform_indices = @transform_6, window_bounds = array<i64: 128, 128>}, {pipeline_mode = #tpu.pipeline_mode<synchronous>, transform_indices = @transform_7, window_bounds = array<i64: 1, 128>}, {transform_indices = @transform_8, window_bounds = array<i64: 2000, 128>}, {transform_indices = @transform_9, window_bounds = array<i64: 2000, 128>}]} {
    %get3A = arith.constant 0 : index
    %get3A_0 = arith.constant 0 : index
    %get3A_1 = vector.load %arg1[%get3A, %get3A_0] : memref<2000x128xf32, #tpu.memory_space<vmem>>, vector<2000x128xf32>
    %get3A_2 = arith.constant 0 : index
    %get3A_3 = arith.constant 0 : index
    %get3A_4 = vector.load %arg3[%get3A_2, %get3A_3] : memref<128x64xf32, #tpu.memory_space<vmem>>, vector<128x64xf32>
    %dot_general3A = arith.constant dense<0.000000e+00> : vector<2000x64xf32>
    %dot_general3A_5 = tpu.matmul %get3A_1, %get3A_4, %dot_general3A {dimension_numbers = #tpu.dot_dimension_numbers<[1], [0], [0], [1], [0, 0, 1, 1], [], []>, transpose_lhs_hint = false} : vector<2000x128xf32>, vector<128x64xf32>, vector<2000x64xf32> -> vector<2000x64xf32>
    %get3A_6 = arith.constant 0 : index
    %get3A_7 = arith.constant 0 : index
    %get3A_8 = vector.load %arg4[%get3A_6, %get3A_7] : memref<1x64xf32, #tpu.memory_space<vmem>>, vector<1x64xf32>
    %add3A = vector.broadcast %get3A_8 : vector<1x64xf32> to vector<2000x64xf32>
    %add3A_9 = arith.addf %dot_general3A_5, %add3A : vector<2000x64xf32>
    %max3A = arith.constant 0.000000e+00 : f32
    %max3A_10 = vector.broadcast %max3A : f32 to vector<2000x64xf32>
    %max3A_11 = arith.maximumf %add3A_9, %max3A_10 : vector<2000x64xf32>
    %get3A_12 = arith.constant 0 : index
    %get3A_13 = arith.constant 0 : index
    %get3A_14 = vector.load %arg2[%get3A_12, %get3A_13] : memref<2000x128xf32, #tpu.memory_space<vmem>>, vector<2000x128xf32>
    %get3A_15 = arith.constant 0 : index
    %get3A_16 = arith.constant 0 : index
    %get3A_17 = vector.load %arg5[%get3A_15, %get3A_16] : memref<128x64xf32, #tpu.memory_space<vmem>>, vector<128x64xf32>
    %dot_general3A_18 = arith.constant dense<0.000000e+00> : vector<2000x64xf32>
    %dot_general3A_19 = tpu.matmul %get3A_14, %get3A_17, %dot_general3A_18 {dimension_numbers = #tpu.dot_dimension_numbers<[1], [0], [0], [1], [0, 0, 1, 1], [], []>, transpose_lhs_hint = false} : vector<2000x128xf32>, vector<128x64xf32>, vector<2000x64xf32> -> vector<2000x64xf32>
    %get3A_20 = arith.constant 0 : index
    %get3A_21 = arith.constant 0 : index
    %get3A_22 = vector.load %arg6[%get3A_20, %get3A_21] : memref<1x64xf32, #tpu.memory_space<vmem>>, vector<1x64xf32>
    %add3A_23 = vector.broadcast %get3A_22 : vector<1x64xf32> to vector<2000x64xf32>
    %add3A_24 = arith.addf %dot_general3A_19, %add3A_23 : vector<2000x64xf32>
    %max3A_25 = arith.constant 0.000000e+00 : f32
    %max3A_26 = vector.broadcast %max3A_25 : f32 to vector<2000x64xf32>
    %max3A_27 = arith.maximumf %add3A_24, %max3A_26 : vector<2000x64xf32>
    %concatenate3A = tpu.concatenate %max3A_11, %max3A_27 in 1 : vector<2000x64xf32>, vector<2000x64xf32> -> vector<2000x128xf32>
    %swap3A = arith.constant 0 : index
    %swap3A_28 = arith.constant 0 : index
    %swap3A_29 = vector.load %arg9[%swap3A, %swap3A_28] : memref<2000x128xf32, #tpu.memory_space<vmem>>, vector<2000x128xf32>
    tpu.vector_store %arg9[%swap3A, %swap3A_28], %concatenate3A {strides = array<i32>} : memref<2000x128xf32, #tpu.memory_space<vmem>>, vector<2000x128xf32>,
    %get3A_30 = arith.constant 0 : index
    %get3A_31 = arith.constant 0 : index
    %get3A_32 = vector.load %arg7[%get3A_30, %get3A_31] : memref<128x128xf32, #tpu.memory_space<vmem>>, vector<128x128xf32>
    %dot_general3A_33 = arith.constant dense<0.000000e+00> : vector<2000x128xf32>
    %dot_general3A_34 = tpu.matmul %concatenate3A, %get3A_32, %dot_general3A_33 {dimension_numbers = #tpu.dot_dimension_numbers<[1], [0], [0], [1], [0, 0, 1, 1], [], []>, transpose_lhs_hint = false} : vector<2000x128xf32>, vector<128x128xf32>, vector<2000x128xf32> -> vector<2000x128xf32>
    %get3A_35 = arith.constant 0 : index
    %get3A_36 = arith.constant 0 : index
    %get3A_37 = vector.load %arg8[%get3A_35, %get3A_36] : memref<1x128xf32, #tpu.memory_space<vmem>>, vector<1x128xf32>
    %add3A_38 = vector.broadcast %get3A_37 : vector<1x128xf32> to vector<2000x128xf32>
    %add3A_39 = arith.addf %dot_general3A_34, %add3A_38 : vector<2000x128xf32>
    %swap3A_40 = arith.constant 0 : index
    %swap3A_41 = arith.constant 0 : index
    %swap3A_42 = vector.load %arg10[%swap3A_40, %swap3A_41] : memref<2000x128xf32, #tpu.memory_space<vmem>>, vector<2000x128xf32>
    tpu.vector_store %arg10[%swap3A_40, %swap3A_41], %add3A_39 {strides = array<i32>} : memref<2000x128xf32, #tpu.memory_space<vmem>>, vector<2000x128xf32>,
    return
  }
  func.func @transform_0(%arg0: i32) -> (i32, i32) {
    %c0_i32 = arith.constant 0 : i32
    %c0_i32_0 = arith.constant 0 : i32
    return %arg0, %c0_i32 : i32, i32
  }
  func.func @transform_1(%arg0: i32) -> (i32, i32) {
    %c0_i32 = arith.constant 0 : i32
    %c0_i32_0 = arith.constant 0 : i32
    return %arg0, %c0_i32 : i32, i32
  }
  func.func @transform_2(%arg0: i32) -> (i32, i32) {
    %c0_i32 = arith.constant 0 : i32
    %c0_i32_0 = arith.constant 0 : i32
    %c0_i32_1 = arith.constant 0 : i32
    return %c0_i32, %c0_i32_0 : i32, i32
  }
  func.func @transform_3(%arg0: i32) -> (i32, i32) {
    %c0_i32 = arith.constant 0 : i32
    %c0_i32_0 = arith.constant 0 : i32
    %c0_i32_1 = arith.constant 0 : i32
    return %c0_i32, %c0_i32_0 : i32, i32
  }
  func.func @transform_4(%arg0: i32) -> (i32, i32) {
    %c0_i32 = arith.constant 0 : i32
    %c0_i32_0 = arith.constant 0 : i32
    %c0_i32_1 = arith.constant 0 : i32
    return %c0_i32, %c0_i32_0 : i32, i32
  }
  func.func @transform_5(%arg0: i32) -> (i32, i32) {
    %c0_i32 = arith.constant 0 : i32
    %c0_i32_0 = arith.constant 0 : i32
    %c0_i32_1 = arith.constant 0 : i32
    return %c0_i32, %c0_i32_0 : i32, i32
  }
  func.func @transform_6(%arg0: i32) -> (i32, i32) {
    %c0_i32 = arith.constant 0 : i32
    %c0_i32_0 = arith.constant 0 : i32
    %c0_i32_1 = arith.constant 0 : i32
    return %c0_i32, %c0_i32_0 : i32, i32
  }
  func.func @transform_7(%arg0: i32) -> (i32, i32) {
    %c0_i32 = arith.constant 0 : i32
    %c0_i32_0 = arith.constant 0 : i32
    %c0_i32_1 = arith.constant 0 : i32
    return %c0_i32, %c0_i32_0 : i32, i32
  }
  func.func @transform_8(%arg0: i32) -> (i32, i32) {
    %c0_i32 = arith.constant 0 : i32
    %c0_i32_0 = arith.constant 0 : i32
    return %arg0, %c0_i32 : i32, i32
  }
  func.func @transform_9(%arg0: i32) -> (i32, i32) {
    %c0_i32 = arith.constant 0 : i32
    %c0_i32_0 = arith.constant 0 : i32
    return %arg0, %c0_i32 : i32, i32
  }
}

module attributes {stable_mosaic.version = 14 : i64} {
  func.func @_tc_resid_msg(%arg0: i32, %arg1: memref<2000x128xf32, #tpu.memory_space<vmem>>, %arg2: memref<2000x128xf32, #tpu.memory_space<vmem>>, %arg3: memref<128x128xf32, #tpu.memory_space<vmem>>, %arg4: memref<1x128xf32, #tpu.memory_space<vmem>>, %arg5: memref<2000x128xf32, #tpu.memory_space<vmem>>, %arg6: memref<2000x128xf32, #tpu.memory_space<vmem>>) attributes {dimension_semantics = [#tpu.dimension_semantics<arbitrary>], iteration_bounds = array<i64: 25>, scalar_prefetch = 0 : i64, scratch_operands = 0 : i64, tpu.core_type = #tpu.core_type<tc>, window_params = [{transform_indices = @transform_0, window_bounds = array<i64: 2000, 128>}, {transform_indices = @transform_1, window_bounds = array<i64: 2000, 128>}, {pipeline_mode = #tpu.pipeline_mode<synchronous>, transform_indices = @transform_2, window_bounds = array<i64: 128, 128>}, {pipeline_mode = #tpu.pipeline_mode<synchronous>, transform_indices = @transform_3, window_bounds = array<i64: 1, 128>}, {transform_indices = @transform_4, window_bounds = array<i64: 2000, 128>}, {transform_indices = @transform_5, window_bounds = array<i64: 2000, 128>}]} {
    %get3A = arith.constant 0 : index
    %get3A_0 = arith.constant 0 : index
    %get3A_1 = vector.load %arg1[%get3A, %get3A_0] : memref<2000x128xf32, #tpu.memory_space<vmem>>, vector<2000x128xf32>
    %get3A_2 = arith.constant 0 : index
    %get3A_3 = arith.constant 0 : index
    %get3A_4 = vector.load %arg2[%get3A_2, %get3A_3] : memref<2000x128xf32, #tpu.memory_space<vmem>>, vector<2000x128xf32>
    %add3A = arith.addf %get3A_1, %get3A_4 : vector<2000x128xf32>
    %max3A = arith.constant 0.000000e+00 : f32
    %max3A_5 = vector.broadcast %max3A : f32 to vector<2000x128xf32>
    %max3A_6 = arith.maximumf %add3A, %max3A_5 : vector<2000x128xf32>
    %swap3A = arith.constant 0 : index
    %swap3A_7 = arith.constant 0 : index
    %swap3A_8 = vector.load %arg5[%swap3A, %swap3A_7] : memref<2000x128xf32, #tpu.memory_space<vmem>>, vector<2000x128xf32>
    tpu.vector_store %arg5[%swap3A, %swap3A_7], %max3A_6 {strides = array<i32>} : memref<2000x128xf32, #tpu.memory_space<vmem>>, vector<2000x128xf32>,
    %get3A_9 = arith.constant 0 : index
    %get3A_10 = arith.constant 0 : index
    %get3A_11 = vector.load %arg3[%get3A_9, %get3A_10] : memref<128x128xf32, #tpu.memory_space<vmem>>, vector<128x128xf32>
    %dot_general3A = arith.constant dense<0.000000e+00> : vector<2000x128xf32>
    %dot_general3A_12 = tpu.matmul %max3A_6, %get3A_11, %dot_general3A {dimension_numbers = #tpu.dot_dimension_numbers<[1], [0], [0], [1], [0, 0, 1, 1], [], []>, transpose_lhs_hint = false} : vector<2000x128xf32>, vector<128x128xf32>, vector<2000x128xf32> -> vector<2000x128xf32>
    %get3A_13 = arith.constant 0 : index
    %get3A_14 = arith.constant 0 : index
    %get3A_15 = vector.load %arg4[%get3A_13, %get3A_14] : memref<1x128xf32, #tpu.memory_space<vmem>>, vector<1x128xf32>
    %add3A_16 = vector.broadcast %get3A_15 : vector<1x128xf32> to vector<2000x128xf32>
    %add3A_17 = arith.addf %dot_general3A_12, %add3A_16 : vector<2000x128xf32>
    %swap3A_18 = arith.constant 0 : index
    %swap3A_19 = arith.constant 0 : index
    %swap3A_20 = vector.load %arg6[%swap3A_18, %swap3A_19] : memref<2000x128xf32, #tpu.memory_space<vmem>>, vector<2000x128xf32>
    tpu.vector_store %arg6[%swap3A_18, %swap3A_19], %add3A_17 {strides = array<i32>} : memref<2000x128xf32, #tpu.memory_space<vmem>>, vector<2000x128xf32>,
    return
  }
  func.func @transform_0(%arg0: i32) -> (i32, i32) {
    %c0_i32 = arith.constant 0 : i32
    %c0_i32_0 = arith.constant 0 : i32
    return %arg0, %c0_i32 : i32, i32
  }
  func.func @transform_1(%arg0: i32) -> (i32, i32) {
    %c0_i32 = arith.constant 0 : i32
    %c0_i32_0 = arith.constant 0 : i32
    return %arg0, %c0_i32 : i32, i32
  }
  func.func @transform_2(%arg0: i32) -> (i32, i32) {
    %c0_i32 = arith.constant 0 : i32
    %c0_i32_0 = arith.constant 0 : i32
    %c0_i32_1 = arith.constant 0 : i32
    return %c0_i32, %c0_i32_0 : i32, i32
  }
  func.func @transform_3(%arg0: i32) -> (i32, i32) {
    %c0_i32 = arith.constant 0 : i32
    %c0_i32_0 = arith.constant 0 : i32
    %c0_i32_1 = arith.constant 0 : i32
    return %c0_i32, %c0_i32_0 : i32, i32
  }
  func.func @transform_4(%arg0: i32) -> (i32, i32) {
    %c0_i32 = arith.constant 0 : i32
    %c0_i32_0 = arith.constant 0 : i32
    return %arg0, %c0_i32 : i32, i32
  }
  func.func @transform_5(%arg0: i32) -> (i32, i32) {
    %c0_i32 = arith.constant 0 : i32
    %c0_i32_0 = arith.constant 0 : i32
    return %arg0, %c0_i32 : i32, i32
  }
}

module attributes {stable_mosaic.version = 14 : i64} {
  func.func @_tc_final(%arg0: i32, %arg1: memref<2000x128xf32, #tpu.memory_space<vmem>>, %arg2: memref<2000x128xf32, #tpu.memory_space<vmem>>, %arg3: memref<2000x128xf32, #tpu.memory_space<vmem>>) attributes {dimension_semantics = [#tpu.dimension_semantics<arbitrary>], iteration_bounds = array<i64: 25>, scalar_prefetch = 0 : i64, scratch_operands = 0 : i64, tpu.core_type = #tpu.core_type<tc>, window_params = [{transform_indices = @transform_0, window_bounds = array<i64: 2000, 128>}, {transform_indices = @transform_1, window_bounds = array<i64: 2000, 128>}, {transform_indices = @transform_2, window_bounds = array<i64: 2000, 128>}]} {
    %get3A = arith.constant 0 : index
    %get3A_0 = arith.constant 0 : index
    %get3A_1 = vector.load %arg1[%get3A, %get3A_0] : memref<2000x128xf32, #tpu.memory_space<vmem>>, vector<2000x128xf32>
    %get3A_2 = arith.constant 0 : index
    %get3A_3 = arith.constant 0 : index
    %get3A_4 = vector.load %arg2[%get3A_2, %get3A_3] : memref<2000x128xf32, #tpu.memory_space<vmem>>, vector<2000x128xf32>
    %add3A = arith.addf %get3A_1, %get3A_4 : vector<2000x128xf32>
    %max3A = arith.constant 0.000000e+00 : f32
    %max3A_5 = vector.broadcast %max3A : f32 to vector<2000x128xf32>
    %max3A_6 = arith.maximumf %add3A, %max3A_5 : vector<2000x128xf32>
    %swap3A = arith.constant 0 : index
    %swap3A_7 = arith.constant 0 : index
    %swap3A_8 = vector.load %arg3[%swap3A, %swap3A_7] : memref<2000x128xf32, #tpu.memory_space<vmem>>, vector<2000x128xf32>
    tpu.vector_store %arg3[%swap3A, %swap3A_7], %max3A_6 {strides = array<i32>} : memref<2000x128xf32, #tpu.memory_space<vmem>>, vector<2000x128xf32>,
    return
  }
  func.func @transform_0(%arg0: i32) -> (i32, i32) {
    %c0_i32 = arith.constant 0 : i32
    %c0_i32_0 = arith.constant 0 : i32
    return %arg0, %c0_i32 : i32, i32
  }
  func.func @transform_1(%arg0: i32) -> (i32, i32) {
    %c0_i32 = arith.constant 0 : i32
    %c0_i32_0 = arith.constant 0 : i32
    return %arg0, %c0_i32 : i32, i32
  }
  func.func @transform_2(%arg0: i32) -> (i32, i32) {
    %c0_i32 = arith.constant 0 : i32
    %c0_i32_0 = arith.constant 0 : i32
    return %arg0, %c0_i32 : i32, i32
  }
}

</mosaic_0001>

<sc_bundles>
// kernel: kernel.10.cloned.1.call-start
scs
__scs_entry_jumppad:
0x0: {  	(pc) =	sbr.rel $0x88, $3  }
0x1: {  	(tag) =	ssettag $0x0;
	lr =	simm.s32 $0x1  }
0x2: {  	[smem:$0x3F96] =	sst lr;
	_ =	strace $0xD0000000  }
0x3: {  	_ = 	snop  }
0x4: {  	_ = 	snop  }
0x5: {  	_ = 	snop  }
0x6: {  	_ = 	snop  }
0x7: {  	_ = 	snop  }
__scs_overlays_trampoline_lowered:
0x8: {  	[smem:$0x3FA5] =	sst s0  }
0x9: {  	[smem:$0x3FA6] =	sst s1  }
0xa: {  	[smem:$0x3FA7] =	sst s2  }
0xb: {  	[smem:$0x3FA8] =	sst s3  }
0xc: {  	[smem:$0x3FA9] =	sst s4  }
0xd: {  	[smem:$0x3FAA] =	sst s5  }
0xe: {  	[smem:$0x3FAB] =	sst s6  }
0xf: {  	[smem:$0x3FAC] =	sst s7  }
0x10: {  	[smem:$0x3FAD] =	sst s8  }
0x11: {  	[smem:$0x3FAE] =	sst s9;
	s0 =	simm.s32 @!p0 $0x0  }
0x12: {  	s1 =	sld [smem:$0x3F94];
	s0 =	simm.s32 @p0 $0x1  }
0x13: {  	[smem:$0x3FAF] =	sst s0;
	s0 =	simm.s32 @!p1 $0x0  }
0x14: {  	s2 =	sld [smem:$0x3F93];
	s0 =	simm.s32 @p1 $0x1  }
0x15: {  	[smem:$0x3FB0] =	sst s0;
	s0 =	simm.s32 @!p2 $0x0  }
0x16: {  	s3 =	sld [smem:$0x3FDB];
	s0 =	simm.s32 @p2 $0x1  }
0x17: {  	s4 =	simm.s32 $0x1BF5;
	[smem:$0x3FB2] =	sst s0  }
0x18: {  	s0 =	sld [smem:$0x3F95];
	_ =	swait.ge [sflag:s4], $0x0  }
0x19: {  	s7 =	sld [smem:$0x3F96]  }
0x1a: {  	s8 =	sadd.s32 $0xFFFFE003, lr  }
0x1b: {  	s9 =	sadd.s32 $0xFFFFFEF7, lr;
	s5 =	simm.s32 $0xFFFFFFFF;
	p2 =	slt.u32 s8, $0xFFFFF086  }
0x1c: {  	p1 =	slt.u32 s9, $0xF7A;
	s5 =	simm.s32 @!p2 $0x0  }
0x1d: {  	s5 =	simm.s32 @p1 $0x1;
	p0 =	seq.s32 s7, s2  }
0x1e: {  	s7 =	smul.u32 @!p0 $0xF7A, s2;
	p2 =	seq.s32 @!p0 s5, $0x0  }
0x1f: {  	s9 =	smul.u32 $0xF7A, s1;
	s8 =	simm.s32 @!p0 $0x1BF5;
	p2 =	por !p2, p0  }
0x20: {  	[sflag:s8] =	ssyncset.s32 @!p0 $0xFFFFF086;
	s6 =	sadd.s32 @!p0 s3, s7;
	s7 =	simm.s32 @!p0 $0x108  }
0x21: {  	s3 =	sadd.s32 s3, s9;
	s6 =	sadd.s32 @!p0 $0x88, s6;
	s7 =	simm.s32 @p2 $0x1082  }
0x22: {  	[simem:s7], [sflag:s8] =	dma.local @!p0 [hbm:s6], $0xF7A  }
0x23: {  	s9 =	sor.u32 $0xD0000000, s2;
	s6 =	simm.s32 $0x108;
	_ =	swait.ge @!p0 [sflag:s8], $0x0  }
0x24: {  	s3 =	sadd.s32 $0x88, s3;
	s6 =	simm.s32 @!p1 $0x1082;
	[sflag:s4] =	ssyncset.s32 $0xFFFFF086  }
0x25: {  	[simem:s6], [sflag:s4] =	dma.local [hbm:s3], $0xF7A  }
0x26: {  	[smem:$0x3F96] =	sst s1;
	(tag) =	ssettag s2;
	_ =	strace s9  }
0x27: {  	s1 =	sld [smem:$0x3FA6]  }
0x28: {  	s2 =	sld [smem:$0x3FA7]  }
0x29: {  	s4 =	sld [smem:$0x3FA9]  }
0x2a: {  	p0 =	seq.s32 s5, $0x0;
	s5 =	sld [smem:$0x3FAA]  }
0x2b: {  	s6 =	sld [smem:$0x3FAB]  }
0x2c: {  	s7 =	sld [smem:$0x3FAC]  }
0x2d: {  	s3 =	simm.s32 $0x108;
	s8 =	sld [smem:$0x3FAD]  }
0x2e: {  	s3 =	simm.s32 @!p0 $0x1082;
	s9 =	sld [smem:$0x3FAE]  }
0x2f: {  	lr =	sadd.s32 s0, s3;
	s0 =	sld [smem:$0x3FA5]  }
0x30: {  	s3 =	sld [smem:$0x3FA8]  }
0x31: {  	[smem:$0x3FB1] =	sst s10  }
0x32: {  	s10 =	sld [smem:$0x3FAF];
	_ =	sdelay $0x3  }
0x33: {  	p0 =	seq.s32 s10, $0x1;
	s10 =	sld [smem:$0x3FB1];
	_ =	sdelay $0x3  }
0x34: {  	[smem:$0x3FB1] =	sst s10  }
0x35: {  	s10 =	sld [smem:$0x3FB0];
	_ =	sdelay $0x3  }
0x36: {  	p1 =	seq.s32 s10, $0x1;
	s10 =	sld [smem:$0x3FB1];
	_ =	sdelay $0x3  }
0x37: {  	[smem:$0x3FB1] =	sst s10  }
0x38: {  	s10 =	sld [smem:$0x3FB2]  }
0x39: {  	_ = 	snop;
	(pc) =	sbr.ind lr, $3  }
0x3a: {  	_ = 	snop  }
0x3b: {  	_ = 	snop  }
0x3c: {  	p2 =	seq.s32 s10, $0x1;
	s10 =	sld [smem:$0x3FB1]  }
0x3d: {  	_ =	shalt  }
0x3e: {  	_ =	shalt  }
0x3f: {  	_ =	shalt  }
0x40: {  	_ =	shalt  }
0x41: {  	_ =	shalt  }
0x42: {  	_ =	shalt  }
0x43: {  	_ =	shalt  }
0x44: {  	_ =	shalt  }
0x45: {  	_ =	shalt  }
0x46: {  	_ =	shalt  }
0x47: {  	_ =	shalt  }
0x48: {  	_ =	shalt  }
0x49: {  	_ =	shalt  }
0x4a: {  	_ =	shalt  }
0x4b: {  	_ =	shalt  }
0x4c: {  	_ =	shalt  }
0x4d: {  	_ =	shalt  }
0x4e: {  	_ =	shalt  }
0x4f: {  	_ =	shalt  }
0x50: {  	_ =	shalt  }
0x51: {  	_ =	shalt  }
0x52: {  	_ =	shalt  }
0x53: {  	_ =	shalt  }
0x54: {  	_ =	shalt  }
0x55: {  	_ =	shalt  }
0x56: {  	_ =	shalt  }
0x57: {  	_ =	shalt  }
0x58: {  	_ =	shalt  }
0x59: {  	_ =	shalt  }
0x5a: {  	_ =	shalt  }
0x5b: {  	_ =	shalt  }
0x5c: {  	_ =	shalt  }
0x5d: {  	_ =	shalt  }
0x5e: {  	_ =	shalt  }
0x5f: {  	_ =	shalt  }
0x60: {  	_ =	shalt  }
0x61: {  	_ =	shalt  }
0x62: {  	_ =	shalt  }
0x63: {  	_ =	shalt  }
0x64: {  	_ =	shalt  }
0x65: {  	_ =	shalt  }
0x66: {  	_ =	shalt  }
0x67: {  	_ =	shalt  }
0x68: {  	_ =	shalt  }
0x69: {  	_ =	shalt  }
0x6a: {  	_ =	shalt  }
0x6b: {  	_ =	shalt  }
0x6c: {  	_ =	shalt  }
0x6d: {  	_ =	shalt  }
0x6e: {  	_ =	shalt  }
0x6f: {  	_ =	shalt  }
0x70: {  	_ =	shalt  }
0x71: {  	_ =	shalt  }
0x72: {  	_ =	shalt  }
0x73: {  	_ =	shalt  }
0x74: {  	_ =	shalt  }
0x75: {  	_ =	shalt  }
0x76: {  	_ =	shalt  }
0x77: {  	_ =	shalt  }
0x78: {  	_ =	shalt  }
0x79: {  	_ =	shalt  }
0x7a: {  	_ =	shalt  }
0x7b: {  	_ =	shalt  }
0x7c: {  	_ =	shalt  }
0x7d: {  	_ =	shalt  }
0x7e: {  	_ =	shalt  }
0x7f: {  	_ =	shalt  }
0x80: {  	_ =	shalt  }
0x81: {  	_ =	shalt  }
0x82: {  	_ =	shalt  }
0x83: {  	_ =	shalt  }
0x84: {  	_ =	shalt  }
0x85: {  	_ =	shalt  }
0x86: {  	_ =	shalt  }
0x87: {  	_ =	shalt  }
.Lfunc_end0:
.L_simem_size_0:
called_computation.1_lowered:
.L_overlay_start_0:
0x88: {  	s2 =	sld [smem:$0x3FD9]  }
0x89: {  	s3 =	sld [smem:$0x3FFE];
	_ =	sdelay $0x1  }
0x8a: {  	s1 =	srdreg.scid  }
0x8b: {  	s0 =	sand.u32 $0x1, s1  }
0x8c: {  	s17 =	sshll.u32 s0, $0xA;
	s2 =	sadd.s32 s3, s2  }
0x8d: {  	s2 =	sadd.s32 s2, s17  }
0x8e: {  	[smem:$0x3FBD] =	sst s2  }
0x8f: {  	_ = 	snop  }
0x90: {  	s2 =	sld [smem:$0x3FD0];
	(tm) =	ssettm $0x1  }
0x91: {  	s18 =	sld [smem:$0x3FFB];
	_ =	sdelay $0x3  }
0x92: {  	_ =	strace s18  }
0x93: {  	s3 =	sld [smem:$0x3FFC];
	_ =	sdelay $0x3  }
0x94: {  	_ =	strace s3  }
0x95: {  	s3 =	sld [smem:$0x3FFD];
	_ =	sdelay $0x3  }
0x96: {  	_ =	strace s3  }
0x97: {  	_ =	strace $0x8FFFFFFF  }
0x98: {  	s19 =	sld [smem:$0x3FDB];
	_ =	sdelay $0x1  }
0x99: {  	s4 =	simm.s32 $_scs_section_size  }
0x9a: {  	s5 =	simm.s32 $_size__tile_overlayer_lowered;
	s6 =	simm.s32 $_tile_overlayer_lowered  }
0x9b: {  	s22 =	simm.s32 $0x1BFF;
	s21 =	sshll.u32 s6, $0x1;
	s3 =	sadd.s32 s4, s19  }
0x9c: {  	s7 =	simm.s32 $0x0;
	s20 =	sshll.u32 s5, $0x1;
	s5 =	sadd.s32 s21, s3  }
0x9d: {  	[timem:s7], [sflag:s22] =	dma.local [hbm:s5], s20  }
0x9e: {  	_ =	swait.ge [sflag:s22], s20  }
0x9f: {  	s4 =	ssub.s32 $0x0, s20;
	[sflag:s22] =	ssyncset.done $0x0  }
0xa0: {  	[sflag:s22] =	ssyncadd.s32 s4;
	_ =	sdelay $0x1  }
0xa1: {  	s23 =	simm.s32 $0x1B8B  }
0xa2: {  	_ =	swait.ge [sflag:s23], $0x1  }
0xa3: {  	[sflag:s23] =	ssyncset.done $0x0  }
0xa4: {  	s25 =	simm.s32 $0x1B8E;
	s24 =	sld [smem:$0x3FFE];
	[sflag:s23] =	ssyncadd.s32 $0xFFFFFFFF  }
0xa5: {  	s26 =	simm.s32 $execute0_lowered;
	[smem:$0x3FD2] =	sst s25  }
0xa6: {  	s5 =	sshll.u32 s26, $0x1;
	_ =	strace $0x80000049;
	[dreg:$0x1] =	wrdreg $0xFFFFFFFF  }
0xa7: {  	s28 =	simm.s32 $_size_execute0_lowered;
	s3 =	sadd.s32 s3, s5;
	[dreg:$0x0] =	wrdreg $0x0  }
0xa8: {  	s5 =	sshll.u32 s28, $0x1;
	[dreg:$0x2] =	wrdreg s3  }
0xa9: {  	[dreg:$0x3] =	wrdreg s5  }
0xaa: {  	[dreg:$0x4] =	wrdreg $0xC0  }
0xab: {  	_ =	task [dreg:s7], $0x5FFFF  }
0xac: {  	[dreg:$0x1] =	wrdreg $0xFFFFFFFF  }
0xad: {  	[dreg:$0x0] =	wrdreg $0x60  }
0xae: {  	[dreg:$0x2] =	wrdreg s24  }
0xaf: {  	[dreg:$0x3] =	wrdreg s2  }
0xb0: {  	[dreg:$0x4] =	wrdreg $0x0  }
0xb1: {  	[dreg:$0x5] =	wrdreg $0x9  }
0xb2: {  	_ =	task.clear_ibuf [dreg:s7], $0x6FFFF;
	_ =	strace $0x90000049  }
0xb3: {  	s29 =	simm.s32 $0x9;
	_ =	strace $0x8000004B  }
0xb4: {  	_ =	swait.ge [sflag:s29], $0x1  }
0xb5: {  	[sflag:s29] =	ssyncadd.s32 $0xFFFFFFFF  }
0xb6: {  	_ =	strace $0x9000004B  }
0xb7: {  	_ =	sfence  }
0xb8: {  	s30 =	sld [smem:$0x0];
	_ =	sdelay $0x2  }
0xb9: {  	s31 =	sshll.u32 s1, $0xD;
	s1 =	sshrl.u32 s1, $0x2  }
0xba: {  	s3 =	sand.u32 $0x4000, s31;
	s1 =	sadd.s32 s1, s30  }
0xbb: {  	s0 =	sor.u32 s3, s0;
	s1 =	sshll.u32 s1, $0x11  }
0xbc: {  	s0 =	sor.u32 s1, s0  }
0xbd: {  	s0 =	sadd.s32 $0x8F2B, s0  }
0xbe: {  	[sflag:s0] =	ssyncadd.remote.s32 $0x1  }
0xbf: {  	_ =	sfence.sel $0xFFFF  }
0xc0: {  	[dreg:$0x0] =	wrdreg $0xFFFFFFFF;
	(pc) =	sbr.abs _section_cstart, $3  }
0xc1: {  	[dreg:$0x1] =	wrdreg $0xFFFFFFFF  }
0xc2: {  	_ =	task.clear_ibuf [dreg:s7], $0x2FFFF;
	_ =	strace $0x9FFFFFFF  }
0xc3: {  	(tm) =	ssettm $0x7FFFFFFF  }
tec
execute0_lowered:
.L_overlay_start_1:
0x0: {  	(tag) =	ssettag $0x1  }
0x1: {  	s0 =	rddreg [dreg:$0x0]  }
0x2: {  	s2 =	rddreg [dreg:$0x1]  }
0x3: {  	s1 =	rddreg [dreg:$0x2];
	s19 =	simm.s32 $0x0  }
0x4: {  	s3 =	srdreg.scid;
	s9 =	stileid.u32;
	s11 =	simm.s32 $0x1BBC0  }
0x5: {  	s12 =	simm.s32 $0x3;
	s13 =	simm.s32 $0x186A0;
	s14 =	simm.s32 $0x18830  }
0x6: {  	s15 =	simm.s32 $0x50;
	s16 =	simm.s32 $0x189C0;
	s18 =	simm.s32 $0x193C0  }
0x7: {  	s20 =	simm.s32 $0x19DC0;
	s22 =	simm.s32 $0x1A7C0;
	s23 =	simm.s32 $0x187E0  }
0x8: {  	s24 =	simm.s32 $0x1B1C0;
	s28 =	simm.s32 $0x188D0;
	s29 =	simm.s32 $0x18920  }
0x9: {  	s30 =	simm.s32 $0x18970;
	s31 =	simm.s32 $0x2;
	[smem:$0x7FF] =	sst s19  }
0xa: {  	s4 =	sadd.s32 $0xF4E00, s0;
	s3 =	sand.u32 $0x1, s3;
	s5 =	sadd.s32 $0x19000, s0  }
0xb: {  	s6 =	sadd.s32 $0x800, s0;
	s8 =	smul.u32 $0x61A80, s9;
	_ =	strace $0x8000004A  }
0xc: {  	s7 =	ssub.s32 $0x2, s3;
	s17 =	sshll.u32 s3, $0x1;
	s10 =	sshll.u32 s3, $0x3  }
0xd: {  	s3 =	sshllo.u32 s3, $0x1;
	s25 =	sshrl.u32 s7, $0x1;
	s8 =	sshrl.u32 s8, $0x2  }
0xe: {  	v1 =	vmov s3;
	s3 =	simm.s32 $0x20;
	s0 =	ssub.s32 s7, s25;
	s7 =	smul.u32 $0xC350, s9  }
0xf: {  	s9 =	sadd.s32 s8, s1;
	s25 =	simm.s32 $0x1;
	s0 =	smax.u32 s0, $0x1  }
0x10: {  	s8 =	simm.s32 $0x80;
	[dreg:$0x5] =	wrdreg s0;
	s26 =	sadd.s32 s7, s2  }
0x11: {  	v2 =	vimm.f32 $0.0e+00;
	v0 =	vmov s17;
	s0 =	simm.s32 $0x1CB60;
	s10 =	sadd.s32 s10, s26;
	s26 =	simm.s32 $0x18880  }
.LBB2_1:
0x12: {  	s2 =	simm.s32 $0x0  }
.LBB2_2:
0x13: {  	p0 =	sne.s32 s2, $0x3E00  }
.Ltmp0:
0x14: {  	_ = 	snop;
	(pc) =	sbr.rel @p0 .LBB2_2-.Ltmp0, $4  }
0x15: {  	_ = 	snop  }
0x16: {  	s17 =	sshra.s32 s2, $0x2  }
0x17: {  	[tilespmem:s17+$0x1BBC0] =	vst v2  }
0x18: {  	s2 =	sadd.s32 $0x80, s2;
	[tilespmem:s17+$0x1BBD0] =	vst v2  }
0x19: {  	[dreg:$0x4] =	wrdreg s19;
	s2 =	sadd.s32 $0x0, s9  }
0x1a: {  	[spmem:s2] =	stream.linear.scatter [tilespmem:s11], [sflag:$0x3], $0xFA0, $0x38;
	[tilespmem:$0x1DB00] =	vst v63  }
0x1b: {  	s2 =	simm.s32 $0x3E80;
	_ =	swait.ge [sflag:s12], $0xFA0  }
.LBB2_4:
0x1c: {  	s17 =	sshra.s32 s2, $0x2;
	[sflag:s12] =	ssyncset.done $0x0;
	p0 =	sne.s32 s2, $0x5DC00  }
.Ltmp1:
0x1d: {  	s17 =	sadd.s32 s17, s9;
	[sflag:s12] =	ssyncadd.s32 $0xFFFFF060;
	(pc) =	sbr.rel @p0 .LBB2_4-.Ltmp1, $3  }
0x1e: {  	[spmem:s17] =	stream.linear.scatter [tilespmem:s11], [sflag:$0x3], $0xFA0, $0x38;
	[tilespmem:$0x1DB00] =	vst v63  }
0x1f: {  	s2 =	sadd.s32 $0x3E80, s2;
	_ =	sdelay $0x1  }
0x20: {  	_ =	swait.ge [sflag:s12], $0xFA0  }
0x21: {  	[sflag:s12] =	ssyncset.done $0x0  }
0x22: {  	[sflag:s12] =	ssyncadd.s32 $0xFFFFF060  }
0x23: {  	s2 =	simm.s32 $0x0;
	s17 =	simm.s32 $0x0;
	[bflag:$0x0] =	sbarrier.arrive $0xFFFF  }
.LBB2_6:
0x24: {  	s19 =	smul.u32 $0x190, s17;
	_ =	sdelay $0x1  }
0x25: {  	s19 =	sadd.s32 s7, s19  }
0x26: {  	s21 =	sshrl.u32 s19, $0x3  }
0x27: {  	s19 =	smulhi.u32 $0xCCCCCCCD, s19;
	s21 =	sadd.s32 s5, s21  }
0x28: {  	[tilespmem:s13], [sflag:$0x3] =	stream.linear.gather [hbm4b:s21+s2], $0x190, $0x38;
	[tilespmem:$0x1DB00] =	vst v63  }
0x29: {  	s19 =	sshrl.u32 s19, $0x6  }
0x2a: {  	s19 =	smul.u32 $0x50, s19  }
0x2b: {  	_ =	swait.ge [sflag:s12], $0x190  }
0x2c: {  	[sflag:s12] =	ssyncset.done $0x0;
	s19 =	sshrl.u32 s19, $0x3  }
0x2d: {  	[sflag:s12] =	ssyncadd.s32 $0xFFFFFE70;
	s19 =	sadd.s32 s6, s19  }
0x2e: {  	[tilespmem:s14], [sflag:$0x3] =	stream.linear.gather [hbm4b:s19+s2], $0x190, $0x38;
	[tilespmem:$0x1DB00] =	vst v63  }
0x2f: {  	_ =	swait.ge [sflag:s12], $0x190  }
0x30: {  	[sflag:s12] =	ssyncset.done $0x0  }
0x31: {  	s21 =	simm.s32 $0x40;
	s19 =	simm.s32 $0x0;
	[sflag:s12] =	ssyncadd.s32 $0xFFFFFE70  }
.LBB2_7:
0x32: {  	p0 =	sne.s32 s21, $0x600;
	v3 =	vld [tilespmem:s19+$0x186A0];
	_ =	sdelay $0x2  }
.Ltmp2:
0x33: {  	(pc) =	sbr.rel @p0 .LBB2_7-.Ltmp2, $4  }
0x34: {  	_ = 	snop  }
0x35: {  	v3 =	vshll.u32 v3, $0x2  }
0x36: {  	v3 =	vor.u32 v0, v3  }
0x37: {  	[tilespmem:s19+$0x186A0] =	vst v3;
	s19 =	sshra.s32 s21, $0x2;
	s21 =	sadd.s32 $0x40, s21  }
0x38: {  	v3 =	vld [tilespmem:s19+$0x186A0];
	_ =	sdelay $0x4  }
0x39: {  	v3 =	vshll.u32 v3, $0x2  }
0x3a: {  	v3 =	vor.u32 v0, v3  }
0x3b: {  	[tilespmem:s19+$0x186A0] =	vst v3  }
0x3c: {  	[tilespmem:s16], [sflag:$0x1] =	stream.indirect.gather [hbm4b:s4+s15], $0x20, s13, s15, $0xb8;
	[tilespmem:$0x1DB00] =	vst v63  }
0x3d: {  	s21 =	simm.s32 $0x186F0  }
0x3e: {  	[tilespmem:s18], [sflag:$0x1] =	stream.indirect.gather [hbm4b:s4+s15], $0x20, s21, s15, $0xb8;
	[tilespmem:$0x1DB00] =	vst v63  }
0x3f: {  	s21 =	simm.s32 $0x18740  }
0x40: {  	[tilespmem:s20], [sflag:$0x1] =	stream.indirect.gather [hbm4b:s4+s15], $0x20, s21, s15, $0xb8;
	[tilespmem:$0x1DB00] =	vst v63  }
0x41: {  	s21 =	simm.s32 $0x18790  }
0x42: {  	[tilespmem:s22], [sflag:$0x1] =	stream.indirect.gather [hbm4b:s4+s15], $0x20, s21, s15, $0xb8;
	[tilespmem:$0x1DB00] =	vst v63  }
0x43: {  	_ = 	snop  }
0x44: {  	[tilespmem:s24], [sflag:$0x1] =	stream.indirect.gather [hbm4b:s4+s15], $0x20, s23, s15, $0xb8;
	[tilespmem:$0x1DB00] =	vst v63  }
0x45: {  	_ =	swait.ge [sflag:s25], $0xA00  }
0x46: {  	[sflag:s25] =	ssyncset.done $0x0  }
0x47: {  	[sflag:s25] =	ssyncadd.s32 $0xFFFFF600  }
0x48: {  	_ =	swait.ge [sflag:s25], $0xA00  }
0x49: {  	[sflag:s25] =	ssyncset.done $0x0  }
0x4a: {  	[sflag:s25] =	ssyncadd.s32 $0xFFFFF600  }
0x4b: {  	_ =	swait.ge [sflag:s25], $0xA00  }
0x4c: {  	[sflag:s25] =	ssyncset.done $0x0  }
0x4d: {  	[sflag:s25] =	ssyncadd.s32 $0xFFFFF600  }
0x4e: {  	_ =	swait.ge [sflag:s25], $0xA00  }
0x4f: {  	[sflag:s25] =	ssyncset.done $0x0  }
0x50: {  	[sflag:s25] =	ssyncadd.s32 $0xFFFFF600  }
0x51: {  	_ =	swait.ge [sflag:s25], $0xA00  }
0x52: {  	[sflag:s25] =	ssyncset.done $0x0  }
0x53: {  	[sflag:s25] =	ssyncadd.s32 $0xFFFFF600  }
0x54: {  	[spmem:s1] =	stream.indirect.scatter.add.f32 [tilespmem:s16], [sflag:$0x2], $0x20, s14, s15, $0xb8;
	[tilespmem:$0x1DB00] =	vst v63  }
0x55: {  	_ = 	snop  }
0x56: {  	[spmem:s1] =	stream.indirect.scatter.add.f32 [tilespmem:s18], [sflag:$0x2], $0x20, s26, s15, $0xb8;
	[tilespmem:$0x1DB00] =	vst v63  }
0x57: {  	_ = 	snop  }
0x58: {  	[spmem:s1] =	stream.indirect.scatter.add.f32 [tilespmem:s20], [sflag:$0x2], $0x20, s28, s15, $0xb8;
	[tilespmem:$0x1DB00] =	vst v63  }
0x59: {  	_ = 	snop  }
0x5a: {  	[spmem:s1] =	stream.indirect.scatter.add.f32 [tilespmem:s22], [sflag:$0x2], $0x20, s29, s15, $0xb8;
	[tilespmem:$0x1DB00] =	vst v63  }
0x5b: {  	_ = 	snop  }
0x5c: {  	[spmem:s1] =	stream.indirect.scatter.add.f32 [tilespmem:s24], [sflag:$0x2], $0x20, s30, s15, $0xb8;
	[tilespmem:$0x1DB00] =	vst v63  }
0x5d: {  	_ =	swait.ge [sflag:s31], $0xA00  }
0x5e: {  	[sflag:s31] =	ssyncset.done $0x0  }
0x5f: {  	[sflag:s31] =	ssyncadd.s32 $0xFFFFF600  }
0x60: {  	_ =	swait.ge [sflag:s31], $0xA00  }
0x61: {  	[sflag:s31] =	ssyncset.done $0x0  }
0x62: {  	[sflag:s31] =	ssyncadd.s32 $0xFFFFF600  }
0x63: {  	_ =	swait.ge [sflag:s31], $0xA00  }
0x64: {  	[sflag:s31] =	ssyncset.done $0x0  }
0x65: {  	s17 =	sadd.s32 $0x1, s17;
	[sflag:s31] =	ssyncadd.s32 $0xFFFFF600  }
0x66: {  	p0 =	sne.s32 s17, $0x7D;
	_ =	swait.ge [sflag:s31], $0xA00  }
.Ltmp3:
0x67: {  	[sflag:s31] =	ssyncset.done $0x0;
	(pc) =	sbr.rel @p0 .LBB2_6-.Ltmp3, $4  }
0x68: {  	[sflag:s31] =	ssyncadd.s32 $0xFFFFF600  }
0x69: {  	_ =	swait.ge [sflag:s31], $0xA00  }
0x6a: {  	[sflag:s31] =	ssyncset.done $0x0  }
0x6b: {  	[sflag:s31] =	ssyncadd.s32 $0xFFFFF600  }
0x6c: {  	[bflag:$0x0] =	sbarrier.arrive $0xFFFF  }
0x6d: {  	[tilespmem:s0], [sflag:$0x3] =	stream.linear.gather [spmem:s9], $0xFA0, $0x38;
	[tilespmem:$0x1DB00] =	vst v63  }
0x6e: {  	_ =	swait.ge [sflag:s12], $0xFA0  }
0x6f: {  	[sflag:s12] =	ssyncset.done $0x0  }
0x70: {  	s2 =	sadd.s32 $0x0, s10;
	[sflag:s12] =	ssyncadd.s32 $0xFFFFF060  }
0x71: {  	[hbm4b:s2+s3] =	stream.strided.scatter [tilespmem:s0], [sflag:$0x3], $0xFA0, s8, s3, $0x38;
	[tilespmem:$0x1DB00] =	vst v63  }
0x72: {  	_ =	swait.ge [sflag:s12], $0xFA0  }
0x73: {  	s17 =	smov.u32 s9;
	s2 =	simm.s32 $0x7D0;
	[sflag:s12] =	ssyncset.done $0x0  }
.LBB2_10:
0x74: {  	p0 =	sne.s32 s2, $0xBB80;
	[sflag:s12] =	ssyncadd.s32 $0xFFFFF060;
	s17 =	sadd.s32 $0xFA0, s17  }
0x75: {  	[tilespmem:s0], [sflag:$0x3] =	stream.linear.gather [spmem:s17], $0xFA0, $0x38;
	[tilespmem:$0x1DB00] =	vst v63  }
0x76: {  	s19 =	smov.u32 s2;
	s2 =	sadd.s32 $0x7D0, s2;
	_ =	swait.ge [sflag:s12], $0xFA0  }
.Ltmp4:
0x77: {  	[sflag:s12] =	ssyncset.done $0x0;
	(pc) =	sbr.rel @p0 .LBB2_10-.Ltmp4, $4  }
0x78: {  	s19 =	sadd.s32 s19, s10;
	[sflag:s12] =	ssyncadd.s32 $0xFFFFF060  }
0x79: {  	[hbm4b:s19+s3] =	stream.strided.scatter [tilespmem:s0], [sflag:$0x3], $0xFA0, s8, s3, $0x38;
	[tilespmem:$0x1DB00] =	vst v63  }
0x7a: {  	_ =	swait.ge [sflag:s12], $0xFA0  }
0x7b: {  	[sflag:s12] =	ssyncset.done $0x0  }
0x7c: {  	[sflag:s12] =	ssyncadd.s32 $0xFFFFF060  }
0x7d: {  	s2 =	sadd.s32 $0x0, s9;
	[bflag:$0x0] =	sbarrier.arrive $0xFFFF  }
0x7e: {  	[spmem:s2] =	stream.linear.scatter [tilespmem:s11], [sflag:$0x3], $0xFA0, $0x38;
	[tilespmem:$0x1DB00] =	vst v63  }
0x7f: {  	s2 =	simm.s32 $0x3E80;
	_ =	swait.ge [sflag:s12], $0xFA0  }
.LBB2_12:
0x80: {  	s17 =	sshra.s32 s2, $0x2;
	[sflag:s12] =	ssyncset.done $0x0;
	p0 =	sne.s32 s2, $0x5DC00  }
.Ltmp5:
0x81: {  	s17 =	sadd.s32 s17, s9;
	[sflag:s12] =	ssyncadd.s32 $0xFFFFF060;
	(pc) =	sbr.rel @p0 .LBB2_12-.Ltmp5, $3  }
0x82: {  	[spmem:s17] =	stream.linear.scatter [tilespmem:s11], [sflag:$0x3], $0xFA0, $0x38;
	[tilespmem:$0x1DB00] =	vst v63  }
0x83: {  	s2 =	sadd.s32 $0x3E80, s2;
	_ =	sdelay $0x1  }
0x84: {  	_ =	swait.ge [sflag:s12], $0xFA0  }
0x85: {  	[sflag:s12] =	ssyncset.done $0x0  }
0x86: {  	[sflag:s12] =	ssyncadd.s32 $0xFFFFF060  }
0x87: {  	s2 =	simm.s32 $0x0;
	s17 =	simm.s32 $0x0;
	[bflag:$0x0] =	sbarrier.arrive $0xFFFF  }
.LBB2_14:
0x88: {  	s19 =	smul.u32 $0x190, s17;
	_ =	sdelay $0x1  }
0x89: {  	s19 =	sadd.s32 s7, s19  }
0x8a: {  	s21 =	sshrl.u32 s19, $0x3  }
0x8b: {  	s19 =	smulhi.u32 $0xCCCCCCCD, s19;
	s21 =	sadd.s32 s5, s21  }
0x8c: {  	[tilespmem:s13], [sflag:$0x3] =	stream.linear.gather [hbm4b:s21+s2], $0x190, $0x38;
	[tilespmem:$0x1DB00] =	vst v63  }
0x8d: {  	s19 =	sshrl.u32 s19, $0x6  }
0x8e: {  	s19 =	smul.u32 $0x50, s19  }
0x8f: {  	_ =	swait.ge [sflag:s12], $0x190  }
0x90: {  	[sflag:s12] =	ssyncset.done $0x0;
	s19 =	sshrl.u32 s19, $0x3  }
0x91: {  	[sflag:s12] =	ssyncadd.s32 $0xFFFFFE70;
	s19 =	sadd.s32 s6, s19  }
0x92: {  	[tilespmem:s14], [sflag:$0x3] =	stream.linear.gather [hbm4b:s19+s2], $0x190, $0x38;
	[tilespmem:$0x1DB00] =	vst v63  }
0x93: {  	_ =	swait.ge [sflag:s12], $0x190  }
0x94: {  	[sflag:s12] =	ssyncset.done $0x0  }
0x95: {  	s21 =	simm.s32 $0x40;
	s19 =	simm.s32 $0x0;
	[sflag:s12] =	ssyncadd.s32 $0xFFFFFE70  }
.LBB2_15:
0x96: {  	p0 =	sne.s32 s21, $0x600;
	v3 =	vld [tilespmem:s19+$0x186A0];
	_ =	sdelay $0x2  }
.Ltmp6:
0x97: {  	(pc) =	sbr.rel @p0 .LBB2_15-.Ltmp6, $4  }
0x98: {  	_ = 	snop  }
0x99: {  	v3 =	vshll.u32 v3, $0x2  }
0x9a: {  	v3 =	vor.u32 v1, v3  }
0x9b: {  	[tilespmem:s19+$0x186A0] =	vst v3;
	s19 =	sshra.s32 s21, $0x2;
	s21 =	sadd.s32 $0x40, s21  }
0x9c: {  	v3 =	vld [tilespmem:s19+$0x186A0];
	_ =	sdelay $0x4  }
0x9d: {  	v3 =	vshll.u32 v3, $0x2  }
0x9e: {  	v3 =	vor.u32 v1, v3  }
0x9f: {  	[tilespmem:s19+$0x186A0] =	vst v3  }
0xa0: {  	[tilespmem:s16], [sflag:$0x1] =	stream.indirect.gather [hbm4b:s4+s15], $0x20, s13, s15, $0xb8;
	[tilespmem:$0x1DB00] =	vst v63  }
0xa1: {  	s21 =	simm.s32 $0x186F0  }
0xa2: {  	[tilespmem:s18], [sflag:$0x1] =	stream.indirect.gather [hbm4b:s4+s15], $0x20, s21, s15, $0xb8;
	[tilespmem:$0x1DB00] =	vst v63  }
0xa3: {  	s21 =	simm.s32 $0x18740  }
0xa4: {  	[tilespmem:s20], [sflag:$0x1] =	stream.indirect.gather [hbm4b:s4+s15], $0x20, s21, s15, $0xb8;
	[tilespmem:$0x1DB00] =	vst v63  }
0xa5: {  	s21 =	simm.s32 $0x18790  }
0xa6: {  	[tilespmem:s22], [sflag:$0x1] =	stream.indirect.gather [hbm4b:s4+s15], $0x20, s21, s15, $0xb8;
	[tilespmem:$0x1DB00] =	vst v63  }
0xa7: {  	_ = 	snop  }
0xa8: {  	[tilespmem:s24], [sflag:$0x1] =	stream.indirect.gather [hbm4b:s4+s15], $0x20, s23, s15, $0xb8;
	[tilespmem:$0x1DB00] =	vst v63  }
0xa9: {  	_ =	swait.ge [sflag:s25], $0xA00  }
0xaa: {  	[sflag:s25] =	ssyncset.done $0x0  }
0xab: {  	[sflag:s25] =	ssyncadd.s32 $0xFFFFF600  }
0xac: {  	_ =	swait.ge [sflag:s25], $0xA00  }
0xad: {  	[sflag:s25] =	ssyncset.done $0x0  }
0xae: {  	[sflag:s25] =	ssyncadd.s32 $0xFFFFF600  }
0xaf: {  	_ =	swait.ge [sflag:s25], $0xA00  }
0xb0: {  	[sflag:s25] =	ssyncset.done $0x0  }
0xb1: {  	[sflag:s25] =	ssyncadd.s32 $0xFFFFF600  }
0xb2: {  	_ =	swait.ge [sflag:s25], $0xA00  }
0xb3: {  	[sflag:s25] =	ssyncset.done $0x0  }
0xb4: {  	[sflag:s25] =	ssyncadd.s32 $0xFFFFF600  }
0xb5: {  	_ =	swait.ge [sflag:s25], $0xA00  }
0xb6: {  	[sflag:s25] =	ssyncset.done $0x0  }
0xb7: {  	[sflag:s25] =	ssyncadd.s32 $0xFFFFF600  }
0xb8: {  	[spmem:s1] =	stream.indirect.scatter.add.f32 [tilespmem:s16], [sflag:$0x2], $0x20, s14, s15, $0xb8;
	[tilespmem:$0x1DB00] =	vst v63  }
0xb9: {  	_ = 	snop  }
0xba: {  	[spmem:s1] =	stream.indirect.scatter.add.f32 [tilespmem:s18], [sflag:$0x2], $0x20, s26, s15, $0xb8;
	[tilespmem:$0x1DB00] =	vst v63  }
0xbb: {  	_ = 	snop  }
0xbc: {  	[spmem:s1] =	stream.indirect.scatter.add.f32 [tilespmem:s20], [sflag:$0x2], $0x20, s28, s15, $0xb8;
	[tilespmem:$0x1DB00] =	vst v63  }
0xbd: {  	_ = 	snop  }
0xbe: {  	[spmem:s1] =	stream.indirect.scatter.add.f32 [tilespmem:s22], [sflag:$0x2], $0x20, s29, s15, $0xb8;
	[tilespmem:$0x1DB00] =	vst v63  }
0xbf: {  	_ = 	snop  }
0xc0: {  	[spmem:s1] =	stream.indirect.scatter.add.f32 [tilespmem:s24], [sflag:$0x2], $0x20, s30, s15, $0xb8;
	[tilespmem:$0x1DB00] =	vst v63  }
0xc1: {  	_ =	swait.ge [sflag:s31], $0xA00  }
0xc2: {  	[sflag:s31] =	ssyncset.done $0x0  }
0xc3: {  	[sflag:s31] =	ssyncadd.s32 $0xFFFFF600  }
0xc4: {  	_ =	swait.ge [sflag:s31], $0xA00  }
0xc5: {  	[sflag:s31] =	ssyncset.done $0x0  }
0xc6: {  	[sflag:s31] =	ssyncadd.s32 $0xFFFFF600  }
0xc7: {  	_ =	swait.ge [sflag:s31], $0xA00  }
0xc8: {  	[sflag:s31] =	ssyncset.done $0x0  }
0xc9: {  	s17 =	sadd.s32 $0x1, s17;
	[sflag:s31] =	ssyncadd.s32 $0xFFFFF600  }
0xca: {  	p0 =	sne.s32 s17, $0x7D;
	_ =	swait.ge [sflag:s31], $0xA00  }
.Ltmp7:
0xcb: {  	[sflag:s31] =	ssyncset.done $0x0;
	(pc) =	sbr.rel @p0 .LBB2_14-.Ltmp7, $4  }
0xcc: {  	[sflag:s31] =	ssyncadd.s32 $0xFFFFF600  }
0xcd: {  	_ =	swait.ge [sflag:s31], $0xA00  }
0xce: {  	[sflag:s31] =	ssyncset.done $0x0  }
0xcf: {  	[sflag:s31] =	ssyncadd.s32 $0xFFFFF600  }
0xd0: {  	[bflag:$0x0] =	sbarrier.arrive $0xFFFF  }
0xd1: {  	[tilespmem:s0], [sflag:$0x3] =	stream.linear.gather [spmem:s9], $0xFA0, $0x38;
	[tilespmem:$0x1DB00] =	vst v63  }
0xd2: {  	_ =	swait.ge [sflag:s12], $0xFA0  }
0xd3: {  	[sflag:s12] =	ssyncset.done $0x0  }
0xd4: {  	s2 =	sadd.s32 $0x4, s10;
	[sflag:s12] =	ssyncadd.s32 $0xFFFFF060  }
0xd5: {  	[hbm4b:s2+s3] =	stream.strided.scatter [tilespmem:s0], [sflag:$0x3], $0xFA0, s8, s3, $0x38;
	[tilespmem:$0x1DB00] =	vst v63  }
0xd6: {  	_ =	swait.ge [sflag:s12], $0xFA0  }
0xd7: {  	s17 =	smov.u32 s9;
	s2 =	simm.s32 $0x7D4;
	[sflag:s12] =	ssyncset.done $0x0  }
.LBB2_18:
0xd8: {  	p0 =	sne.s32 s2, $0xBB84;
	[sflag:s12] =	ssyncadd.s32 $0xFFFFF060;
	s17 =	sadd.s32 $0xFA0, s17  }
0xd9: {  	[tilespmem:s0], [sflag:$0x3] =	stream.linear.gather [spmem:s17], $0xFA0, $0x38;
	[tilespmem:$0x1DB00] =	vst v63  }
0xda: {  	s19 =	smov.u32 s2;
	s2 =	sadd.s32 $0x7D0, s2;
	_ =	swait.ge [sflag:s12], $0xFA0  }
.Ltmp8:
0xdb: {  	[sflag:s12] =	ssyncset.done $0x0;
	(pc) =	sbr.rel @p0 .LBB2_18-.Ltmp8, $4  }
0xdc: {  	s19 =	sadd.s32 s19, s10;
	[sflag:s12] =	ssyncadd.s32 $0xFFFFF060  }
0xdd: {  	[hbm4b:s19+s3] =	stream.strided.scatter [tilespmem:s0], [sflag:$0x3], $0xFA0, s8, s3, $0x38;
	[tilespmem:$0x1DB00] =	vst v63  }
0xde: {  	_ =	swait.ge [sflag:s12], $0xFA0  }
0xdf: {  	[sflag:s12] =	ssyncset.done $0x0  }
0xe0: {  	s19 =	rddreg [dreg:$0x4]  }
0xe1: {  	s2 =	rddreg [dreg:$0x5];
	s19 =	sadd.s32 $0x1, s19  }
0xe2: {  	p0 =	sne.s32 s19, s2  }
.Ltmp9:
0xe3: {  	_ = 	snop;
	(pc) =	sbr.rel @p0 .LBB2_1-.Ltmp9, $3  }
0xe4: {  	_ = 	snop  }
0xe5: {  	[sflag:s12] =	ssyncadd.s32 $0xFFFFF060  }
0xe6: {  	[bflag:$0x0] =	sbarrier.arrive $0xFFFF;
	_ =	sdelay $0x1  }
0xe7: {  	_ =	sfence.sel $0x180000  }
0xe8: {  	[bflag:$0x0] =	sbarrier.arrive $0xFFFF  }
0xe9: {  	_ =	strace $0x9000004A  }
0xea: {  	s0 =	stileid.u32;
	[bflag:$0x2] =	sbarrier.arrive $0xFFFF  }
0xeb: {  	p0 =	sne.s32 s0, $0x0;
	s0 =	rddreg [dreg:$0x3]  }
0xec: {  	s0 =	sadd.s32 @!p0 $0x100000, s0  }
0xed: {  	[sflag:s0] =	ssyncadd.tile.s32 @!p0 $0x1;
	_ =	shalt  }
.Lfunc_end2:
_tile_overlayer_lowered:
.L_overlay_start_2:
0xee: {  	(tag) =	ssettag $0x2  }
0xef: {  	s0 =	rddreg [dreg:$0x0];
	s2 =	stileid.u32  }
0xf0: {  	s1 =	rddreg [dreg:$0x1];
	p0 =	sne.s32 s2, $0x0  }
0xf1: {  	s3 =	rddreg [dreg:$0x2];
	[bflag:$0x3] =	sbarrier.arrive $0xFFFF;
	s2 =	simm.s32 @!p0 $0x1C03  }
0xf2: {  	[timem:s3], [sflag:s2] =	dma.local @!p0 [hbm:s0], s1  }
0xf3: {  	s0 =	simm.s32 @!p0 $0x3  }
0xf4: {  	_ =	swait.ge @!p0 [sflag:s0], s1  }
0xf5: {  	s1 =	ssub.s32 @!p0 $0x0, s1;
	[sflag:s0] =	ssyncset.done @!p0 $0x0  }
0xf6: {  	[sflag:s0] =	ssyncadd.s32 @!p0 s1  }
0xf7: {  	[bflag:$0x3] =	sbarrier.arrive $0xFFFF  }
0xf8: {  	_ =	shalt  }

// kernel: kernel.7.cloned.1.call-start
scs
__scs_entry_jumppad:
0x0: {  	(pc) =	sbr.rel $0x88, $3  }
0x1: {  	(tag) =	ssettag $0x0;
	lr =	simm.s32 $0x1  }
0x2: {  	[smem:$0x3F96] =	sst lr;
	_ =	strace $0xD0000000  }
0x3: {  	_ = 	snop  }
0x4: {  	_ = 	snop  }
0x5: {  	_ = 	snop  }
0x6: {  	_ = 	snop  }
0x7: {  	_ = 	snop  }
__scs_overlays_trampoline_lowered:
0x8: {  	[smem:$0x3FA5] =	sst s0  }
0x9: {  	[smem:$0x3FA6] =	sst s1  }
0xa: {  	[smem:$0x3FA7] =	sst s2  }
0xb: {  	[smem:$0x3FA8] =	sst s3  }
0xc: {  	[smem:$0x3FA9] =	sst s4  }
0xd: {  	[smem:$0x3FAA] =	sst s5  }
0xe: {  	[smem:$0x3FAB] =	sst s6  }
0xf: {  	[smem:$0x3FAC] =	sst s7  }
0x10: {  	[smem:$0x3FAD] =	sst s8  }
0x11: {  	[smem:$0x3FAE] =	sst s9;
	s0 =	simm.s32 @!p0 $0x0  }
0x12: {  	s1 =	sld [smem:$0x3F94];
	s0 =	simm.s32 @p0 $0x1  }
0x13: {  	[smem:$0x3FAF] =	sst s0;
	s0 =	simm.s32 @!p1 $0x0  }
0x14: {  	s2 =	sld [smem:$0x3F93];
	s0 =	simm.s32 @p1 $0x1  }
0x15: {  	[smem:$0x3FB0] =	sst s0;
	s0 =	simm.s32 @!p2 $0x0  }
0x16: {  	s3 =	sld [smem:$0x3FDB];
	s0 =	simm.s32 @p2 $0x1  }
0x17: {  	s4 =	simm.s32 $0x1BF5;
	[smem:$0x3FB2] =	sst s0  }
0x18: {  	s0 =	sld [smem:$0x3F95];
	_ =	swait.ge [sflag:s4], $0x0  }
0x19: {  	s7 =	sld [smem:$0x3F96]  }
0x1a: {  	s8 =	sadd.s32 $0xFFFFE003, lr  }
0x1b: {  	s9 =	sadd.s32 $0xFFFFFEF7, lr;
	s5 =	simm.s32 $0xFFFFFFFF;
	p2 =	slt.u32 s8, $0xFFFFF086  }
0x1c: {  	p1 =	slt.u32 s9, $0xF7A;
	s5 =	simm.s32 @!p2 $0x0  }
0x1d: {  	s5 =	simm.s32 @p1 $0x1;
	p0 =	seq.s32 s7, s2  }
0x1e: {  	s7 =	smul.u32 @!p0 $0xF7A, s2;
	p2 =	seq.s32 @!p0 s5, $0x0  }
0x1f: {  	s9 =	smul.u32 $0xF7A, s1;
	s8 =	simm.s32 @!p0 $0x1BF5;
	p2 =	por !p2, p0  }
0x20: {  	[sflag:s8] =	ssyncset.s32 @!p0 $0xFFFFF086;
	s6 =	sadd.s32 @!p0 s3, s7;
	s7 =	simm.s32 @!p0 $0x108  }
0x21: {  	s3 =	sadd.s32 s3, s9;
	s6 =	sadd.s32 @!p0 $0x88, s6;
	s7 =	simm.s32 @p2 $0x1082  }
0x22: {  	[simem:s7], [sflag:s8] =	dma.local @!p0 [hbm:s6], $0xF7A  }
0x23: {  	s9 =	sor.u32 $0xD0000000, s2;
	s6 =	simm.s32 $0x108;
	_ =	swait.ge @!p0 [sflag:s8], $0x0  }
0x24: {  	s3 =	sadd.s32 $0x88, s3;
	s6 =	simm.s32 @!p1 $0x1082;
	[sflag:s4] =	ssyncset.s32 $0xFFFFF086  }
0x25: {  	[simem:s6], [sflag:s4] =	dma.local [hbm:s3], $0xF7A  }
0x26: {  	[smem:$0x3F96] =	sst s1;
	(tag) =	ssettag s2;
	_ =	strace s9  }
0x27: {  	s1 =	sld [smem:$0x3FA6]  }
0x28: {  	s2 =	sld [smem:$0x3FA7]  }
0x29: {  	s4 =	sld [smem:$0x3FA9]  }
0x2a: {  	p0 =	seq.s32 s5, $0x0;
	s5 =	sld [smem:$0x3FAA]  }
0x2b: {  	s6 =	sld [smem:$0x3FAB]  }
0x2c: {  	s7 =	sld [smem:$0x3FAC]  }
0x2d: {  	s3 =	simm.s32 $0x108;
	s8 =	sld [smem:$0x3FAD]  }
0x2e: {  	s3 =	simm.s32 @!p0 $0x1082;
	s9 =	sld [smem:$0x3FAE]  }
0x2f: {  	lr =	sadd.s32 s0, s3;
	s0 =	sld [smem:$0x3FA5]  }
0x30: {  	s3 =	sld [smem:$0x3FA8]  }
0x31: {  	[smem:$0x3FB1] =	sst s10  }
0x32: {  	s10 =	sld [smem:$0x3FAF];
	_ =	sdelay $0x3  }
0x33: {  	p0 =	seq.s32 s10, $0x1;
	s10 =	sld [smem:$0x3FB1];
	_ =	sdelay $0x3  }
0x34: {  	[smem:$0x3FB1] =	sst s10  }
0x35: {  	s10 =	sld [smem:$0x3FB0];
	_ =	sdelay $0x3  }
0x36: {  	p1 =	seq.s32 s10, $0x1;
	s10 =	sld [smem:$0x3FB1];
	_ =	sdelay $0x3  }
0x37: {  	[smem:$0x3FB1] =	sst s10  }
0x38: {  	s10 =	sld [smem:$0x3FB2]  }
0x39: {  	_ = 	snop;
	(pc) =	sbr.ind lr, $3  }
0x3a: {  	_ = 	snop  }
0x3b: {  	_ = 	snop  }
0x3c: {  	p2 =	seq.s32 s10, $0x1;
	s10 =	sld [smem:$0x3FB1]  }
0x3d: {  	_ =	shalt  }
0x3e: {  	_ =	shalt  }
0x3f: {  	_ =	shalt  }
0x40: {  	_ =	shalt  }
0x41: {  	_ =	shalt  }
0x42: {  	_ =	shalt  }
0x43: {  	_ =	shalt  }
0x44: {  	_ =	shalt  }
0x45: {  	_ =	shalt  }
0x46: {  	_ =	shalt  }
0x47: {  	_ =	shalt  }
0x48: {  	_ =	shalt  }
0x49: {  	_ =	shalt  }
0x4a: {  	_ =	shalt  }
0x4b: {  	_ =	shalt  }
0x4c: {  	_ =	shalt  }
0x4d: {  	_ =	shalt  }
0x4e: {  	_ =	shalt  }
0x4f: {  	_ =	shalt  }
0x50: {  	_ =	shalt  }
0x51: {  	_ =	shalt  }
0x52: {  	_ =	shalt  }
0x53: {  	_ =	shalt  }
0x54: {  	_ =	shalt  }
0x55: {  	_ =	shalt  }
0x56: {  	_ =	shalt  }
0x57: {  	_ =	shalt  }
0x58: {  	_ =	shalt  }
0x59: {  	_ =	shalt  }
0x5a: {  	_ =	shalt  }
0x5b: {  	_ =	shalt  }
0x5c: {  	_ =	shalt  }
0x5d: {  	_ =	shalt  }
0x5e: {  	_ =	shalt  }
0x5f: {  	_ =	shalt  }
0x60: {  	_ =	shalt  }
0x61: {  	_ =	shalt  }
0x62: {  	_ =	shalt  }
0x63: {  	_ =	shalt  }
0x64: {  	_ =	shalt  }
0x65: {  	_ =	shalt  }
0x66: {  	_ =	shalt  }
0x67: {  	_ =	shalt  }
0x68: {  	_ =	shalt  }
0x69: {  	_ =	shalt  }
0x6a: {  	_ =	shalt  }
0x6b: {  	_ =	shalt  }
0x6c: {  	_ =	shalt  }
0x6d: {  	_ =	shalt  }
0x6e: {  	_ =	shalt  }
0x6f: {  	_ =	shalt  }
0x70: {  	_ =	shalt  }
0x71: {  	_ =	shalt  }
0x72: {  	_ =	shalt  }
0x73: {  	_ =	shalt  }
0x74: {  	_ =	shalt  }
0x75: {  	_ =	shalt  }
0x76: {  	_ =	shalt  }
0x77: {  	_ =	shalt  }
0x78: {  	_ =	shalt  }
0x79: {  	_ =	shalt  }
0x7a: {  	_ =	shalt  }
0x7b: {  	_ =	shalt  }
0x7c: {  	_ =	shalt  }
0x7d: {  	_ =	shalt  }
0x7e: {  	_ =	shalt  }
0x7f: {  	_ =	shalt  }
0x80: {  	_ =	shalt  }
0x81: {  	_ =	shalt  }
0x82: {  	_ =	shalt  }
0x83: {  	_ =	shalt  }
0x84: {  	_ =	shalt  }
0x85: {  	_ =	shalt  }
0x86: {  	_ =	shalt  }
0x87: {  	_ =	shalt  }
.Lfunc_end0:
.L_simem_size_0:
called_computation_lowered:
.L_overlay_start_0:
0x88: {  	s2 =	sld [smem:$0x3FD9]  }
0x89: {  	s3 =	sld [smem:$0x3FFE];
	_ =	sdelay $0x1  }
0x8a: {  	s1 =	srdreg.scid  }
0x8b: {  	s0 =	sand.u32 $0x1, s1  }
0x8c: {  	s16 =	sshll.u32 s0, $0xA;
	s2 =	sadd.s32 s3, s2  }
0x8d: {  	s2 =	sadd.s32 s2, s16  }
0x8e: {  	[smem:$0x3FBD] =	sst s2  }
0x8f: {  	_ = 	snop  }
0x90: {  	(tm) =	ssettm $0x1  }
0x91: {  	s17 =	sld [smem:$0x3FFB];
	_ =	sdelay $0x3  }
0x92: {  	_ =	strace s17  }
0x93: {  	s2 =	sld [smem:$0x3FFC];
	_ =	sdelay $0x3  }
0x94: {  	_ =	strace s2  }
0x95: {  	s2 =	sld [smem:$0x3FFD];
	_ =	sdelay $0x3  }
0x96: {  	_ =	strace s2  }
0x97: {  	_ =	strace $0x8FFFFFFF  }
0x98: {  	s18 =	sld [smem:$0x3FDB];
	_ =	sdelay $0x1  }
0x99: {  	s19 =	simm.s32 $_scs_section_size  }
0x9a: {  	s4 =	simm.s32 $_size__tile_overlayer_lowered;
	s5 =	simm.s32 $_tile_overlayer_lowered  }
0x9b: {  	s22 =	simm.s32 $0x1BFF;
	s21 =	sshll.u32 s5, $0x1;
	s2 =	sadd.s32 s19, s18  }
0x9c: {  	s6 =	simm.s32 $0x0;
	s20 =	sshll.u32 s4, $0x1;
	s4 =	sadd.s32 s21, s2  }
0x9d: {  	[timem:s6], [sflag:s22] =	dma.local [hbm:s4], s20  }
0x9e: {  	_ =	swait.ge [sflag:s22], s20  }
0x9f: {  	s3 =	ssub.s32 $0x0, s20;
	[sflag:s22] =	ssyncset.done $0x0  }
0xa0: {  	[sflag:s22] =	ssyncadd.s32 s3;
	_ =	sdelay $0x1  }
0xa1: {  	s23 =	simm.s32 $0x1B8B  }
0xa2: {  	_ =	swait.ge [sflag:s23], $0x1  }
0xa3: {  	[sflag:s23] =	ssyncset.done $0x0  }
0xa4: {  	s25 =	simm.s32 $0x1B8E;
	s24 =	sld [smem:$0x3FFE];
	[sflag:s23] =	ssyncadd.s32 $0xFFFFFFFF  }
0xa5: {  	s26 =	simm.s32 $execute0_lowered;
	[smem:$0x3FD2] =	sst s25  }
0xa6: {  	s4 =	sshll.u32 s26, $0x1;
	_ =	strace $0x80000046;
	[dreg:$0x1] =	wrdreg $0xFFFFFFFF  }
0xa7: {  	s28 =	simm.s32 $_size_execute0_lowered;
	s2 =	sadd.s32 s2, s4;
	[dreg:$0x0] =	wrdreg $0x0  }
0xa8: {  	s4 =	sshll.u32 s28, $0x1;
	[dreg:$0x2] =	wrdreg s2  }
0xa9: {  	[dreg:$0x3] =	wrdreg s4  }
0xaa: {  	[dreg:$0x4] =	wrdreg $0xC0  }
0xab: {  	_ =	task [dreg:s6], $0x5FFFF  }
0xac: {  	[dreg:$0x1] =	wrdreg $0xFFFFFFFF  }
0xad: {  	[dreg:$0x0] =	wrdreg $0x60  }
0xae: {  	[dreg:$0x2] =	wrdreg s24  }
0xaf: {  	[dreg:$0x3] =	wrdreg $0x0  }
0xb0: {  	[dreg:$0x4] =	wrdreg $0x9  }
0xb1: {  	_ =	task.clear_ibuf [dreg:s6], $0x5FFFF;
	_ =	strace $0x90000046  }
0xb2: {  	s29 =	simm.s32 $0x9;
	_ =	strace $0x80000048  }
0xb3: {  	_ =	swait.ge [sflag:s29], $0x1  }
0xb4: {  	[sflag:s29] =	ssyncadd.s32 $0xFFFFFFFF  }
0xb5: {  	_ =	strace $0x90000048  }
0xb6: {  	_ =	sfence  }
0xb7: {  	s30 =	sld [smem:$0x0];
	_ =	sdelay $0x2  }
0xb8: {  	s31 =	sshll.u32 s1, $0xD;
	s1 =	sshrl.u32 s1, $0x2  }
0xb9: {  	s3 =	sand.u32 $0x4000, s31;
	s1 =	sadd.s32 s1, s30  }
0xba: {  	s0 =	sor.u32 s3, s0;
	s1 =	sshll.u32 s1, $0x11  }
0xbb: {  	s0 =	sor.u32 s1, s0  }
0xbc: {  	s0 =	sadd.s32 $0x8F2B, s0  }
0xbd: {  	[sflag:s0] =	ssyncadd.remote.s32 $0x1  }
0xbe: {  	_ =	sfence.sel $0xFFFF  }
0xbf: {  	[dreg:$0x0] =	wrdreg $0xFFFFFFFF;
	(pc) =	sbr.abs _section_cstart, $3  }
0xc0: {  	[dreg:$0x1] =	wrdreg $0xFFFFFFFF  }
0xc1: {  	_ =	task.clear_ibuf [dreg:s6], $0x2FFFF;
	_ =	strace $0x9FFFFFFF  }
0xc2: {  	(tm) =	ssettm $0x7FFFFFFF  }
0xc3: {  	_ =	shalt  }
tec
execute0_lowered:
.L_overlay_start_1:
0x0: {  	(tag) =	ssettag $0x1  }
0x1: {  	s0 =	rddreg [dreg:$0x0]  }
0x2: {  	s1 =	rddreg [dreg:$0x1];
	s17 =	simm.s32 $0x0;
	s2 =	srdreg.scid  }
0x3: {  	s9 =	stileid.u32;
	s11 =	simm.s32 $0x1BBC0;
	s12 =	simm.s32 $0x3  }
0x4: {  	s13 =	simm.s32 $0x186A0;
	s14 =	simm.s32 $0x18830;
	s15 =	simm.s32 $0x50  }
0x5: {  	s16 =	simm.s32 $0x189C0;
	s18 =	simm.s32 $0x193C0;
	s20 =	simm.s32 $0x19DC0  }
0x6: {  	s22 =	simm.s32 $0x1A7C0;
	s23 =	simm.s32 $0x187E0;
	s24 =	simm.s32 $0x1B1C0  }
0x7: {  	s25 =	simm.s32 $0x1;
	s26 =	simm.s32 $0x18880;
	s28 =	simm.s32 $0x188D0  }
0x8: {  	s29 =	simm.s32 $0x18920;
	s30 =	simm.s32 $0x18970;
	s31 =	simm.s32 $0x2  }
0x9: {  	[smem:$0x7FF] =	sst s17;
	s4 =	sadd.s32 $0x31800, s0;
	s2 =	sand.u32 $0x1, s2  }
0xa: {  	s5 =	sadd.s32 $0x19000, s0;
	s6 =	smul.u32 $0xC350, s9;
	s7 =	sadd.s32 $0x800, s0  }
0xb: {  	s9 =	smul.u32 $0x61A80, s9;
	_ =	strace $0x80000047;
	s3 =	ssub.s32 $0x2, s2  }
0xc: {  	s21 =	sshll.u32 s2, $0x1;
	s10 =	sshll.u32 s2, $0x3;
	s2 =	sshllo.u32 s2, $0x1  }
0xd: {  	s8 =	sshrl.u32 s3, $0x1;
	s0 =	sadd.s32 s6, s0;
	s9 =	sshrl.u32 s9, $0x2  }
0xe: {  	s3 =	ssub.s32 s3, s8;
	s9 =	sadd.s32 s9, s1;
	s0 =	sadd.s32 s10, s0  }
0xf: {  	s8 =	simm.s32 $0x80;
	s3 =	smax.u32 s3, $0x1;
	s10 =	sadd.s32 $0xF4E00, s0  }
0x10: {  	v2 =	vimm.f32 $0.0e+00;
	v0 =	vmov s21;
	v1 =	vmov s2;
	s0 =	simm.s32 $0x1CB60;
	[dreg:$0x4] =	wrdreg s3;
	s3 =	simm.s32 $0x20  }
.LBB2_1:
0x11: {  	[dreg:$0x3] =	wrdreg s17;
	s2 =	simm.s32 $0x0  }
.LBB2_2:
0x12: {  	p0 =	sne.s32 s2, $0x3E00  }
.Ltmp0:
0x13: {  	_ = 	snop;
	(pc) =	sbr.rel @p0 .LBB2_2-.Ltmp0, $4  }
0x14: {  	_ = 	snop  }
0x15: {  	s17 =	sshra.s32 s2, $0x2  }
0x16: {  	[tilespmem:s17+$0x1BBC0] =	vst v2  }
0x17: {  	s2 =	sadd.s32 $0x80, s2;
	[tilespmem:s17+$0x1BBD0] =	vst v2  }
0x18: {  	s2 =	sadd.s32 $0x0, s9  }
0x19: {  	[spmem:s2] =	stream.linear.scatter [tilespmem:s11], [sflag:$0x3], $0xFA0, $0x38;
	[tilespmem:$0x1DB00] =	vst v63  }
0x1a: {  	s2 =	simm.s32 $0x3E80;
	_ =	swait.ge [sflag:s12], $0xFA0  }
.LBB2_4:
0x1b: {  	s17 =	sshra.s32 s2, $0x2;
	[sflag:s12] =	ssyncset.done $0x0;
	p0 =	sne.s32 s2, $0x5DC00  }
.Ltmp1:
0x1c: {  	s17 =	sadd.s32 s17, s9;
	[sflag:s12] =	ssyncadd.s32 $0xFFFFF060;
	(pc) =	sbr.rel @p0 .LBB2_4-.Ltmp1, $3  }
0x1d: {  	[spmem:s17] =	stream.linear.scatter [tilespmem:s11], [sflag:$0x3], $0xFA0, $0x38;
	[tilespmem:$0x1DB00] =	vst v63  }
0x1e: {  	s2 =	sadd.s32 $0x3E80, s2;
	_ =	sdelay $0x1  }
0x1f: {  	_ =	swait.ge [sflag:s12], $0xFA0  }
0x20: {  	[sflag:s12] =	ssyncset.done $0x0  }
0x21: {  	[sflag:s12] =	ssyncadd.s32 $0xFFFFF060  }
0x22: {  	s2 =	simm.s32 $0x0;
	s17 =	simm.s32 $0x0;
	[bflag:$0x0] =	sbarrier.arrive $0xFFFF  }
.LBB2_6:
0x23: {  	s19 =	smul.u32 $0x190, s17;
	_ =	sdelay $0x1  }
0x24: {  	s19 =	sadd.s32 s6, s19  }
0x25: {  	s21 =	sshrl.u32 s19, $0x3  }
0x26: {  	s19 =	smulhi.u32 $0xCCCCCCCD, s19;
	s21 =	sadd.s32 s5, s21  }
0x27: {  	[tilespmem:s13], [sflag:$0x3] =	stream.linear.gather [hbm4b:s21+s2], $0x190, $0x38;
	[tilespmem:$0x1DB00] =	vst v63  }
0x28: {  	s19 =	sshrl.u32 s19, $0x6  }
0x29: {  	s19 =	smul.u32 $0x50, s19  }
0x2a: {  	_ =	swait.ge [sflag:s12], $0x190  }
0x2b: {  	[sflag:s12] =	ssyncset.done $0x0;
	s19 =	sshrl.u32 s19, $0x3  }
0x2c: {  	[sflag:s12] =	ssyncadd.s32 $0xFFFFFE70;
	s19 =	sadd.s32 s7, s19  }
0x2d: {  	[tilespmem:s14], [sflag:$0x3] =	stream.linear.gather [hbm4b:s19+s2], $0x190, $0x38;
	[tilespmem:$0x1DB00] =	vst v63  }
0x2e: {  	_ =	swait.ge [sflag:s12], $0x190  }
0x2f: {  	[sflag:s12] =	ssyncset.done $0x0  }
0x30: {  	s21 =	simm.s32 $0x40;
	s19 =	simm.s32 $0x0;
	[sflag:s12] =	ssyncadd.s32 $0xFFFFFE70  }
.LBB2_7:
0x31: {  	p0 =	sne.s32 s21, $0x600;
	v3 =	vld [tilespmem:s19+$0x186A0];
	_ =	sdelay $0x2  }
.Ltmp2:
0x32: {  	(pc) =	sbr.rel @p0 .LBB2_7-.Ltmp2, $4  }
0x33: {  	_ = 	snop  }
0x34: {  	v3 =	vshll.u32 v3, $0x2  }
0x35: {  	v3 =	vor.u32 v0, v3  }
0x36: {  	[tilespmem:s19+$0x186A0] =	vst v3;
	s19 =	sshra.s32 s21, $0x2;
	s21 =	sadd.s32 $0x40, s21  }
0x37: {  	v3 =	vld [tilespmem:s19+$0x186A0];
	_ =	sdelay $0x4  }
0x38: {  	v3 =	vshll.u32 v3, $0x2  }
0x39: {  	v3 =	vor.u32 v0, v3  }
0x3a: {  	[tilespmem:s19+$0x186A0] =	vst v3  }
0x3b: {  	[tilespmem:s16], [sflag:$0x1] =	stream.indirect.gather [hbm4b:s4+s15], $0x20, s13, s15, $0xb8;
	[tilespmem:$0x1DB00] =	vst v63  }
0x3c: {  	s21 =	simm.s32 $0x186F0  }
0x3d: {  	[tilespmem:s18], [sflag:$0x1] =	stream.indirect.gather [hbm4b:s4+s15], $0x20, s21, s15, $0xb8;
	[tilespmem:$0x1DB00] =	vst v63  }
0x3e: {  	s21 =	simm.s32 $0x18740  }
0x3f: {  	[tilespmem:s20], [sflag:$0x1] =	stream.indirect.gather [hbm4b:s4+s15], $0x20, s21, s15, $0xb8;
	[tilespmem:$0x1DB00] =	vst v63  }
0x40: {  	s21 =	simm.s32 $0x18790  }
0x41: {  	[tilespmem:s22], [sflag:$0x1] =	stream.indirect.gather [hbm4b:s4+s15], $0x20, s21, s15, $0xb8;
	[tilespmem:$0x1DB00] =	vst v63  }
0x42: {  	_ = 	snop  }
0x43: {  	[tilespmem:s24], [sflag:$0x1] =	stream.indirect.gather [hbm4b:s4+s15], $0x20, s23, s15, $0xb8;
	[tilespmem:$0x1DB00] =	vst v63  }
0x44: {  	_ =	swait.ge [sflag:s25], $0xA00  }
0x45: {  	[sflag:s25] =	ssyncset.done $0x0  }
0x46: {  	[sflag:s25] =	ssyncadd.s32 $0xFFFFF600  }
0x47: {  	_ =	swait.ge [sflag:s25], $0xA00  }
0x48: {  	[sflag:s25] =	ssyncset.done $0x0  }
0x49: {  	[sflag:s25] =	ssyncadd.s32 $0xFFFFF600  }
0x4a: {  	_ =	swait.ge [sflag:s25], $0xA00  }
0x4b: {  	[sflag:s25] =	ssyncset.done $0x0  }
0x4c: {  	[sflag:s25] =	ssyncadd.s32 $0xFFFFF600  }
0x4d: {  	_ =	swait.ge [sflag:s25], $0xA00  }
0x4e: {  	[sflag:s25] =	ssyncset.done $0x0  }
0x4f: {  	[sflag:s25] =	ssyncadd.s32 $0xFFFFF600  }
0x50: {  	_ =	swait.ge [sflag:s25], $0xA00  }
0x51: {  	[sflag:s25] =	ssyncset.done $0x0  }
0x52: {  	[sflag:s25] =	ssyncadd.s32 $0xFFFFF600  }
0x53: {  	[spmem:s1] =	stream.indirect.scatter.add.f32 [tilespmem:s16], [sflag:$0x2], $0x20, s14, s15, $0xb8;
	[tilespmem:$0x1DB00] =	vst v63  }
0x54: {  	_ = 	snop  }
0x55: {  	[spmem:s1] =	stream.indirect.scatter.add.f32 [tilespmem:s18], [sflag:$0x2], $0x20, s26, s15, $0xb8;
	[tilespmem:$0x1DB00] =	vst v63  }
0x56: {  	_ = 	snop  }
0x57: {  	[spmem:s1] =	stream.indirect.scatter.add.f32 [tilespmem:s20], [sflag:$0x2], $0x20, s28, s15, $0xb8;
	[tilespmem:$0x1DB00] =	vst v63  }
0x58: {  	_ = 	snop  }
0x59: {  	[spmem:s1] =	stream.indirect.scatter.add.f32 [tilespmem:s22], [sflag:$0x2], $0x20, s29, s15, $0xb8;
	[tilespmem:$0x1DB00] =	vst v63  }
0x5a: {  	_ = 	snop  }
0x5b: {  	[spmem:s1] =	stream.indirect.scatter.add.f32 [tilespmem:s24], [sflag:$0x2], $0x20, s30, s15, $0xb8;
	[tilespmem:$0x1DB00] =	vst v63  }
0x5c: {  	_ =	swait.ge [sflag:s31], $0xA00  }
0x5d: {  	[sflag:s31] =	ssyncset.done $0x0  }
0x5e: {  	[sflag:s31] =	ssyncadd.s32 $0xFFFFF600  }
0x5f: {  	_ =	swait.ge [sflag:s31], $0xA00  }
0x60: {  	[sflag:s31] =	ssyncset.done $0x0  }
0x61: {  	[sflag:s31] =	ssyncadd.s32 $0xFFFFF600  }
0x62: {  	_ =	swait.ge [sflag:s31], $0xA00  }
0x63: {  	[sflag:s31] =	ssyncset.done $0x0  }
0x64: {  	s17 =	sadd.s32 $0x1, s17;
	[sflag:s31] =	ssyncadd.s32 $0xFFFFF600  }
0x65: {  	p0 =	sne.s32 s17, $0x7D;
	_ =	swait.ge [sflag:s31], $0xA00  }
.Ltmp3:
0x66: {  	[sflag:s31] =	ssyncset.done $0x0;
	(pc) =	sbr.rel @p0 .LBB2_6-.Ltmp3, $4  }
0x67: {  	[sflag:s31] =	ssyncadd.s32 $0xFFFFF600  }
0x68: {  	_ =	swait.ge [sflag:s31], $0xA00  }
0x69: {  	[sflag:s31] =	ssyncset.done $0x0  }
0x6a: {  	[sflag:s31] =	ssyncadd.s32 $0xFFFFF600  }
0x6b: {  	[bflag:$0x0] =	sbarrier.arrive $0xFFFF  }
0x6c: {  	[tilespmem:s0], [sflag:$0x3] =	stream.linear.gather [spmem:s9], $0xFA0, $0x38;
	[tilespmem:$0x1DB00] =	vst v63  }
0x6d: {  	_ =	swait.ge [sflag:s12], $0xFA0  }
0x6e: {  	[sflag:s12] =	ssyncset.done $0x0  }
0x6f: {  	s2 =	sadd.s32 $0x0, s10;
	[sflag:s12] =	ssyncadd.s32 $0xFFFFF060  }
0x70: {  	[hbm4b:s2+s3] =	stream.strided.scatter [tilespmem:s0], [sflag:$0x3], $0xFA0, s8, s3, $0x38;
	[tilespmem:$0x1DB00] =	vst v63  }
0x71: {  	_ =	swait.ge [sflag:s12], $0xFA0  }
0x72: {  	s17 =	smov.u32 s9;
	s2 =	simm.s32 $0x7D0;
	[sflag:s12] =	ssyncset.done $0x0  }
.LBB2_10:
0x73: {  	p0 =	sne.s32 s2, $0xBB80;
	[sflag:s12] =	ssyncadd.s32 $0xFFFFF060;
	s17 =	sadd.s32 $0xFA0, s17  }
0x74: {  	[tilespmem:s0], [sflag:$0x3] =	stream.linear.gather [spmem:s17], $0xFA0, $0x38;
	[tilespmem:$0x1DB00] =	vst v63  }
0x75: {  	s19 =	smov.u32 s2;
	s2 =	sadd.s32 $0x7D0, s2;
	_ =	swait.ge [sflag:s12], $0xFA0  }
.Ltmp4:
0x76: {  	[sflag:s12] =	ssyncset.done $0x0;
	(pc) =	sbr.rel @p0 .LBB2_10-.Ltmp4, $4  }
0x77: {  	s19 =	sadd.s32 s19, s10;
	[sflag:s12] =	ssyncadd.s32 $0xFFFFF060  }
0x78: {  	[hbm4b:s19+s3] =	stream.strided.scatter [tilespmem:s0], [sflag:$0x3], $0xFA0, s8, s3, $0x38;
	[tilespmem:$0x1DB00] =	vst v63  }
0x79: {  	_ =	swait.ge [sflag:s12], $0xFA0  }
0x7a: {  	[sflag:s12] =	ssyncset.done $0x0  }
0x7b: {  	[sflag:s12] =	ssyncadd.s32 $0xFFFFF060  }
0x7c: {  	s2 =	sadd.s32 $0x0, s9;
	[bflag:$0x0] =	sbarrier.arrive $0xFFFF  }
0x7d: {  	[spmem:s2] =	stream.linear.scatter [tilespmem:s11], [sflag:$0x3], $0xFA0, $0x38;
	[tilespmem:$0x1DB00] =	vst v63  }
0x7e: {  	s2 =	simm.s32 $0x3E80;
	_ =	swait.ge [sflag:s12], $0xFA0  }
.LBB2_12:
0x7f: {  	s17 =	sshra.s32 s2, $0x2;
	[sflag:s12] =	ssyncset.done $0x0;
	p0 =	sne.s32 s2, $0x5DC00  }
.Ltmp5:
0x80: {  	s17 =	sadd.s32 s17, s9;
	[sflag:s12] =	ssyncadd.s32 $0xFFFFF060;
	(pc) =	sbr.rel @p0 .LBB2_12-.Ltmp5, $3  }
0x81: {  	[spmem:s17] =	stream.linear.scatter [tilespmem:s11], [sflag:$0x3], $0xFA0, $0x38;
	[tilespmem:$0x1DB00] =	vst v63  }
0x82: {  	s2 =	sadd.s32 $0x3E80, s2;
	_ =	sdelay $0x1  }
0x83: {  	_ =	swait.ge [sflag:s12], $0xFA0  }
0x84: {  	[sflag:s12] =	ssyncset.done $0x0  }
0x85: {  	[sflag:s12] =	ssyncadd.s32 $0xFFFFF060  }
0x86: {  	s2 =	simm.s32 $0x0;
	s17 =	simm.s32 $0x0;
	[bflag:$0x0] =	sbarrier.arrive $0xFFFF  }
.LBB2_14:
0x87: {  	s19 =	smul.u32 $0x190, s17;
	_ =	sdelay $0x1  }
0x88: {  	s19 =	sadd.s32 s6, s19  }
0x89: {  	s21 =	sshrl.u32 s19, $0x3  }
0x8a: {  	s19 =	smulhi.u32 $0xCCCCCCCD, s19;
	s21 =	sadd.s32 s5, s21  }
0x8b: {  	[tilespmem:s13], [sflag:$0x3] =	stream.linear.gather [hbm4b:s21+s2], $0x190, $0x38;
	[tilespmem:$0x1DB00] =	vst v63  }
0x8c: {  	s19 =	sshrl.u32 s19, $0x6  }
0x8d: {  	s19 =	smul.u32 $0x50, s19  }
0x8e: {  	_ =	swait.ge [sflag:s12], $0x190  }
0x8f: {  	[sflag:s12] =	ssyncset.done $0x0;
	s19 =	sshrl.u32 s19, $0x3  }
0x90: {  	[sflag:s12] =	ssyncadd.s32 $0xFFFFFE70;
	s19 =	sadd.s32 s7, s19  }
0x91: {  	[tilespmem:s14], [sflag:$0x3] =	stream.linear.gather [hbm4b:s19+s2], $0x190, $0x38;
	[tilespmem:$0x1DB00] =	vst v63  }
0x92: {  	_ =	swait.ge [sflag:s12], $0x190  }
0x93: {  	[sflag:s12] =	ssyncset.done $0x0  }
0x94: {  	s21 =	simm.s32 $0x40;
	s19 =	simm.s32 $0x0;
	[sflag:s12] =	ssyncadd.s32 $0xFFFFFE70  }
.LBB2_15:
0x95: {  	p0 =	sne.s32 s21, $0x600;
	v3 =	vld [tilespmem:s19+$0x186A0];
	_ =	sdelay $0x2  }
.Ltmp6:
0x96: {  	(pc) =	sbr.rel @p0 .LBB2_15-.Ltmp6, $4  }
0x97: {  	_ = 	snop  }
0x98: {  	v3 =	vshll.u32 v3, $0x2  }
0x99: {  	v3 =	vor.u32 v1, v3  }
0x9a: {  	[tilespmem:s19+$0x186A0] =	vst v3;
	s19 =	sshra.s32 s21, $0x2;
	s21 =	sadd.s32 $0x40, s21  }
0x9b: {  	v3 =	vld [tilespmem:s19+$0x186A0];
	_ =	sdelay $0x4  }
0x9c: {  	v3 =	vshll.u32 v3, $0x2  }
0x9d: {  	v3 =	vor.u32 v1, v3  }
0x9e: {  	[tilespmem:s19+$0x186A0] =	vst v3  }
0x9f: {  	[tilespmem:s16], [sflag:$0x1] =	stream.indirect.gather [hbm4b:s4+s15], $0x20, s13, s15, $0xb8;
	[tilespmem:$0x1DB00] =	vst v63  }
0xa0: {  	s21 =	simm.s32 $0x186F0  }
0xa1: {  	[tilespmem:s18], [sflag:$0x1] =	stream.indirect.gather [hbm4b:s4+s15], $0x20, s21, s15, $0xb8;
	[tilespmem:$0x1DB00] =	vst v63  }
0xa2: {  	s21 =	simm.s32 $0x18740  }
0xa3: {  	[tilespmem:s20], [sflag:$0x1] =	stream.indirect.gather [hbm4b:s4+s15], $0x20, s21, s15, $0xb8;
	[tilespmem:$0x1DB00] =	vst v63  }
0xa4: {  	s21 =	simm.s32 $0x18790  }
0xa5: {  	[tilespmem:s22], [sflag:$0x1] =	stream.indirect.gather [hbm4b:s4+s15], $0x20, s21, s15, $0xb8;
	[tilespmem:$0x1DB00] =	vst v63  }
0xa6: {  	_ = 	snop  }
0xa7: {  	[tilespmem:s24], [sflag:$0x1] =	stream.indirect.gather [hbm4b:s4+s15], $0x20, s23, s15, $0xb8;
	[tilespmem:$0x1DB00] =	vst v63  }
0xa8: {  	_ =	swait.ge [sflag:s25], $0xA00  }
0xa9: {  	[sflag:s25] =	ssyncset.done $0x0  }
0xaa: {  	[sflag:s25] =	ssyncadd.s32 $0xFFFFF600  }
0xab: {  	_ =	swait.ge [sflag:s25], $0xA00  }
0xac: {  	[sflag:s25] =	ssyncset.done $0x0  }
0xad: {  	[sflag:s25] =	ssyncadd.s32 $0xFFFFF600  }
0xae: {  	_ =	swait.ge [sflag:s25], $0xA00  }
0xaf: {  	[sflag:s25] =	ssyncset.done $0x0  }
0xb0: {  	[sflag:s25] =	ssyncadd.s32 $0xFFFFF600  }
0xb1: {  	_ =	swait.ge [sflag:s25], $0xA00  }
0xb2: {  	[sflag:s25] =	ssyncset.done $0x0  }
0xb3: {  	[sflag:s25] =	ssyncadd.s32 $0xFFFFF600  }
0xb4: {  	_ =	swait.ge [sflag:s25], $0xA00  }
0xb5: {  	[sflag:s25] =	ssyncset.done $0x0  }
0xb6: {  	[sflag:s25] =	ssyncadd.s32 $0xFFFFF600  }
0xb7: {  	[spmem:s1] =	stream.indirect.scatter.add.f32 [tilespmem:s16], [sflag:$0x2], $0x20, s14, s15, $0xb8;
	[tilespmem:$0x1DB00] =	vst v63  }
0xb8: {  	_ = 	snop  }
0xb9: {  	[spmem:s1] =	stream.indirect.scatter.add.f32 [tilespmem:s18], [sflag:$0x2], $0x20, s26, s15, $0xb8;
	[tilespmem:$0x1DB00] =	vst v63  }
0xba: {  	_ = 	snop  }
0xbb: {  	[spmem:s1] =	stream.indirect.scatter.add.f32 [tilespmem:s20], [sflag:$0x2], $0x20, s28, s15, $0xb8;
	[tilespmem:$0x1DB00] =	vst v63  }
0xbc: {  	_ = 	snop  }
0xbd: {  	[spmem:s1] =	stream.indirect.scatter.add.f32 [tilespmem:s22], [sflag:$0x2], $0x20, s29, s15, $0xb8;
	[tilespmem:$0x1DB00] =	vst v63  }
0xbe: {  	_ = 	snop  }
0xbf: {  	[spmem:s1] =	stream.indirect.scatter.add.f32 [tilespmem:s24], [sflag:$0x2], $0x20, s30, s15, $0xb8;
	[tilespmem:$0x1DB00] =	vst v63  }
0xc0: {  	_ =	swait.ge [sflag:s31], $0xA00  }
0xc1: {  	[sflag:s31] =	ssyncset.done $0x0  }
0xc2: {  	[sflag:s31] =	ssyncadd.s32 $0xFFFFF600  }
0xc3: {  	_ =	swait.ge [sflag:s31], $0xA00  }
0xc4: {  	[sflag:s31] =	ssyncset.done $0x0  }
0xc5: {  	[sflag:s31] =	ssyncadd.s32 $0xFFFFF600  }
0xc6: {  	_ =	swait.ge [sflag:s31], $0xA00  }
0xc7: {  	[sflag:s31] =	ssyncset.done $0x0  }
0xc8: {  	s17 =	sadd.s32 $0x1, s17;
	[sflag:s31] =	ssyncadd.s32 $0xFFFFF600  }
0xc9: {  	p0 =	sne.s32 s17, $0x7D;
	_ =	swait.ge [sflag:s31], $0xA00  }
.Ltmp7:
0xca: {  	[sflag:s31] =	ssyncset.done $0x0;
	(pc) =	sbr.rel @p0 .LBB2_14-.Ltmp7, $4  }
0xcb: {  	[sflag:s31] =	ssyncadd.s32 $0xFFFFF600  }
0xcc: {  	_ =	swait.ge [sflag:s31], $0xA00  }
0xcd: {  	[sflag:s31] =	ssyncset.done $0x0  }
0xce: {  	[sflag:s31] =	ssyncadd.s32 $0xFFFFF600  }
0xcf: {  	[bflag:$0x0] =	sbarrier.arrive $0xFFFF  }
0xd0: {  	[tilespmem:s0], [sflag:$0x3] =	stream.linear.gather [spmem:s9], $0xFA0, $0x38;
	[tilespmem:$0x1DB00] =	vst v63  }
0xd1: {  	_ =	swait.ge [sflag:s12], $0xFA0  }
0xd2: {  	[sflag:s12] =	ssyncset.done $0x0  }
0xd3: {  	s2 =	sadd.s32 $0x4, s10;
	[sflag:s12] =	ssyncadd.s32 $0xFFFFF060  }
0xd4: {  	[hbm4b:s2+s3] =	stream.strided.scatter [tilespmem:s0], [sflag:$0x3], $0xFA0, s8, s3, $0x38;
	[tilespmem:$0x1DB00] =	vst v63  }
0xd5: {  	_ =	swait.ge [sflag:s12], $0xFA0  }
0xd6: {  	s17 =	smov.u32 s9;
	s2 =	simm.s32 $0x7D4;
	[sflag:s12] =	ssyncset.done $0x0  }
.LBB2_18:
0xd7: {  	p0 =	sne.s32 s2, $0xBB84;
	[sflag:s12] =	ssyncadd.s32 $0xFFFFF060;
	s17 =	sadd.s32 $0xFA0, s17  }
0xd8: {  	[tilespmem:s0], [sflag:$0x3] =	stream.linear.gather [spmem:s17], $0xFA0, $0x38;
	[tilespmem:$0x1DB00] =	vst v63  }
0xd9: {  	s19 =	smov.u32 s2;
	s2 =	sadd.s32 $0x7D0, s2;
	_ =	swait.ge [sflag:s12], $0xFA0  }
.Ltmp8:
0xda: {  	[sflag:s12] =	ssyncset.done $0x0;
	(pc) =	sbr.rel @p0 .LBB2_18-.Ltmp8, $4  }
0xdb: {  	s19 =	sadd.s32 s19, s10;
	[sflag:s12] =	ssyncadd.s32 $0xFFFFF060  }
0xdc: {  	[hbm4b:s19+s3] =	stream.strided.scatter [tilespmem:s0], [sflag:$0x3], $0xFA0, s8, s3, $0x38;
	[tilespmem:$0x1DB00] =	vst v63  }
0xdd: {  	_ =	swait.ge [sflag:s12], $0xFA0  }
0xde: {  	[sflag:s12] =	ssyncset.done $0x0  }
0xdf: {  	s17 =	rddreg [dreg:$0x3]  }
0xe0: {  	s2 =	rddreg [dreg:$0x4];
	s17 =	sadd.s32 $0x1, s17  }
0xe1: {  	p0 =	sne.s32 s17, s2  }
.Ltmp9:
0xe2: {  	_ = 	snop;
	(pc) =	sbr.rel @p0 .LBB2_1-.Ltmp9, $3  }
0xe3: {  	_ = 	snop  }
0xe4: {  	[sflag:s12] =	ssyncadd.s32 $0xFFFFF060  }
0xe5: {  	[bflag:$0x0] =	sbarrier.arrive $0xFFFF;
	_ =	sdelay $0x1  }
0xe6: {  	_ =	sfence.sel $0x180000  }
0xe7: {  	[bflag:$0x0] =	sbarrier.arrive $0xFFFF  }
0xe8: {  	_ =	strace $0x90000047  }
0xe9: {  	s0 =	stileid.u32;
	[bflag:$0x2] =	sbarrier.arrive $0xFFFF  }
0xea: {  	p0 =	sne.s32 s0, $0x0;
	s0 =	rddreg [dreg:$0x2]  }
0xeb: {  	s0 =	sadd.s32 @!p0 $0x100000, s0  }
0xec: {  	[sflag:s0] =	ssyncadd.tile.s32 @!p0 $0x1;
	_ =	shalt  }
.Lfunc_end2:
_tile_overlayer_lowered:
.L_overlay_start_2:
0xed: {  	(tag) =	ssettag $0x2  }
0xee: {  	s0 =	rddreg [dreg:$0x0];
	s2 =	stileid.u32  }
0xef: {  	s1 =	rddreg [dreg:$0x1];
	p0 =	sne.s32 s2, $0x0  }
0xf0: {  	s3 =	rddreg [dreg:$0x2];
	[bflag:$0x3] =	sbarrier.arrive $0xFFFF;
	s2 =	simm.s32 @!p0 $0x1C03  }
0xf1: {  	[timem:s3], [sflag:s2] =	dma.local @!p0 [hbm:s0], s1  }
0xf2: {  	s0 =	simm.s32 @!p0 $0x3  }
0xf3: {  	_ =	swait.ge @!p0 [sflag:s0], s1  }
0xf4: {  	s1 =	ssub.s32 @!p0 $0x0, s1;
	[sflag:s0] =	ssyncset.done @!p0 $0x0  }
0xf5: {  	[sflag:s0] =	ssyncadd.s32 @!p0 s1  }
0xf6: {  	[bflag:$0x3] =	sbarrier.arrive $0xFFFF  }
0xf7: {  	_ =	shalt  }

</sc_bundles>
